<compile_context>
chip_gen: v7x
topology: tpu7x:2x2x1
jax: 0.10.2.dev20260603
libtpu: 0.0.44.dev20260713+nightly
codegen_flags: <defaults>
</compile_context>

<pallas_src>
import jax
import jax.numpy as jnp
from jax import lax
from jax.experimental import pallas as pl
from jax.experimental.pallas import tpu as pltpu
from jax.experimental.pallas import tpu_sc as plsc

NC = 2
NS = 16
NW = NC * NS
LANES = 16

N = 100000
E = 3200000
NPAD = 100096
SLICE = NPAD // NS
EPW = E // NW
BLK = 12544
NBLK = 8
TAIL = EPW - (NBLK - 1) * BLK
JUNK = TAIL


def _mesh():
    return plsc.VectorSubcoreMesh(
        core_axis_name="c", subcore_axis_name="s",
        num_cores=NC, num_subcores=NS)


def _zero_vmem(buf, n):
    def body(i, carry):
        buf[pl.ds(i * LANES, LANES)] = jnp.zeros((LANES,), jnp.float32)
        return carry
    lax.fori_loop(0, n // LANES, body, 0)


def _fill_i32(buf, start, n, value):
    def body(i, carry):
        buf[pl.ds(start + i * LANES, LANES)] = jnp.full(
            (LANES,), value, jnp.int32)
        return carry
    lax.fori_loop(0, n // LANES, body, 0)


def _fill_f32(buf, n, value):
    def body(i, carry):
        buf[pl.ds(i * LANES, LANES)] = jnp.full((LANES,), value, jnp.float32)
        return carry
    lax.fori_loop(0, n // LANES, body, 0)


def _rsqrt16(v):
    i = plsc.bitcast(v, jnp.int32)
    i = jnp.full((LANES,), 0x5F3759DF, jnp.int32) - lax.shift_right_arithmetic(
        i, jnp.full((LANES,), 1, jnp.int32))
    y = plsc.bitcast(i, jnp.float32)
    for _ in range(3):
        y = y * (1.5 - 0.5 * v * y * y)
    return y


def _start_load(eflat_hbm, base, b, buf, sem):
    if b == 0:
        d = pltpu.make_async_copy(
            eflat_hbm.at[pl.ds(base, TAIL)], buf.at[pl.ds(0, TAIL)], sem)
    else:
        d = pltpu.make_async_copy(
            eflat_hbm.at[pl.ds(base + TAIL + (b - 1) * BLK, BLK)], buf, sem)
    d.start()
    return d


def _deg_body(eflat_hbm, out_hbm, idx0, idx1, ones_v, zbuf_v, acc_sh,
              ls0, ls1, ss0, ss1):
    c = lax.axis_index("c")
    s = lax.axis_index("s")
    wid = s * NC + c
    sl = pl.ds(s * SLICE, SLICE)
    base_d = E + wid * EPW
    idx = [idx0, idx1]
    lsem = [ls0, ls1]
    ssem = [ss0, ss1]
    loads = [None, None]
    pend = [None, None]
    _fill_i32(idx0, JUNK, BLK - JUNK, N)
    loads[0] = _start_load(eflat_hbm, base_d, 0, idx[0], lsem[0])
    loads[1] = _start_load(eflat_hbm, base_d, 1, idx[1], lsem[1])
    _zero_vmem(zbuf_v, SLICE)
    _fill_f32(ones_v, BLK, 1.0)
    pltpu.sync_copy(zbuf_v, acc_sh.at[sl])
    plsc.subcore_barrier()
    for b in range(NBLK):
        k = b & 1
        nk = 1 - k
        loads[k].wait()
        if 1 <= b and b + 1 < NBLK:
            if pend[nk] is not None:
                pend[nk].wait()
                pend[nk] = None
            loads[nk] = _start_load(eflat_hbm, base_d, b + 1, idx[nk],
                                    lsem[nk])
        sc = pltpu.make_async_copy(ones_v, acc_sh.at[idx[k]], ssem[k])
        sc.start(add=True)
        pend[k] = sc
    for k in (0, 1):
        if pend[k] is not None:
            pend[k].wait()

    plsc.subcore_barrier()
    pltpu.sync_copy(acc_sh.at[sl], zbuf_v)
    pltpu.sync_copy(zbuf_v, out_hbm.at[pl.ds(c * NPAD + s * SLICE, SLICE)])


_deg_call = pl.kernel(
    _deg_body,
    out_type=jax.ShapeDtypeStruct((NC * NPAD,), jnp.float32),
    mesh=_mesh(),
    scratch_types=[
        pltpu.VMEM((BLK,), jnp.int32),
        pltpu.VMEM((BLK,), jnp.int32),
        pltpu.VMEM((BLK,), jnp.float32),
        pltpu.VMEM((SLICE,), jnp.float32),
        pltpu.VMEM_SHARED((NPAD,), jnp.float32),
        pltpu.SemaphoreType.DMA,
        pltpu.SemaphoreType.DMA,
        pltpu.SemaphoreType.DMA,
        pltpu.SemaphoreType.DMA,
    ],
)


def _s1_body(eflat_hbm, degp_hbm, x_hbm, s1p_hbm, dinv_hbm, u_hbm,
             sidx0, sidx1, didx0, didx1, vals0, vals1, d0b, d1b, xb,
             utab_sh, acc_sh, ls0, ls1, gs0, gs1, ss0, ss1):
    c = lax.axis_index("c")
    s = lax.axis_index("s")
    wid = s * NC + c
    sl = pl.ds(s * SLICE, SLICE)

    base_s = wid * EPW
    base_d = E + wid * EPW
    sidx = [sidx0, sidx1]
    didx = [didx0, didx1]
    vals = [vals0, vals1]
    lsem = [ls0, ls1]
    gsem = [gs0, gs1]
    ssem = [ss0, ss1]
    _fill_i32(sidx0, JUNK, BLK - JUNK, N)
    _fill_i32(didx0, JUNK, BLK - JUNK, N)
    loads = [None, None]
    pend = [None, None]
    loads[0] = (_start_load(eflat_hbm, base_s, 0, sidx[0], lsem[0]),
                _start_load(eflat_hbm, base_d, 0, didx[0], lsem[0]))
    loads[1] = (_start_load(eflat_hbm, base_s, 1, sidx[1], lsem[1]),
                _start_load(eflat_hbm, base_d, 1, didx[1], lsem[1]))

    pltpu.sync_copy(degp_hbm.at[sl], d0b)
    pltpu.sync_copy(degp_hbm.at[pl.ds(NPAD + s * SLICE, SLICE)], d1b)
    pltpu.sync_copy(x_hbm.at[sl], xb)

    def node_body(i, carry):
        s16 = pl.ds(i * LANES, LANES)
        dg = d0b[s16] + d1b[s16] + 1.0
        dv = _rsqrt16(dg)
        d0b[s16] = dv
        xb[s16] = xb[s16] * dv
        d1b[s16] = jnp.zeros((LANES,), jnp.float32)
        return carry
    lax.fori_loop(0, SLICE // LANES, node_body, 0)

    pltpu.sync_copy(xb, utab_sh.at[sl])
    pltpu.sync_copy(d1b, acc_sh.at[sl])

    @pl.when(c == 0)
    def _():
        pltpu.sync_copy(d0b, dinv_hbm.at[sl])
        pltpu.sync_copy(xb, u_hbm.at[sl])

    plsc.subcore_barrier()

    for b in range(NBLK):
        k = b & 1
        nk = 1 - k
        for d in loads[k]:
            d.wait()
        g = pltpu.make_async_copy(utab_sh.at[sidx[k]], vals[k], gsem[k])
        g.start()
        g.wait()
        if 1 <= b and b + 1 < NBLK:
            if pend[nk] is not None:
                pend[nk].wait()
                pend[nk] = None
            loads[nk] = (_start_load(eflat_hbm, base_s, b + 1, sidx[nk],
                                     lsem[nk]),
                         _start_load(eflat_hbm, base_d, b + 1, didx[nk],
                                     lsem[nk]))
        sc = pltpu.make_async_copy(vals[k], acc_sh.at[didx[k]], ssem[k])
        sc.start(add=True)
        pend[k] = sc
    for k in (0, 1):
        if pend[k] is not None:
            pend[k].wait()

    plsc.subcore_barrier()
    pltpu.sync_copy(acc_sh.at[sl], d1b)
    pltpu.sync_copy(d1b, s1p_hbm.at[pl.ds(c * NPAD + s * SLICE, SLICE)])


_s1_call = pl.kernel(
    _s1_body,
    out_type=(jax.ShapeDtypeStruct((NC * NPAD,), jnp.float32),
              jax.ShapeDtypeStruct((NPAD,), jnp.float32),
              jax.ShapeDtypeStruct((NPAD,), jnp.float32)),
    mesh=_mesh(),
    compiler_params=pltpu.CompilerParams(needs_layout_passes=False),
    scratch_types=[
        pltpu.VMEM((BLK,), jnp.int32),
        pltpu.VMEM((BLK,), jnp.int32),
        pltpu.VMEM((BLK,), jnp.int32),
        pltpu.VMEM((BLK,), jnp.int32),
        pltpu.VMEM((BLK,), jnp.float32),
        pltpu.VMEM((BLK,), jnp.float32),
        pltpu.VMEM((SLICE,), jnp.float32),
        pltpu.VMEM((SLICE,), jnp.float32),
        pltpu.VMEM((SLICE,), jnp.float32),
        pltpu.VMEM_SHARED((NPAD,), jnp.float32),
        pltpu.VMEM_SHARED((NPAD,), jnp.float32),
        pltpu.SemaphoreType.DMA,
        pltpu.SemaphoreType.DMA,
        pltpu.SemaphoreType.DMA,
        pltpu.SemaphoreType.DMA,
        pltpu.SemaphoreType.DMA,
        pltpu.SemaphoreType.DMA,
    ],
)


def _s2_body(eflat_hbm, s1p_hbm, dinv_hbm, u_hbm, cf_hbm,
             s2p_hbm, v0_hbm, v1_hbm,
             sidx0, sidx1, didx0, didx1, vals0, vals1, p0b, p1b, dvb, ub, cfb,
             v0tab_sh, v1tab_sh, acc0_sh, acc1_sh,
             ls0, ls1, gs0, ss0, ss1):
    c = lax.axis_index("c")
    s = lax.axis_index("s")
    wid = s * NC + c
    sl = pl.ds(s * SLICE, SLICE)

    base_s = wid * EPW
    base_d = E + wid * EPW
    sidx = [sidx0, sidx1]
    didx = [didx0, didx1]
    lsem = [ls0, ls1]
    _fill_i32(sidx0, JUNK, BLK - JUNK, N)
    _fill_i32(didx0, JUNK, BLK - JUNK, N)
    loads = [None, None]
    pend0 = None
    pend1 = None
    loads[0] = (_start_load(eflat_hbm, base_s, 0, sidx[0], lsem[0]),
                _start_load(eflat_hbm, base_d, 0, didx[0], lsem[0]))
    loads[1] = (_start_load(eflat_hbm, base_s, 1, sidx[1], lsem[1]),
                _start_load(eflat_hbm, base_d, 1, didx[1], lsem[1]))

    pltpu.sync_copy(s1p_hbm.at[sl], p0b)
    pltpu.sync_copy(s1p_hbm.at[pl.ds(NPAD + s * SLICE, SLICE)], p1b)
    pltpu.sync_copy(dinv_hbm.at[sl], dvb)
    pltpu.sync_copy(u_hbm.at[sl], ub)
    pltpu.sync_copy(cf_hbm, cfb)
    pp0 = cfb[pl.ds(0, LANES)]
    pp1 = cfb[pl.ds(LANES, LANES)]
    pn0 = cfb[pl.ds(2 * LANES, LANES)]
    pn1 = cfb[pl.ds(3 * LANES, LANES)]

    def node_body(i, carry):
        s16 = pl.ds(i * LANES, LANES)
        dv = dvb[s16]
        agg = dv * (p0b[s16] + p1b[s16] + ub[s16])
        hp = jnp.maximum(agg, 0.0)
        hn = jnp.minimum(agg, 0.0)
        p0b[s16] = (hp * pp0 + hn * pn0) * dv
        p1b[s16] = (hp * pp1 + hn * pn1) * dv
        ub[s16] = jnp.zeros((LANES,), jnp.float32)
        return carry
    lax.fori_loop(0, SLICE // LANES, node_body, 0)

    pltpu.sync_copy(p0b, v0tab_sh.at[sl])
    pltpu.sync_copy(p1b, v1tab_sh.at[sl])
    pltpu.sync_copy(ub, acc0_sh.at[sl])
    pltpu.sync_copy(ub, acc1_sh.at[sl])

    @pl.when(c == 0)
    def _():
        pltpu.sync_copy(p0b, v0_hbm.at[sl])
        pltpu.sync_copy(p1b, v1_hbm.at[sl])

    plsc.subcore_barrier()

    for b in range(NBLK):
        k = b & 1
        nk = 1 - k
        for d in loads[k]:
            d.wait()
        if pend0 is not None:
            pend0.wait()
        g0 = pltpu.make_async_copy(v0tab_sh.at[sidx[k]], vals0, gs0)
        g0.start()
        g0.wait()
        sc0 = pltpu.make_async_copy(vals0, acc0_sh.at[didx[k]], ss0)
        sc0.start(add=True)
        pend0 = sc0
        if pend1 is not None:
            pend1.wait()
        g1 = pltpu.make_async_copy(v1tab_sh.at[sidx[k]], vals1, gs0)
        g1.start()
        g1.wait()
        if 1 <= b and b + 1 < NBLK:
            loads[nk] = (_start_load(eflat_hbm, base_s, b + 1, sidx[nk],
                                     lsem[nk]),
                         _start_load(eflat_hbm, base_d, b + 1, didx[nk],
                                     lsem[nk]))
        sc1 = pltpu.make_async_copy(vals1, acc1_sh.at[didx[k]], ss1)
        sc1.start(add=True)
        pend1 = sc1
    pend0.wait()
    pend1.wait()

    plsc.subcore_barrier()
    pltpu.sync_copy(acc0_sh.at[sl], p0b)
    pltpu.sync_copy(p0b, s2p_hbm.at[pl.ds(c * NPAD + s * SLICE, SLICE)])
    pltpu.sync_copy(acc1_sh.at[sl], p1b)
    pltpu.sync_copy(
        p1b, s2p_hbm.at[pl.ds((NC + c) * NPAD + s * SLICE, SLICE)])


_s2_call = pl.kernel(
    _s2_body,
    out_type=(jax.ShapeDtypeStruct((2 * NC * NPAD,), jnp.float32),
              jax.ShapeDtypeStruct((NPAD,), jnp.float32),
              jax.ShapeDtypeStruct((NPAD,), jnp.float32)),
    mesh=_mesh(),
    compiler_params=pltpu.CompilerParams(needs_layout_passes=False),
    scratch_types=[
        pltpu.VMEM((BLK,), jnp.int32),
        pltpu.VMEM((BLK,), jnp.int32),
        pltpu.VMEM((BLK,), jnp.int32),
        pltpu.VMEM((BLK,), jnp.int32),
        pltpu.VMEM((BLK,), jnp.float32),
        pltpu.VMEM((BLK,), jnp.float32),
        pltpu.VMEM((SLICE,), jnp.float32),
        pltpu.VMEM((SLICE,), jnp.float32),
        pltpu.VMEM((SLICE,), jnp.float32),
        pltpu.VMEM((SLICE,), jnp.float32),
        pltpu.VMEM((4 * LANES,), jnp.float32),
        pltpu.VMEM_SHARED((NPAD,), jnp.float32),
        pltpu.VMEM_SHARED((NPAD,), jnp.float32),
        pltpu.VMEM_SHARED((NPAD,), jnp.float32),
        pltpu.VMEM_SHARED((NPAD,), jnp.float32),
        pltpu.SemaphoreType.DMA,
        pltpu.SemaphoreType.DMA,
        pltpu.SemaphoreType.DMA,
        pltpu.SemaphoreType.DMA,
        pltpu.SemaphoreType.DMA,
    ],
)


def kernel(x, edge_index, W1, b1, W2, b2):
    eflat = edge_index.reshape(-1)
    xpad = jnp.pad(x[:, 0], (0, NPAD - N))

    degp = _deg_call(eflat)
    s1p, dinv, u = _s1_call(eflat, degp, xpad)

    w1v = W1.reshape(-1)
    ppos = jnp.maximum(w1v, 0.0) @ W2
    pneg = jnp.minimum(w1v, 0.0) @ W2
    cf = jnp.concatenate([
        jnp.full((LANES,), ppos[0]), jnp.full((LANES,), ppos[1]),
        jnp.full((LANES,), pneg[0]), jnp.full((LANES,), pneg[1])])

    s2p, v0, v1 = _s2_call(eflat, s1p, dinv, u, cf)
    s2p = s2p.reshape(2, NC, NPAD)
    o0 = dinv * (s2p[0, 0] + s2p[0, 1] + v0) + b2[0]
    o1 = dinv * (s2p[1, 0] + s2p[1, 1] + v1) + b2[1]
    return jnp.stack([o0[:N], o1[:N]], axis=1)

# --- scband reference (transcript-rebuilt; emitter-appended) ---
"""Pipeline reference for scband-gcn-12867722019091 (READ-ONLY COPY).

The authoritative reference and input builder live on the scoring server;
editing this copy changes nothing except your own understanding.
"""

import jax, jax.numpy as jnp
import numpy as np

N = 100000
E = 3200000
IN_F = 1
HIDDEN = 16
OUT_F = 2

def setup_inputs(seed: int = 0) -> dict:
    key = jax.random.key(seed)
    k1, k2, k3, k4, k5, k6 = jax.random.split(key, 6)
    x = jax.random.normal(k1, (N, IN_F), dtype=jnp.float32)
    edge_index = jax.random.randint(k2, (2, E), 0, N, dtype=jnp.int32)
    # glorot-style init for GCNConv weights, zeros for biases (PyG default)
    W1 = jax.random.uniform(k3, (IN_F, HIDDEN), dtype=jnp.float32, minval=-1.0, maxval=1.0) * np.sqrt(6.0 / (IN_F + HIDDEN))
    b1 = jnp.zeros((HIDDEN,), dtype=jnp.float32)
    W2 = jax.random.uniform(k4, (HIDDEN, OUT_F), dtype=jnp.float32, minval=-1.0, maxval=1.0) * np.sqrt(6.0 / (HIDDEN + OUT_F))
    b2 = jnp.zeros((OUT_F,), dtype=jnp.float32)
    return {"x": x, "edge_index": edge_index, "W1": W1, "b1": b1, "W2": W2, "b2": b2}

def _gcn_conv(x, W, b, src, dst, n_nodes):
    # GCNConv: x' = D^{-1/2} (A + I) D^{-1/2} X W + b  (add_self_loops=True, normalize=True)
    h = x @ W
    loop = jnp.arange(n_nodes, dtype=src.dtype)
    s = jnp.concatenate([src, loop])
    d = jnp.concatenate([dst, loop])
    deg = jnp.zeros((n_nodes,), dtype=h.dtype).at[d].add(1.0)
    dinv = jax.lax.rsqrt(jnp.maximum(deg, 1.0))
    norm = dinv[s] * dinv[d]
    msg = h[s] * norm[:, None]
    out = jnp.zeros((n_nodes, h.shape[1]), dtype=h.dtype).at[d].add(msg)
    return out + b

def reference(x, edge_index, W1, b1, W2, b2):
    src = edge_index[0]
    dst = edge_index[1]
    h = _gcn_conv(x, W1, b1, src, dst, N)
    h = jax.nn.relu(h)
    out = _gcn_conv(h, W2, b2, src, dst, N)
    return out

if __name__ == "__main__":
    import jax
    _d = setup_inputs()
    print(jax.jit(kernel)(*tuple(_d.values())))

</pallas_src>

<mosaic_0001>
#map = affine_map<(d0, d1) -> (0)>
module attributes {stable_mosaic.version = 14 : i64} {
  func.func @_s1_body(%arg0: i32, %arg1: i32, %arg2: memref<6400000xi32, #tpu.memory_space<hbm>>, %arg3: memref<200192xf32, #tpu.memory_space<hbm>>, %arg4: memref<100096xf32, #tpu.memory_space<hbm>>, %arg5: memref<200192xf32, #tpu.memory_space<hbm>>, %arg6: memref<100096xf32, #tpu.memory_space<hbm>>, %arg7: memref<100096xf32, #tpu.memory_space<hbm>>, %arg8: memref<12544xi32, #tpu.memory_space<vmem>>, %arg9: memref<12544xi32, #tpu.memory_space<vmem>>, %arg10: memref<12544xi32, #tpu.memory_space<vmem>>, %arg11: memref<12544xi32, #tpu.memory_space<vmem>>, %arg12: memref<12544xf32, #tpu.memory_space<vmem>>, %arg13: memref<12544xf32, #tpu.memory_space<vmem>>, %arg14: memref<6256xf32, #tpu.memory_space<vmem>>, %arg15: memref<6256xf32, #tpu.memory_space<vmem>>, %arg16: memref<6256xf32, #tpu.memory_space<vmem>>, %arg17: memref<100096xf32, #tpu.memory_space<vmem_shared>>, %arg18: memref<100096xf32, #tpu.memory_space<vmem_shared>>, %arg19: memref<!tpu.dma_semaphore, #tpu.memory_space<semaphore_mem>>, %arg20: memref<!tpu.dma_semaphore, #tpu.memory_space<semaphore_mem>>, %arg21: memref<!tpu.dma_semaphore, #tpu.memory_space<semaphore_mem>>, %arg22: memref<!tpu.dma_semaphore, #tpu.memory_space<semaphore_mem>>, %arg23: memref<!tpu.dma_semaphore, #tpu.memory_space<semaphore_mem>>, %arg24: memref<!tpu.dma_semaphore, #tpu.memory_space<semaphore_mem>>) attributes {dimension_semantics = [#tpu.dimension_semantics<core_parallel>, #tpu.dimension_semantics<subcore_parallel>], iteration_bounds = array<i64: 2, 16>, scalar_prefetch = 0 : i64, scratch_operands = 17 : i64, tpu.core_type = #tpu.core_type<sc_vector_subcore>, window_params = [{transform_indices = #map}, {transform_indices = #map}, {transform_indices = #map}, {transform_indices = #map}, {transform_indices = #map}, {transform_indices = #map}]} {
    %mul3A = arith.constant 2 : i32
    %mul3A_0 = arith.muli %arg1, %mul3A : i32
    %add3A = arith.addi %mul3A_0, %arg0 : i32
    %mul3A_1 = arith.constant 6256 : i32
    %mul3A_2 = arith.muli %arg1, %mul3A_1 : i32
    %mul3A_3 = arith.constant 100000 : i32
    %mul3A_4 = arith.muli %add3A, %mul3A_3 : i32
    %mul3A_5 = arith.constant 100000 : i32
    %mul3A_6 = arith.muli %add3A, %mul3A_5 : i32
    %add3A_7 = arith.constant 3200000 : i32
    %add3A_8 = arith.addi %add3A_7, %mul3A_6 : i32
    %scan3A = arith.constant 0 : i32
    %scan3A_9 = arith.constant 0 : i32
    %scan3A_10 = arith.constant 22 : i32
    %scan3A_11 = arith.addi %scan3A_9, %scan3A_10 : i32
    %scan3A_12 = arith.constant 1 : i32
    scf.for %scan3A_236 = %scan3A_9 to %scan3A_11 step %scan3A_12  : i32 {
      %broadcast_in_dim3A = arith.constant 100000 : i32
      %broadcast_in_dim3A_237 = vector.broadcast %broadcast_in_dim3A : i32 to vector<16xi32>
      %mul3A_238 = arith.constant 16 : i32
      %mul3A_239 = arith.muli %scan3A_236, %mul3A_238 : i32
      %add3A_240 = arith.constant 12192 : i32
      %add3A_241 = arith.addi %add3A_240, %mul3A_239 : i32
      %swap3A = arith.index_cast %add3A_241 : i32 to index
      %swap3A_242 = tpu.vector_load %arg8[%swap3A] {strides = array<i32>} : memref<12544xi32, #tpu.memory_space<vmem>>, vector<16xi32>,
      %swap3A_243 = vector.shape_cast %swap3A_242 : vector<16xi32> to vector<16xi32>
      %swap3A_244 = vector.shape_cast %broadcast_in_dim3A_237 : vector<16xi32> to vector<16xi32>
      tpu.vector_store %arg8[%swap3A], %swap3A_244 {strides = array<i32>} : memref<12544xi32, #tpu.memory_space<vmem>>, vector<16xi32>,
    }
    %scan3A_13 = arith.constant 22 : i32
    %scan3A_14 = arith.constant 0 : i32
    %scan3A_15 = arith.constant 0 : i32
    %scan3A_16 = arith.constant 22 : i32
    %scan3A_17 = arith.addi %scan3A_15, %scan3A_16 : i32
    %scan3A_18 = arith.constant 1 : i32
    scf.for %scan3A_236 = %scan3A_15 to %scan3A_17 step %scan3A_18  : i32 {
      %broadcast_in_dim3A = arith.constant 100000 : i32
      %broadcast_in_dim3A_237 = vector.broadcast %broadcast_in_dim3A : i32 to vector<16xi32>
      %mul3A_238 = arith.constant 16 : i32
      %mul3A_239 = arith.muli %scan3A_236, %mul3A_238 : i32
      %add3A_240 = arith.constant 12192 : i32
      %add3A_241 = arith.addi %add3A_240, %mul3A_239 : i32
      %swap3A = arith.index_cast %add3A_241 : i32 to index
      %swap3A_242 = tpu.vector_load %arg10[%swap3A] {strides = array<i32>} : memref<12544xi32, #tpu.memory_space<vmem>>, vector<16xi32>,
      %swap3A_243 = vector.shape_cast %swap3A_242 : vector<16xi32> to vector<16xi32>
      %swap3A_244 = vector.shape_cast %broadcast_in_dim3A_237 : vector<16xi32> to vector<16xi32>
      tpu.vector_store %arg10[%swap3A], %swap3A_244 {strides = array<i32>} : memref<12544xi32, #tpu.memory_space<vmem>>, vector<16xi32>,
    }
    %scan3A_19 = arith.constant 22 : i32
    %dma_start3A = arith.constant 0 : i32
    %dma_start3A_20 = tpu.memref_slice %arg8[%dma_start3A] : memref<12544xi32, #tpu.memory_space<vmem>> -> memref<12192xi32, #tpu.memory_space<vmem>>
    %dma_start3A_21 = tpu.memref_slice %arg2[%mul3A_4] : memref<6400000xi32, #tpu.memory_space<hbm>> -> memref<12192xi32, #tpu.memory_space<hbm>>
    %dma_start3A_22 = arith.constant 0 : i32
    %dma_start3A_23 = tpu.memref_slice %arg8[%dma_start3A_22] : memref<12544xi32, #tpu.memory_space<vmem>> -> memref<12192xi32, #tpu.memory_space<vmem>>
    %dma_start3A_24 = tpu.memref_slice %arg2[%mul3A_4] : memref<6400000xi32, #tpu.memory_space<hbm>> -> memref<12192xi32, #tpu.memory_space<hbm>>
    tpu.enqueue_dma source(%dma_start3A_24 : memref<12192xi32, #tpu.memory_space<hbm>>) target(%dma_start3A_23 : memref<12192xi32, #tpu.memory_space<vmem>>) target_semaphore(%arg19 : memref<!tpu.dma_semaphore, #tpu.memory_space<semaphore_mem>>)
    %dma_start3A_25 = arith.constant 0 : i32
    %dma_start3A_26 = tpu.memref_slice %arg10[%dma_start3A_25] : memref<12544xi32, #tpu.memory_space<vmem>> -> memref<12192xi32, #tpu.memory_space<vmem>>
    %dma_start3A_27 = tpu.memref_slice %arg2[%add3A_8] : memref<6400000xi32, #tpu.memory_space<hbm>> -> memref<12192xi32, #tpu.memory_space<hbm>>
    %dma_start3A_28 = arith.constant 0 : i32
    %dma_start3A_29 = tpu.memref_slice %arg10[%dma_start3A_28] : memref<12544xi32, #tpu.memory_space<vmem>> -> memref<12192xi32, #tpu.memory_space<vmem>>
    %dma_start3A_30 = tpu.memref_slice %arg2[%add3A_8] : memref<6400000xi32, #tpu.memory_space<hbm>> -> memref<12192xi32, #tpu.memory_space<hbm>>
    tpu.enqueue_dma source(%dma_start3A_30 : memref<12192xi32, #tpu.memory_space<hbm>>) target(%dma_start3A_29 : memref<12192xi32, #tpu.memory_space<vmem>>) target_semaphore(%arg19 : memref<!tpu.dma_semaphore, #tpu.memory_space<semaphore_mem>>)
    %add3A_31 = arith.constant 12192 : i32
    %add3A_32 = arith.addi %mul3A_4, %add3A_31 : i32
    %add3A_33 = arith.constant 0 : i32
    %add3A_34 = arith.addi %add3A_32, %add3A_33 : i32
    %dma_start3A_35 = tpu.memref_slice %arg2[%add3A_34] : memref<6400000xi32, #tpu.memory_space<hbm>> -> memref<12544xi32, #tpu.memory_space<hbm>>
    %dma_start3A_36 = tpu.memref_slice %arg2[%add3A_34] : memref<6400000xi32, #tpu.memory_space<hbm>> -> memref<12544xi32, #tpu.memory_space<hbm>>
    tpu.enqueue_dma source(%dma_start3A_36 : memref<12544xi32, #tpu.memory_space<hbm>>) target(%arg9 : memref<12544xi32, #tpu.memory_space<vmem>>) target_semaphore(%arg20 : memref<!tpu.dma_semaphore, #tpu.memory_space<semaphore_mem>>)
    %add3A_37 = arith.constant 12192 : i32
    %add3A_38 = arith.addi %add3A_8, %add3A_37 : i32
    %add3A_39 = arith.constant 0 : i32
    %add3A_40 = arith.addi %add3A_38, %add3A_39 : i32
    %dma_start3A_41 = tpu.memref_slice %arg2[%add3A_40] : memref<6400000xi32, #tpu.memory_space<hbm>> -> memref<12544xi32, #tpu.memory_space<hbm>>
    %dma_start3A_42 = tpu.memref_slice %arg2[%add3A_40] : memref<6400000xi32, #tpu.memory_space<hbm>> -> memref<12544xi32, #tpu.memory_space<hbm>>
    tpu.enqueue_dma source(%dma_start3A_42 : memref<12544xi32, #tpu.memory_space<hbm>>) target(%arg11 : memref<12544xi32, #tpu.memory_space<vmem>>) target_semaphore(%arg20 : memref<!tpu.dma_semaphore, #tpu.memory_space<semaphore_mem>>)
    "tpu.region"() ({
      %run_scoped3A = tpu.sem_alloc : memref<!tpu.dma_semaphore, #tpu.memory_space<semaphore_mem>>
      %dma_start3A_236 = tpu.memref_slice %arg3[%mul3A_2] : memref<200192xf32, #tpu.memory_space<hbm>> -> memref<6256xf32, #tpu.memory_space<hbm>>
      %dma_start3A_237 = tpu.memref_slice %arg3[%mul3A_2] : memref<200192xf32, #tpu.memory_space<hbm>> -> memref<6256xf32, #tpu.memory_space<hbm>>
      tpu.enqueue_dma source(%dma_start3A_237 : memref<6256xf32, #tpu.memory_space<hbm>>) target(%arg14 : memref<6256xf32, #tpu.memory_space<vmem>>) target_semaphore(%run_scoped3A : memref<!tpu.dma_semaphore, #tpu.memory_space<semaphore_mem>>)
      %dma_wait3A_238 = tpu.memref_slice %arg3[%mul3A_2] : memref<200192xf32, #tpu.memory_space<hbm>> -> memref<6256xf32, #tpu.memory_space<hbm>>
      %dma_wait3A_239 = tpu.memref_slice %arg3[%mul3A_2] : memref<200192xf32, #tpu.memory_space<hbm>> -> memref<6256xf32, #tpu.memory_space<hbm>>
      tpu.wait_dma2 semaphore(%run_scoped3A : memref<!tpu.dma_semaphore, #tpu.memory_space<semaphore_mem>>) src(%dma_wait3A_239 : memref<6256xf32, #tpu.memory_space<hbm>>) dst(%arg14 : memref<6256xf32, #tpu.memory_space<vmem>>)
      tpu.yield
    }) : () -> ()
    %mul3A_43 = arith.constant 6256 : i32
    %mul3A_44 = arith.muli %arg1, %mul3A_43 : i32
    %add3A_45 = arith.constant 100096 : i32
    %add3A_46 = arith.addi %add3A_45, %mul3A_44 : i32
    "tpu.region"() ({
      %run_scoped3A = tpu.sem_alloc : memref<!tpu.dma_semaphore, #tpu.memory_space<semaphore_mem>>
      %dma_start3A_236 = tpu.memref_slice %arg3[%add3A_46] : memref<200192xf32, #tpu.memory_space<hbm>> -> memref<6256xf32, #tpu.memory_space<hbm>>
      %dma_start3A_237 = tpu.memref_slice %arg3[%add3A_46] : memref<200192xf32, #tpu.memory_space<hbm>> -> memref<6256xf32, #tpu.memory_space<hbm>>
      tpu.enqueue_dma source(%dma_start3A_237 : memref<6256xf32, #tpu.memory_space<hbm>>) target(%arg15 : memref<6256xf32, #tpu.memory_space<vmem>>) target_semaphore(%run_scoped3A : memref<!tpu.dma_semaphore, #tpu.memory_space<semaphore_mem>>)
      %dma_wait3A_238 = tpu.memref_slice %arg3[%add3A_46] : memref<200192xf32, #tpu.memory_space<hbm>> -> memref<6256xf32, #tpu.memory_space<hbm>>
      %dma_wait3A_239 = tpu.memref_slice %arg3[%add3A_46] : memref<200192xf32, #tpu.memory_space<hbm>> -> memref<6256xf32, #tpu.memory_space<hbm>>
      tpu.wait_dma2 semaphore(%run_scoped3A : memref<!tpu.dma_semaphore, #tpu.memory_space<semaphore_mem>>) src(%dma_wait3A_239 : memref<6256xf32, #tpu.memory_space<hbm>>) dst(%arg15 : memref<6256xf32, #tpu.memory_space<vmem>>)
      tpu.yield
    }) : () -> ()
    "tpu.region"() ({
      %run_scoped3A = tpu.sem_alloc : memref<!tpu.dma_semaphore, #tpu.memory_space<semaphore_mem>>
      %dma_start3A_236 = tpu.memref_slice %arg4[%mul3A_2] : memref<100096xf32, #tpu.memory_space<hbm>> -> memref<6256xf32, #tpu.memory_space<hbm>>
      %dma_start3A_237 = tpu.memref_slice %arg4[%mul3A_2] : memref<100096xf32, #tpu.memory_space<hbm>> -> memref<6256xf32, #tpu.memory_space<hbm>>
      tpu.enqueue_dma source(%dma_start3A_237 : memref<6256xf32, #tpu.memory_space<hbm>>) target(%arg16 : memref<6256xf32, #tpu.memory_space<vmem>>) target_semaphore(%run_scoped3A : memref<!tpu.dma_semaphore, #tpu.memory_space<semaphore_mem>>)
      %dma_wait3A_238 = tpu.memref_slice %arg4[%mul3A_2] : memref<100096xf32, #tpu.memory_space<hbm>> -> memref<6256xf32, #tpu.memory_space<hbm>>
      %dma_wait3A_239 = tpu.memref_slice %arg4[%mul3A_2] : memref<100096xf32, #tpu.memory_space<hbm>> -> memref<6256xf32, #tpu.memory_space<hbm>>
      tpu.wait_dma2 semaphore(%run_scoped3A : memref<!tpu.dma_semaphore, #tpu.memory_space<semaphore_mem>>) src(%dma_wait3A_239 : memref<6256xf32, #tpu.memory_space<hbm>>) dst(%arg16 : memref<6256xf32, #tpu.memory_space<vmem>>)
      tpu.yield
    }) : () -> ()
    %scan3A_47 = arith.constant 0 : i32
    %scan3A_48 = arith.constant 0 : i32
    %scan3A_49 = arith.constant 391 : i32
    %scan3A_50 = arith.addi %scan3A_48, %scan3A_49 : i32
    %scan3A_51 = arith.constant 1 : i32
    scf.for %scan3A_236 = %scan3A_48 to %scan3A_50 step %scan3A_51  : i32 {
      %mul3A_237 = arith.constant 16 : i32
      %mul3A_238 = arith.muli %scan3A_236, %mul3A_237 : i32
      %get3A = arith.index_cast %mul3A_238 : i32 to index
      %get3A_239 = tpu.vector_load %arg14[%get3A] {strides = array<i32>} : memref<6256xf32, #tpu.memory_space<vmem>>, vector<16xf32>,
      %get3A_240 = arith.index_cast %mul3A_238 : i32 to index
      %get3A_241 = tpu.vector_load %arg15[%get3A_240] {strides = array<i32>} : memref<6256xf32, #tpu.memory_space<vmem>>, vector<16xf32>,
      %add3A_242 = arith.addf %get3A_239, %get3A_241 : vector<16xf32>
      %add3A_243 = arith.constant 1.000000e+00 : f32
      %add3A_244 = vector.broadcast %add3A_243 : f32 to vector<16xf32>
      %add3A_245 = arith.addf %add3A_242, %add3A_244 : vector<16xf32>
      %bitcast3A = vector.bitcast %add3A_245 : vector<16xf32> to vector<16xi32>
      %broadcast_in_dim3A = arith.constant 1597463007 : i32
      %broadcast_in_dim3A_246 = vector.broadcast %broadcast_in_dim3A : i32 to vector<16xi32>
      %broadcast_in_dim3A_247 = arith.constant 1 : i32
      %broadcast_in_dim3A_248 = vector.broadcast %broadcast_in_dim3A_247 : i32 to vector<16xi32>
      %shift_right_arithmetic3A = arith.shrsi %bitcast3A, %broadcast_in_dim3A_248 : vector<16xi32>
      %sub3A = arith.subi %broadcast_in_dim3A_246, %shift_right_arithmetic3A : vector<16xi32>
      %bitcast3A_249 = vector.bitcast %sub3A : vector<16xi32> to vector<16xf32>
      %mul3A_250 = arith.constant 5.000000e-01 : f32
      %mul3A_251 = vector.broadcast %mul3A_250 : f32 to vector<16xf32>
      %mul3A_252 = arith.mulf %mul3A_251, %add3A_245 : vector<16xf32>
      %mul3A_253 = arith.mulf %mul3A_252, %bitcast3A_249 : vector<16xf32>
      %mul3A_254 = arith.mulf %mul3A_253, %bitcast3A_249 : vector<16xf32>
      %sub3A_255 = arith.constant 1.500000e+00 : f32
      %sub3A_256 = vector.broadcast %sub3A_255 : f32 to vector<16xf32>
      %sub3A_257 = arith.subf %sub3A_256, %mul3A_254 : vector<16xf32>
      %mul3A_258 = arith.mulf %bitcast3A_249, %sub3A_257 : vector<16xf32>
      %mul3A_259 = arith.constant 5.000000e-01 : f32
      %mul3A_260 = vector.broadcast %mul3A_259 : f32 to vector<16xf32>
      %mul3A_261 = arith.mulf %mul3A_260, %add3A_245 : vector<16xf32>
      %mul3A_262 = arith.mulf %mul3A_261, %mul3A_258 : vector<16xf32>
      %mul3A_263 = arith.mulf %mul3A_262, %mul3A_258 : vector<16xf32>
      %sub3A_264 = arith.constant 1.500000e+00 : f32
      %sub3A_265 = vector.broadcast %sub3A_264 : f32 to vector<16xf32>
      %sub3A_266 = arith.subf %sub3A_265, %mul3A_263 : vector<16xf32>
      %mul3A_267 = arith.mulf %mul3A_258, %sub3A_266 : vector<16xf32>
      %mul3A_268 = arith.constant 5.000000e-01 : f32
      %mul3A_269 = vector.broadcast %mul3A_268 : f32 to vector<16xf32>
      %mul3A_270 = arith.mulf %mul3A_269, %add3A_245 : vector<16xf32>
      %mul3A_271 = arith.mulf %mul3A_270, %mul3A_267 : vector<16xf32>
      %mul3A_272 = arith.mulf %mul3A_271, %mul3A_267 : vector<16xf32>
      %sub3A_273 = arith.constant 1.500000e+00 : f32
      %sub3A_274 = vector.broadcast %sub3A_273 : f32 to vector<16xf32>
      %sub3A_275 = arith.subf %sub3A_274, %mul3A_272 : vector<16xf32>
      %mul3A_276 = arith.mulf %mul3A_267, %sub3A_275 : vector<16xf32>
      %swap3A = arith.index_cast %mul3A_238 : i32 to index
      %swap3A_277 = tpu.vector_load %arg14[%swap3A] {strides = array<i32>} : memref<6256xf32, #tpu.memory_space<vmem>>, vector<16xf32>,
      %swap3A_278 = vector.shape_cast %swap3A_277 : vector<16xf32> to vector<16xf32>
      %swap3A_279 = vector.shape_cast %mul3A_276 : vector<16xf32> to vector<16xf32>
      tpu.vector_store %arg14[%swap3A], %swap3A_279 {strides = array<i32>} : memref<6256xf32, #tpu.memory_space<vmem>>, vector<16xf32>,
      %get3A_280 = arith.index_cast %mul3A_238 : i32 to index
      %get3A_281 = tpu.vector_load %arg16[%get3A_280] {strides = array<i32>} : memref<6256xf32, #tpu.memory_space<vmem>>, vector<16xf32>,
      %mul3A_282 = arith.mulf %get3A_281, %mul3A_276 : vector<16xf32>
      %swap3A_283 = arith.index_cast %mul3A_238 : i32 to index
      %swap3A_284 = tpu.vector_load %arg16[%swap3A_283] {strides = array<i32>} : memref<6256xf32, #tpu.memory_space<vmem>>, vector<16xf32>,
      %swap3A_285 = vector.shape_cast %swap3A_284 : vector<16xf32> to vector<16xf32>
      %swap3A_286 = vector.shape_cast %mul3A_282 : vector<16xf32> to vector<16xf32>
      tpu.vector_store %arg16[%swap3A_283], %swap3A_286 {strides = array<i32>} : memref<6256xf32, #tpu.memory_space<vmem>>, vector<16xf32>,
      %broadcast_in_dim3A_287 = arith.constant 0.000000e+00 : f32
      %broadcast_in_dim3A_288 = vector.broadcast %broadcast_in_dim3A_287 : f32 to vector<16xf32>
      %swap3A_289 = arith.index_cast %mul3A_238 : i32 to index
      %swap3A_290 = tpu.vector_load %arg15[%swap3A_289] {strides = array<i32>} : memref<6256xf32, #tpu.memory_space<vmem>>, vector<16xf32>,
      %swap3A_291 = vector.shape_cast %swap3A_290 : vector<16xf32> to vector<16xf32>
      %swap3A_292 = vector.shape_cast %broadcast_in_dim3A_288 : vector<16xf32> to vector<16xf32>
      tpu.vector_store %arg15[%swap3A_289], %swap3A_292 {strides = array<i32>} : memref<6256xf32, #tpu.memory_space<vmem>>, vector<16xf32>,
    }
    %scan3A_52 = arith.constant 391 : i32
    "tpu.region"() ({
      %run_scoped3A = tpu.sem_alloc : memref<!tpu.dma_semaphore, #tpu.memory_space<semaphore_mem>>
      %dma_start3A_236 = tpu.memref_slice %arg17[%mul3A_2] : memref<100096xf32, #tpu.memory_space<vmem_shared>> -> memref<6256xf32, #tpu.memory_space<vmem_shared>>
      %dma_start3A_237 = tpu.memref_slice %arg17[%mul3A_2] : memref<100096xf32, #tpu.memory_space<vmem_shared>> -> memref<6256xf32, #tpu.memory_space<vmem_shared>>
      tpu.enqueue_dma source(%arg16 : memref<6256xf32, #tpu.memory_space<vmem>>) target(%dma_start3A_237 : memref<6256xf32, #tpu.memory_space<vmem_shared>>) target_semaphore(%run_scoped3A : memref<!tpu.dma_semaphore, #tpu.memory_space<semaphore_mem>>)
      %dma_wait3A_238 = tpu.memref_slice %arg17[%mul3A_2] : memref<100096xf32, #tpu.memory_space<vmem_shared>> -> memref<6256xf32, #tpu.memory_space<vmem_shared>>
      %dma_wait3A_239 = tpu.memref_slice %arg17[%mul3A_2] : memref<100096xf32, #tpu.memory_space<vmem_shared>> -> memref<6256xf32, #tpu.memory_space<vmem_shared>>
      tpu.wait_dma2 semaphore(%run_scoped3A : memref<!tpu.dma_semaphore, #tpu.memory_space<semaphore_mem>>) src(%arg16 : memref<6256xf32, #tpu.memory_space<vmem>>) dst(%dma_wait3A_239 : memref<6256xf32, #tpu.memory_space<vmem_shared>>)
      tpu.yield
    }) : () -> ()
    "tpu.region"() ({
      %run_scoped3A = tpu.sem_alloc : memref<!tpu.dma_semaphore, #tpu.memory_space<semaphore_mem>>
      %dma_start3A_236 = tpu.memref_slice %arg18[%mul3A_2] : memref<100096xf32, #tpu.memory_space<vmem_shared>> -> memref<6256xf32, #tpu.memory_space<vmem_shared>>
      %dma_start3A_237 = tpu.memref_slice %arg18[%mul3A_2] : memref<100096xf32, #tpu.memory_space<vmem_shared>> -> memref<6256xf32, #tpu.memory_space<vmem_shared>>
      tpu.enqueue_dma source(%arg15 : memref<6256xf32, #tpu.memory_space<vmem>>) target(%dma_start3A_237 : memref<6256xf32, #tpu.memory_space<vmem_shared>>) target_semaphore(%run_scoped3A : memref<!tpu.dma_semaphore, #tpu.memory_space<semaphore_mem>>)
      %dma_wait3A_238 = tpu.memref_slice %arg18[%mul3A_2] : memref<100096xf32, #tpu.memory_space<vmem_shared>> -> memref<6256xf32, #tpu.memory_space<vmem_shared>>
      %dma_wait3A_239 = tpu.memref_slice %arg18[%mul3A_2] : memref<100096xf32, #tpu.memory_space<vmem_shared>> -> memref<6256xf32, #tpu.memory_space<vmem_shared>>
      tpu.wait_dma2 semaphore(%run_scoped3A : memref<!tpu.dma_semaphore, #tpu.memory_space<semaphore_mem>>) src(%arg15 : memref<6256xf32, #tpu.memory_space<vmem>>) dst(%dma_wait3A_239 : memref<6256xf32, #tpu.memory_space<vmem_shared>>)
      tpu.yield
    }) : () -> ()
    %eq3A = arith.constant 0 : i32
    %eq3A_53 = arith.cmpi eq, %arg0, %eq3A : i32
    %convert_element_type3A = arith.extui %eq3A_53 : i1 to i32
    %cond3A = arith.constant 0 : i32
    %cond3A_54 = arith.cmpi ne, %convert_element_type3A, %cond3A : i32
    scf.if %cond3A_54 {
      "tpu.region"() ({
        %run_scoped3A = tpu.sem_alloc : memref<!tpu.dma_semaphore, #tpu.memory_space<semaphore_mem>>
        %dma_start3A_236 = tpu.memref_slice %arg6[%mul3A_2] : memref<100096xf32, #tpu.memory_space<hbm>> -> memref<6256xf32, #tpu.memory_space<hbm>>
        %dma_start3A_237 = tpu.memref_slice %arg6[%mul3A_2] : memref<100096xf32, #tpu.memory_space<hbm>> -> memref<6256xf32, #tpu.memory_space<hbm>>
        tpu.enqueue_dma source(%arg14 : memref<6256xf32, #tpu.memory_space<vmem>>) target(%dma_start3A_237 : memref<6256xf32, #tpu.memory_space<hbm>>) target_semaphore(%run_scoped3A : memref<!tpu.dma_semaphore, #tpu.memory_space<semaphore_mem>>)
        %dma_wait3A_238 = tpu.memref_slice %arg6[%mul3A_2] : memref<100096xf32, #tpu.memory_space<hbm>> -> memref<6256xf32, #tpu.memory_space<hbm>>
        %dma_wait3A_239 = tpu.memref_slice %arg6[%mul3A_2] : memref<100096xf32, #tpu.memory_space<hbm>> -> memref<6256xf32, #tpu.memory_space<hbm>>
        tpu.wait_dma2 semaphore(%run_scoped3A : memref<!tpu.dma_semaphore, #tpu.memory_space<semaphore_mem>>) src(%arg14 : memref<6256xf32, #tpu.memory_space<vmem>>) dst(%dma_wait3A_239 : memref<6256xf32, #tpu.memory_space<hbm>>)
        tpu.yield
      }) : () -> ()
      "tpu.region"() ({
        %run_scoped3A = tpu.sem_alloc : memref<!tpu.dma_semaphore, #tpu.memory_space<semaphore_mem>>
        %dma_start3A_236 = tpu.memref_slice %arg7[%mul3A_2] : memref<100096xf32, #tpu.memory_space<hbm>> -> memref<6256xf32, #tpu.memory_space<hbm>>
        %dma_start3A_237 = tpu.memref_slice %arg7[%mul3A_2] : memref<100096xf32, #tpu.memory_space<hbm>> -> memref<6256xf32, #tpu.memory_space<hbm>>
        tpu.enqueue_dma source(%arg16 : memref<6256xf32, #tpu.memory_space<vmem>>) target(%dma_start3A_237 : memref<6256xf32, #tpu.memory_space<hbm>>) target_semaphore(%run_scoped3A : memref<!tpu.dma_semaphore, #tpu.memory_space<semaphore_mem>>)
        %dma_wait3A_238 = tpu.memref_slice %arg7[%mul3A_2] : memref<100096xf32, #tpu.memory_space<hbm>> -> memref<6256xf32, #tpu.memory_space<hbm>>
        %dma_wait3A_239 = tpu.memref_slice %arg7[%mul3A_2] : memref<100096xf32, #tpu.memory_space<hbm>> -> memref<6256xf32, #tpu.memory_space<hbm>>
        tpu.wait_dma2 semaphore(%run_scoped3A : memref<!tpu.dma_semaphore, #tpu.memory_space<semaphore_mem>>) src(%arg16 : memref<6256xf32, #tpu.memory_space<vmem>>) dst(%dma_wait3A_239 : memref<6256xf32, #tpu.memory_space<hbm>>)
        tpu.yield
      }) : () -> ()
    } else {
    }
    %barrier3A = arith.constant 0 : index
    tpu.barrier barrier_id(%barrier3A)
    %dma_wait3A = arith.constant 0 : i32
    %dma_wait3A_55 = tpu.memref_slice %arg8[%dma_wait3A] : memref<12544xi32, #tpu.memory_space<vmem>> -> memref<12192xi32, #tpu.memory_space<vmem>>
    %dma_wait3A_56 = tpu.memref_slice %arg2[%mul3A_4] : memref<6400000xi32, #tpu.memory_space<hbm>> -> memref<12192xi32, #tpu.memory_space<hbm>>
    %dma_wait3A_57 = arith.constant 0 : i32
    %dma_wait3A_58 = tpu.memref_slice %arg8[%dma_wait3A_57] : memref<12544xi32, #tpu.memory_space<vmem>> -> memref<12192xi32, #tpu.memory_space<vmem>>
    %dma_wait3A_59 = tpu.memref_slice %arg2[%mul3A_4] : memref<6400000xi32, #tpu.memory_space<hbm>> -> memref<12192xi32, #tpu.memory_space<hbm>>
    tpu.wait_dma2 semaphore(%arg19 : memref<!tpu.dma_semaphore, #tpu.memory_space<semaphore_mem>>) src(%dma_wait3A_59 : memref<12192xi32, #tpu.memory_space<hbm>>) dst(%dma_wait3A_58 : memref<12192xi32, #tpu.memory_space<vmem>>)
    %dma_wait3A_60 = arith.constant 0 : i32
    %dma_wait3A_61 = tpu.memref_slice %arg10[%dma_wait3A_60] : memref<12544xi32, #tpu.memory_space<vmem>> -> memref<12192xi32, #tpu.memory_space<vmem>>
    %dma_wait3A_62 = tpu.memref_slice %arg2[%add3A_8] : memref<6400000xi32, #tpu.memory_space<hbm>> -> memref<12192xi32, #tpu.memory_space<hbm>>
    %dma_wait3A_63 = arith.constant 0 : i32
    %dma_wait3A_64 = tpu.memref_slice %arg10[%dma_wait3A_63] : memref<12544xi32, #tpu.memory_space<vmem>> -> memref<12192xi32, #tpu.memory_space<vmem>>
    %dma_wait3A_65 = tpu.memref_slice %arg2[%add3A_8] : memref<6400000xi32, #tpu.memory_space<hbm>> -> memref<12192xi32, #tpu.memory_space<hbm>>
    tpu.wait_dma2 semaphore(%arg19 : memref<!tpu.dma_semaphore, #tpu.memory_space<semaphore_mem>>) src(%dma_wait3A_65 : memref<12192xi32, #tpu.memory_space<hbm>>) dst(%dma_wait3A_64 : memref<12192xi32, #tpu.memory_space<vmem>>)
    %dma_start3A_66 = arith.constant 0 : i32
    %dma_start3A_67 = tpu.memref_slice %arg17[%dma_start3A_66] : memref<100096xf32, #tpu.memory_space<vmem_shared>> -> memref<100096xf32, #tpu.memory_space<vmem_shared>>
    tpu.enqueue_indirect_dma source(%dma_start3A_67 : memref<100096xf32, #tpu.memory_space<vmem_shared>>) target(%arg12 : memref<12544xf32, #tpu.memory_space<vmem>>) offsets(%arg8 : memref<12544xi32, #tpu.memory_space<vmem>>) semaphore(%arg21 : memref<!tpu.dma_semaphore, #tpu.memory_space<semaphore_mem>>)
    %dma_wait3A_68 = arith.constant 0 : i32
    %dma_wait3A_69 = tpu.memref_slice %arg17[%dma_wait3A_68] : memref<100096xf32, #tpu.memory_space<vmem_shared>> -> memref<100096xf32, #tpu.memory_space<vmem_shared>>
    tpu.wait_indirect_dma semaphore(%arg21 : memref<!tpu.dma_semaphore, #tpu.memory_space<semaphore_mem>>) src(%dma_wait3A_69 : memref<100096xf32, #tpu.memory_space<vmem_shared>>) dst(%arg12 : memref<12544xf32, #tpu.memory_space<vmem>>)
    %dma_start3A_70 = arith.constant 0 : i32
    %dma_start3A_71 = tpu.memref_slice %arg18[%dma_start3A_70] : memref<100096xf32, #tpu.memory_space<vmem_shared>> -> memref<100096xf32, #tpu.memory_space<vmem_shared>>
    tpu.enqueue_indirect_dma source(%arg12 : memref<12544xf32, #tpu.memory_space<vmem>>) target(%dma_start3A_71 : memref<100096xf32, #tpu.memory_space<vmem_shared>>) offsets(%arg10 : memref<12544xi32, #tpu.memory_space<vmem>>) semaphore(%arg23 : memref<!tpu.dma_semaphore, #tpu.memory_space<semaphore_mem>>) {add = true}
    %dma_wait3A_72 = tpu.memref_slice %arg2[%add3A_34] : memref<6400000xi32, #tpu.memory_space<hbm>> -> memref<12544xi32, #tpu.memory_space<hbm>>
    %dma_wait3A_73 = tpu.memref_slice %arg2[%add3A_34] : memref<6400000xi32, #tpu.memory_space<hbm>> -> memref<12544xi32, #tpu.memory_space<hbm>>
    tpu.wait_dma2 semaphore(%arg20 : memref<!tpu.dma_semaphore, #tpu.memory_space<semaphore_mem>>) src(%dma_wait3A_73 : memref<12544xi32, #tpu.memory_space<hbm>>) dst(%arg9 : memref<12544xi32, #tpu.memory_space<vmem>>)
    %dma_wait3A_74 = tpu.memref_slice %arg2[%add3A_40] : memref<6400000xi32, #tpu.memory_space<hbm>> -> memref<12544xi32, #tpu.memory_space<hbm>>
    %dma_wait3A_75 = tpu.memref_slice %arg2[%add3A_40] : memref<6400000xi32, #tpu.memory_space<hbm>> -> memref<12544xi32, #tpu.memory_space<hbm>>
    tpu.wait_dma2 semaphore(%arg20 : memref<!tpu.dma_semaphore, #tpu.memory_space<semaphore_mem>>) src(%dma_wait3A_75 : memref<12544xi32, #tpu.memory_space<hbm>>) dst(%arg11 : memref<12544xi32, #tpu.memory_space<vmem>>)
    %dma_start3A_76 = arith.constant 0 : i32
    %dma_start3A_77 = tpu.memref_slice %arg17[%dma_start3A_76] : memref<100096xf32, #tpu.memory_space<vmem_shared>> -> memref<100096xf32, #tpu.memory_space<vmem_shared>>
    tpu.enqueue_indirect_dma source(%dma_start3A_77 : memref<100096xf32, #tpu.memory_space<vmem_shared>>) target(%arg13 : memref<12544xf32, #tpu.memory_space<vmem>>) offsets(%arg9 : memref<12544xi32, #tpu.memory_space<vmem>>) semaphore(%arg22 : memref<!tpu.dma_semaphore, #tpu.memory_space<semaphore_mem>>)
    %dma_wait3A_78 = arith.constant 0 : i32
    %dma_wait3A_79 = tpu.memref_slice %arg17[%dma_wait3A_78] : memref<100096xf32, #tpu.memory_space<vmem_shared>> -> memref<100096xf32, #tpu.memory_space<vmem_shared>>
    tpu.wait_indirect_dma semaphore(%arg22 : memref<!tpu.dma_semaphore, #tpu.memory_space<semaphore_mem>>) src(%dma_wait3A_79 : memref<100096xf32, #tpu.memory_space<vmem_shared>>) dst(%arg13 : memref<12544xf32, #tpu.memory_space<vmem>>)
    %dma_wait3A_80 = arith.constant 0 : i32
    %dma_wait3A_81 = tpu.memref_slice %arg18[%dma_wait3A_80] : memref<100096xf32, #tpu.memory_space<vmem_shared>> -> memref<100096xf32, #tpu.memory_space<vmem_shared>>
    tpu.wait_indirect_dma semaphore(%arg23 : memref<!tpu.dma_semaphore, #tpu.memory_space<semaphore_mem>>) src(%arg12 : memref<12544xf32, #tpu.memory_space<vmem>>) dst(%dma_wait3A_81 : memref<100096xf32, #tpu.memory_space<vmem_shared>>)
    %add3A_82 = arith.constant 12192 : i32
    %add3A_83 = arith.addi %mul3A_4, %add3A_82 : i32
    %add3A_84 = arith.constant 12544 : i32
    %add3A_85 = arith.addi %add3A_83, %add3A_84 : i32
    %dma_start3A_86 = tpu.memref_slice %arg2[%add3A_85] : memref<6400000xi32, #tpu.memory_space<hbm>> -> memref<12544xi32, #tpu.memory_space<hbm>>
    %dma_start3A_87 = tpu.memref_slice %arg2[%add3A_85] : memref<6400000xi32, #tpu.memory_space<hbm>> -> memref<12544xi32, #tpu.memory_space<hbm>>
    tpu.enqueue_dma source(%dma_start3A_87 : memref<12544xi32, #tpu.memory_space<hbm>>) target(%arg8 : memref<12544xi32, #tpu.memory_space<vmem>>) target_semaphore(%arg19 : memref<!tpu.dma_semaphore, #tpu.memory_space<semaphore_mem>>)
    %add3A_88 = arith.constant 12192 : i32
    %add3A_89 = arith.addi %add3A_8, %add3A_88 : i32
    %add3A_90 = arith.constant 12544 : i32
    %add3A_91 = arith.addi %add3A_89, %add3A_90 : i32
    %dma_start3A_92 = tpu.memref_slice %arg2[%add3A_91] : memref<6400000xi32, #tpu.memory_space<hbm>> -> memref<12544xi32, #tpu.memory_space<hbm>>
    %dma_start3A_93 = tpu.memref_slice %arg2[%add3A_91] : memref<6400000xi32, #tpu.memory_space<hbm>> -> memref<12544xi32, #tpu.memory_space<hbm>>
    tpu.enqueue_dma source(%dma_start3A_93 : memref<12544xi32, #tpu.memory_space<hbm>>) target(%arg10 : memref<12544xi32, #tpu.memory_space<vmem>>) target_semaphore(%arg19 : memref<!tpu.dma_semaphore, #tpu.memory_space<semaphore_mem>>)
    %dma_start3A_94 = arith.constant 0 : i32
    %dma_start3A_95 = tpu.memref_slice %arg18[%dma_start3A_94] : memref<100096xf32, #tpu.memory_space<vmem_shared>> -> memref<100096xf32, #tpu.memory_space<vmem_shared>>
    tpu.enqueue_indirect_dma source(%arg13 : memref<12544xf32, #tpu.memory_space<vmem>>) target(%dma_start3A_95 : memref<100096xf32, #tpu.memory_space<vmem_shared>>) offsets(%arg11 : memref<12544xi32, #tpu.memory_space<vmem>>) semaphore(%arg24 : memref<!tpu.dma_semaphore, #tpu.memory_space<semaphore_mem>>) {add = true}
    %dma_wait3A_96 = tpu.memref_slice %arg2[%add3A_85] : memref<6400000xi32, #tpu.memory_space<hbm>> -> memref<12544xi32, #tpu.memory_space<hbm>>
    %dma_wait3A_97 = tpu.memref_slice %arg2[%add3A_85] : memref<6400000xi32, #tpu.memory_space<hbm>> -> memref<12544xi32, #tpu.memory_space<hbm>>
    tpu.wait_dma2 semaphore(%arg19 : memref<!tpu.dma_semaphore, #tpu.memory_space<semaphore_mem>>) src(%dma_wait3A_97 : memref<12544xi32, #tpu.memory_space<hbm>>) dst(%arg8 : memref<12544xi32, #tpu.memory_space<vmem>>)
    %dma_wait3A_98 = tpu.memref_slice %arg2[%add3A_91] : memref<6400000xi32, #tpu.memory_space<hbm>> -> memref<12544xi32, #tpu.memory_space<hbm>>
    %dma_wait3A_99 = tpu.memref_slice %arg2[%add3A_91] : memref<6400000xi32, #tpu.memory_space<hbm>> -> memref<12544xi32, #tpu.memory_space<hbm>>
    tpu.wait_dma2 semaphore(%arg19 : memref<!tpu.dma_semaphore, #tpu.memory_space<semaphore_mem>>) src(%dma_wait3A_99 : memref<12544xi32, #tpu.memory_space<hbm>>) dst(%arg10 : memref<12544xi32, #tpu.memory_space<vmem>>)
    %dma_start3A_100 = arith.constant 0 : i32
    %dma_start3A_101 = tpu.memref_slice %arg17[%dma_start3A_100] : memref<100096xf32, #tpu.memory_space<vmem_shared>> -> memref<100096xf32, #tpu.memory_space<vmem_shared>>
    tpu.enqueue_indirect_dma source(%dma_start3A_101 : memref<100096xf32, #tpu.memory_space<vmem_shared>>) target(%arg12 : memref<12544xf32, #tpu.memory_space<vmem>>) offsets(%arg8 : memref<12544xi32, #tpu.memory_space<vmem>>) semaphore(%arg21 : memref<!tpu.dma_semaphore, #tpu.memory_space<semaphore_mem>>)
    %dma_wait3A_102 = arith.constant 0 : i32
    %dma_wait3A_103 = tpu.memref_slice %arg17[%dma_wait3A_102] : memref<100096xf32, #tpu.memory_space<vmem_shared>> -> memref<100096xf32, #tpu.memory_space<vmem_shared>>
    tpu.wait_indirect_dma semaphore(%arg21 : memref<!tpu.dma_semaphore, #tpu.memory_space<semaphore_mem>>) src(%dma_wait3A_103 : memref<100096xf32, #tpu.memory_space<vmem_shared>>) dst(%arg12 : memref<12544xf32, #tpu.memory_space<vmem>>)
    %dma_wait3A_104 = arith.constant 0 : i32
    %dma_wait3A_105 = tpu.memref_slice %arg18[%dma_wait3A_104] : memref<100096xf32, #tpu.memory_space<vmem_shared>> -> memref<100096xf32, #tpu.memory_space<vmem_shared>>
    tpu.wait_indirect_dma semaphore(%arg24 : memref<!tpu.dma_semaphore, #tpu.memory_space<semaphore_mem>>) src(%arg13 : memref<12544xf32, #tpu.memory_space<vmem>>) dst(%dma_wait3A_105 : memref<100096xf32, #tpu.memory_space<vmem_shared>>)
    %add3A_106 = arith.constant 12192 : i32
    %add3A_107 = arith.addi %mul3A_4, %add3A_106 : i32
    %add3A_108 = arith.constant 25088 : i32
    %add3A_109 = arith.addi %add3A_107, %add3A_108 : i32
    %dma_start3A_110 = tpu.memref_slice %arg2[%add3A_109] : memref<6400000xi32, #tpu.memory_space<hbm>> -> memref<12544xi32, #tpu.memory_space<hbm>>
    %dma_start3A_111 = tpu.memref_slice %arg2[%add3A_109] : memref<6400000xi32, #tpu.memory_space<hbm>> -> memref<12544xi32, #tpu.memory_space<hbm>>
    tpu.enqueue_dma source(%dma_start3A_111 : memref<12544xi32, #tpu.memory_space<hbm>>) target(%arg9 : memref<12544xi32, #tpu.memory_space<vmem>>) target_semaphore(%arg20 : memref<!tpu.dma_semaphore, #tpu.memory_space<semaphore_mem>>)
    %add3A_112 = arith.constant 12192 : i32
    %add3A_113 = arith.addi %add3A_8, %add3A_112 : i32
    %add3A_114 = arith.constant 25088 : i32
    %add3A_115 = arith.addi %add3A_113, %add3A_114 : i32
    %dma_start3A_116 = tpu.memref_slice %arg2[%add3A_115] : memref<6400000xi32, #tpu.memory_space<hbm>> -> memref<12544xi32, #tpu.memory_space<hbm>>
    %dma_start3A_117 = tpu.memref_slice %arg2[%add3A_115] : memref<6400000xi32, #tpu.memory_space<hbm>> -> memref<12544xi32, #tpu.memory_space<hbm>>
    tpu.enqueue_dma source(%dma_start3A_117 : memref<12544xi32, #tpu.memory_space<hbm>>) target(%arg11 : memref<12544xi32, #tpu.memory_space<vmem>>) target_semaphore(%arg20 : memref<!tpu.dma_semaphore, #tpu.memory_space<semaphore_mem>>)
    %dma_start3A_118 = arith.constant 0 : i32
    %dma_start3A_119 = tpu.memref_slice %arg18[%dma_start3A_118] : memref<100096xf32, #tpu.memory_space<vmem_shared>> -> memref<100096xf32, #tpu.memory_space<vmem_shared>>
    tpu.enqueue_indirect_dma source(%arg12 : memref<12544xf32, #tpu.memory_space<vmem>>) target(%dma_start3A_119 : memref<100096xf32, #tpu.memory_space<vmem_shared>>) offsets(%arg10 : memref<12544xi32, #tpu.memory_space<vmem>>) semaphore(%arg23 : memref<!tpu.dma_semaphore, #tpu.memory_space<semaphore_mem>>) {add = true}
    %dma_wait3A_120 = tpu.memref_slice %arg2[%add3A_109] : memref<6400000xi32, #tpu.memory_space<hbm>> -> memref<12544xi32, #tpu.memory_space<hbm>>
    %dma_wait3A_121 = tpu.memref_slice %arg2[%add3A_109] : memref<6400000xi32, #tpu.memory_space<hbm>> -> memref<12544xi32, #tpu.memory_space<hbm>>
    tpu.wait_dma2 semaphore(%arg20 : memref<!tpu.dma_semaphore, #tpu.memory_space<semaphore_mem>>) src(%dma_wait3A_121 : memref<12544xi32, #tpu.memory_space<hbm>>) dst(%arg9 : memref<12544xi32, #tpu.memory_space<vmem>>)
    %dma_wait3A_122 = tpu.memref_slice %arg2[%add3A_115] : memref<6400000xi32, #tpu.memory_space<hbm>> -> memref<12544xi32, #tpu.memory_space<hbm>>
    %dma_wait3A_123 = tpu.memref_slice %arg2[%add3A_115] : memref<6400000xi32, #tpu.memory_space<hbm>> -> memref<12544xi32, #tpu.memory_space<hbm>>
    tpu.wait_dma2 semaphore(%arg20 : memref<!tpu.dma_semaphore, #tpu.memory_space<semaphore_mem>>) src(%dma_wait3A_123 : memref<12544xi32, #tpu.memory_space<hbm>>) dst(%arg11 : memref<12544xi32, #tpu.memory_space<vmem>>)
    %dma_start3A_124 = arith.constant 0 : i32
    %dma_start3A_125 = tpu.memref_slice %arg17[%dma_start3A_124] : memref<100096xf32, #tpu.memory_space<vmem_shared>> -> memref<100096xf32, #tpu.memory_space<vmem_shared>>
    tpu.enqueue_indirect_dma source(%dma_start3A_125 : memref<100096xf32, #tpu.memory_space<vmem_shared>>) target(%arg13 : memref<12544xf32, #tpu.memory_space<vmem>>) offsets(%arg9 : memref<12544xi32, #tpu.memory_space<vmem>>) semaphore(%arg22 : memref<!tpu.dma_semaphore, #tpu.memory_space<semaphore_mem>>)
    %dma_wait3A_126 = arith.constant 0 : i32
    %dma_wait3A_127 = tpu.memref_slice %arg17[%dma_wait3A_126] : memref<100096xf32, #tpu.memory_space<vmem_shared>> -> memref<100096xf32, #tpu.memory_space<vmem_shared>>
    tpu.wait_indirect_dma semaphore(%arg22 : memref<!tpu.dma_semaphore, #tpu.memory_space<semaphore_mem>>) src(%dma_wait3A_127 : memref<100096xf32, #tpu.memory_space<vmem_shared>>) dst(%arg13 : memref<12544xf32, #tpu.memory_space<vmem>>)
    %dma_wait3A_128 = arith.constant 0 : i32
    %dma_wait3A_129 = tpu.memref_slice %arg18[%dma_wait3A_128] : memref<100096xf32, #tpu.memory_space<vmem_shared>> -> memref<100096xf32, #tpu.memory_space<vmem_shared>>
    tpu.wait_indirect_dma semaphore(%arg23 : memref<!tpu.dma_semaphore, #tpu.memory_space<semaphore_mem>>) src(%arg12 : memref<12544xf32, #tpu.memory_space<vmem>>) dst(%dma_wait3A_129 : memref<100096xf32, #tpu.memory_space<vmem_shared>>)
    %add3A_130 = arith.constant 12192 : i32
    %add3A_131 = arith.addi %mul3A_4, %add3A_130 : i32
    %add3A_132 = arith.constant 37632 : i32
    %add3A_133 = arith.addi %add3A_131, %add3A_132 : i32
    %dma_start3A_134 = tpu.memref_slice %arg2[%add3A_133] : memref<6400000xi32, #tpu.memory_space<hbm>> -> memref<12544xi32, #tpu.memory_space<hbm>>
    %dma_start3A_135 = tpu.memref_slice %arg2[%add3A_133] : memref<6400000xi32, #tpu.memory_space<hbm>> -> memref<12544xi32, #tpu.memory_space<hbm>>
    tpu.enqueue_dma source(%dma_start3A_135 : memref<12544xi32, #tpu.memory_space<hbm>>) target(%arg8 : memref<12544xi32, #tpu.memory_space<vmem>>) target_semaphore(%arg19 : memref<!tpu.dma_semaphore, #tpu.memory_space<semaphore_mem>>)
    %add3A_136 = arith.constant 12192 : i32
    %add3A_137 = arith.addi %add3A_8, %add3A_136 : i32
    %add3A_138 = arith.constant 37632 : i32
    %add3A_139 = arith.addi %add3A_137, %add3A_138 : i32
    %dma_start3A_140 = tpu.memref_slice %arg2[%add3A_139] : memref<6400000xi32, #tpu.memory_space<hbm>> -> memref<12544xi32, #tpu.memory_space<hbm>>
    %dma_start3A_141 = tpu.memref_slice %arg2[%add3A_139] : memref<6400000xi32, #tpu.memory_space<hbm>> -> memref<12544xi32, #tpu.memory_space<hbm>>
    tpu.enqueue_dma source(%dma_start3A_141 : memref<12544xi32, #tpu.memory_space<hbm>>) target(%arg10 : memref<12544xi32, #tpu.memory_space<vmem>>) target_semaphore(%arg19 : memref<!tpu.dma_semaphore, #tpu.memory_space<semaphore_mem>>)
    %dma_start3A_142 = arith.constant 0 : i32
    %dma_start3A_143 = tpu.memref_slice %arg18[%dma_start3A_142] : memref<100096xf32, #tpu.memory_space<vmem_shared>> -> memref<100096xf32, #tpu.memory_space<vmem_shared>>
    tpu.enqueue_indirect_dma source(%arg13 : memref<12544xf32, #tpu.memory_space<vmem>>) target(%dma_start3A_143 : memref<100096xf32, #tpu.memory_space<vmem_shared>>) offsets(%arg11 : memref<12544xi32, #tpu.memory_space<vmem>>) semaphore(%arg24 : memref<!tpu.dma_semaphore, #tpu.memory_space<semaphore_mem>>) {add = true}
    %dma_wait3A_144 = tpu.memref_slice %arg2[%add3A_133] : memref<6400000xi32, #tpu.memory_space<hbm>> -> memref<12544xi32, #tpu.memory_space<hbm>>
    %dma_wait3A_145 = tpu.memref_slice %arg2[%add3A_133] : memref<6400000xi32, #tpu.memory_space<hbm>> -> memref<12544xi32, #tpu.memory_space<hbm>>
    tpu.wait_dma2 semaphore(%arg19 : memref<!tpu.dma_semaphore, #tpu.memory_space<semaphore_mem>>) src(%dma_wait3A_145 : memref<12544xi32, #tpu.memory_space<hbm>>) dst(%arg8 : memref<12544xi32, #tpu.memory_space<vmem>>)
    %dma_wait3A_146 = tpu.memref_slice %arg2[%add3A_139] : memref<6400000xi32, #tpu.memory_space<hbm>> -> memref<12544xi32, #tpu.memory_space<hbm>>
    %dma_wait3A_147 = tpu.memref_slice %arg2[%add3A_139] : memref<6400000xi32, #tpu.memory_space<hbm>> -> memref<12544xi32, #tpu.memory_space<hbm>>
    tpu.wait_dma2 semaphore(%arg19 : memref<!tpu.dma_semaphore, #tpu.memory_space<semaphore_mem>>) src(%dma_wait3A_147 : memref<12544xi32, #tpu.memory_space<hbm>>) dst(%arg10 : memref<12544xi32, #tpu.memory_space<vmem>>)
    %dma_start3A_148 = arith.constant 0 : i32
    %dma_start3A_149 = tpu.memref_slice %arg17[%dma_start3A_148] : memref<100096xf32, #tpu.memory_space<vmem_shared>> -> memref<100096xf32, #tpu.memory_space<vmem_shared>>
    tpu.enqueue_indirect_dma source(%dma_start3A_149 : memref<100096xf32, #tpu.memory_space<vmem_shared>>) target(%arg12 : memref<12544xf32, #tpu.memory_space<vmem>>) offsets(%arg8 : memref<12544xi32, #tpu.memory_space<vmem>>) semaphore(%arg21 : memref<!tpu.dma_semaphore, #tpu.memory_space<semaphore_mem>>)
    %dma_wait3A_150 = arith.constant 0 : i32
    %dma_wait3A_151 = tpu.memref_slice %arg17[%dma_wait3A_150] : memref<100096xf32, #tpu.memory_space<vmem_shared>> -> memref<100096xf32, #tpu.memory_space<vmem_shared>>
    tpu.wait_indirect_dma semaphore(%arg21 : memref<!tpu.dma_semaphore, #tpu.memory_space<semaphore_mem>>) src(%dma_wait3A_151 : memref<100096xf32, #tpu.memory_space<vmem_shared>>) dst(%arg12 : memref<12544xf32, #tpu.memory_space<vmem>>)
    %dma_wait3A_152 = arith.constant 0 : i32
    %dma_wait3A_153 = tpu.memref_slice %arg18[%dma_wait3A_152] : memref<100096xf32, #tpu.memory_space<vmem_shared>> -> memref<100096xf32, #tpu.memory_space<vmem_shared>>
    tpu.wait_indirect_dma semaphore(%arg24 : memref<!tpu.dma_semaphore, #tpu.memory_space<semaphore_mem>>) src(%arg13 : memref<12544xf32, #tpu.memory_space<vmem>>) dst(%dma_wait3A_153 : memref<100096xf32, #tpu.memory_space<vmem_shared>>)
    %add3A_154 = arith.constant 12192 : i32
    %add3A_155 = arith.addi %mul3A_4, %add3A_154 : i32
    %add3A_156 = arith.constant 50176 : i32
    %add3A_157 = arith.addi %add3A_155, %add3A_156 : i32
    %dma_start3A_158 = tpu.memref_slice %arg2[%add3A_157] : memref<6400000xi32, #tpu.memory_space<hbm>> -> memref<12544xi32, #tpu.memory_space<hbm>>
    %dma_start3A_159 = tpu.memref_slice %arg2[%add3A_157] : memref<6400000xi32, #tpu.memory_space<hbm>> -> memref<12544xi32, #tpu.memory_space<hbm>>
    tpu.enqueue_dma source(%dma_start3A_159 : memref<12544xi32, #tpu.memory_space<hbm>>) target(%arg9 : memref<12544xi32, #tpu.memory_space<vmem>>) target_semaphore(%arg20 : memref<!tpu.dma_semaphore, #tpu.memory_space<semaphore_mem>>)
    %add3A_160 = arith.constant 12192 : i32
    %add3A_161 = arith.addi %add3A_8, %add3A_160 : i32
    %add3A_162 = arith.constant 50176 : i32
    %add3A_163 = arith.addi %add3A_161, %add3A_162 : i32
    %dma_start3A_164 = tpu.memref_slice %arg2[%add3A_163] : memref<6400000xi32, #tpu.memory_space<hbm>> -> memref<12544xi32, #tpu.memory_space<hbm>>
    %dma_start3A_165 = tpu.memref_slice %arg2[%add3A_163] : memref<6400000xi32, #tpu.memory_space<hbm>> -> memref<12544xi32, #tpu.memory_space<hbm>>
    tpu.enqueue_dma source(%dma_start3A_165 : memref<12544xi32, #tpu.memory_space<hbm>>) target(%arg11 : memref<12544xi32, #tpu.memory_space<vmem>>) target_semaphore(%arg20 : memref<!tpu.dma_semaphore, #tpu.memory_space<semaphore_mem>>)
    %dma_start3A_166 = arith.constant 0 : i32
    %dma_start3A_167 = tpu.memref_slice %arg18[%dma_start3A_166] : memref<100096xf32, #tpu.memory_space<vmem_shared>> -> memref<100096xf32, #tpu.memory_space<vmem_shared>>
    tpu.enqueue_indirect_dma source(%arg12 : memref<12544xf32, #tpu.memory_space<vmem>>) target(%dma_start3A_167 : memref<100096xf32, #tpu.memory_space<vmem_shared>>) offsets(%arg10 : memref<12544xi32, #tpu.memory_space<vmem>>) semaphore(%arg23 : memref<!tpu.dma_semaphore, #tpu.memory_space<semaphore_mem>>) {add = true}
    %dma_wait3A_168 = tpu.memref_slice %arg2[%add3A_157] : memref<6400000xi32, #tpu.memory_space<hbm>> -> memref<12544xi32, #tpu.memory_space<hbm>>
    %dma_wait3A_169 = tpu.memref_slice %arg2[%add3A_157] : memref<6400000xi32, #tpu.memory_space<hbm>> -> memref<12544xi32, #tpu.memory_space<hbm>>
    tpu.wait_dma2 semaphore(%arg20 : memref<!tpu.dma_semaphore, #tpu.memory_space<semaphore_mem>>) src(%dma_wait3A_169 : memref<12544xi32, #tpu.memory_space<hbm>>) dst(%arg9 : memref<12544xi32, #tpu.memory_space<vmem>>)
    %dma_wait3A_170 = tpu.memref_slice %arg2[%add3A_163] : memref<6400000xi32, #tpu.memory_space<hbm>> -> memref<12544xi32, #tpu.memory_space<hbm>>
    %dma_wait3A_171 = tpu.memref_slice %arg2[%add3A_163] : memref<6400000xi32, #tpu.memory_space<hbm>> -> memref<12544xi32, #tpu.memory_space<hbm>>
    tpu.wait_dma2 semaphore(%arg20 : memref<!tpu.dma_semaphore, #tpu.memory_space<semaphore_mem>>) src(%dma_wait3A_171 : memref<12544xi32, #tpu.memory_space<hbm>>) dst(%arg11 : memref<12544xi32, #tpu.memory_space<vmem>>)
    %dma_start3A_172 = arith.constant 0 : i32
    %dma_start3A_173 = tpu.memref_slice %arg17[%dma_start3A_172] : memref<100096xf32, #tpu.memory_space<vmem_shared>> -> memref<100096xf32, #tpu.memory_space<vmem_shared>>
    tpu.enqueue_indirect_dma source(%dma_start3A_173 : memref<100096xf32, #tpu.memory_space<vmem_shared>>) target(%arg13 : memref<12544xf32, #tpu.memory_space<vmem>>) offsets(%arg9 : memref<12544xi32, #tpu.memory_space<vmem>>) semaphore(%arg22 : memref<!tpu.dma_semaphore, #tpu.memory_space<semaphore_mem>>)
    %dma_wait3A_174 = arith.constant 0 : i32
    %dma_wait3A_175 = tpu.memref_slice %arg17[%dma_wait3A_174] : memref<100096xf32, #tpu.memory_space<vmem_shared>> -> memref<100096xf32, #tpu.memory_space<vmem_shared>>
    tpu.wait_indirect_dma semaphore(%arg22 : memref<!tpu.dma_semaphore, #tpu.memory_space<semaphore_mem>>) src(%dma_wait3A_175 : memref<100096xf32, #tpu.memory_space<vmem_shared>>) dst(%arg13 : memref<12544xf32, #tpu.memory_space<vmem>>)
    %dma_wait3A_176 = arith.constant 0 : i32
    %dma_wait3A_177 = tpu.memref_slice %arg18[%dma_wait3A_176] : memref<100096xf32, #tpu.memory_space<vmem_shared>> -> memref<100096xf32, #tpu.memory_space<vmem_shared>>
    tpu.wait_indirect_dma semaphore(%arg23 : memref<!tpu.dma_semaphore, #tpu.memory_space<semaphore_mem>>) src(%arg12 : memref<12544xf32, #tpu.memory_space<vmem>>) dst(%dma_wait3A_177 : memref<100096xf32, #tpu.memory_space<vmem_shared>>)
    %add3A_178 = arith.constant 12192 : i32
    %add3A_179 = arith.addi %mul3A_4, %add3A_178 : i32
    %add3A_180 = arith.constant 62720 : i32
    %add3A_181 = arith.addi %add3A_179, %add3A_180 : i32
    %dma_start3A_182 = tpu.memref_slice %arg2[%add3A_181] : memref<6400000xi32, #tpu.memory_space<hbm>> -> memref<12544xi32, #tpu.memory_space<hbm>>
    %dma_start3A_183 = tpu.memref_slice %arg2[%add3A_181] : memref<6400000xi32, #tpu.memory_space<hbm>> -> memref<12544xi32, #tpu.memory_space<hbm>>
    tpu.enqueue_dma source(%dma_start3A_183 : memref<12544xi32, #tpu.memory_space<hbm>>) target(%arg8 : memref<12544xi32, #tpu.memory_space<vmem>>) target_semaphore(%arg19 : memref<!tpu.dma_semaphore, #tpu.memory_space<semaphore_mem>>)
    %add3A_184 = arith.constant 12192 : i32
    %add3A_185 = arith.addi %add3A_8, %add3A_184 : i32
    %add3A_186 = arith.constant 62720 : i32
    %add3A_187 = arith.addi %add3A_185, %add3A_186 : i32
    %dma_start3A_188 = tpu.memref_slice %arg2[%add3A_187] : memref<6400000xi32, #tpu.memory_space<hbm>> -> memref<12544xi32, #tpu.memory_space<hbm>>
    %dma_start3A_189 = tpu.memref_slice %arg2[%add3A_187] : memref<6400000xi32, #tpu.memory_space<hbm>> -> memref<12544xi32, #tpu.memory_space<hbm>>
    tpu.enqueue_dma source(%dma_start3A_189 : memref<12544xi32, #tpu.memory_space<hbm>>) target(%arg10 : memref<12544xi32, #tpu.memory_space<vmem>>) target_semaphore(%arg19 : memref<!tpu.dma_semaphore, #tpu.memory_space<semaphore_mem>>)
    %dma_start3A_190 = arith.constant 0 : i32
    %dma_start3A_191 = tpu.memref_slice %arg18[%dma_start3A_190] : memref<100096xf32, #tpu.memory_space<vmem_shared>> -> memref<100096xf32, #tpu.memory_space<vmem_shared>>
    tpu.enqueue_indirect_dma source(%arg13 : memref<12544xf32, #tpu.memory_space<vmem>>) target(%dma_start3A_191 : memref<100096xf32, #tpu.memory_space<vmem_shared>>) offsets(%arg11 : memref<12544xi32, #tpu.memory_space<vmem>>) semaphore(%arg24 : memref<!tpu.dma_semaphore, #tpu.memory_space<semaphore_mem>>) {add = true}
    %dma_wait3A_192 = tpu.memref_slice %arg2[%add3A_181] : memref<6400000xi32, #tpu.memory_space<hbm>> -> memref<12544xi32, #tpu.memory_space<hbm>>
    %dma_wait3A_193 = tpu.memref_slice %arg2[%add3A_181] : memref<6400000xi32, #tpu.memory_space<hbm>> -> memref<12544xi32, #tpu.memory_space<hbm>>
    tpu.wait_dma2 semaphore(%arg19 : memref<!tpu.dma_semaphore, #tpu.memory_space<semaphore_mem>>) src(%dma_wait3A_193 : memref<12544xi32, #tpu.memory_space<hbm>>) dst(%arg8 : memref<12544xi32, #tpu.memory_space<vmem>>)
    %dma_wait3A_194 = tpu.memref_slice %arg2[%add3A_187] : memref<6400000xi32, #tpu.memory_space<hbm>> -> memref<12544xi32, #tpu.memory_space<hbm>>
    %dma_wait3A_195 = tpu.memref_slice %arg2[%add3A_187] : memref<6400000xi32, #tpu.memory_space<hbm>> -> memref<12544xi32, #tpu.memory_space<hbm>>
    tpu.wait_dma2 semaphore(%arg19 : memref<!tpu.dma_semaphore, #tpu.memory_space<semaphore_mem>>) src(%dma_wait3A_195 : memref<12544xi32, #tpu.memory_space<hbm>>) dst(%arg10 : memref<12544xi32, #tpu.memory_space<vmem>>)
    %dma_start3A_196 = arith.constant 0 : i32
    %dma_start3A_197 = tpu.memref_slice %arg17[%dma_start3A_196] : memref<100096xf32, #tpu.memory_space<vmem_shared>> -> memref<100096xf32, #tpu.memory_space<vmem_shared>>
    tpu.enqueue_indirect_dma source(%dma_start3A_197 : memref<100096xf32, #tpu.memory_space<vmem_shared>>) target(%arg12 : memref<12544xf32, #tpu.memory_space<vmem>>) offsets(%arg8 : memref<12544xi32, #tpu.memory_space<vmem>>) semaphore(%arg21 : memref<!tpu.dma_semaphore, #tpu.memory_space<semaphore_mem>>)
    %dma_wait3A_198 = arith.constant 0 : i32
    %dma_wait3A_199 = tpu.memref_slice %arg17[%dma_wait3A_198] : memref<100096xf32, #tpu.memory_space<vmem_shared>> -> memref<100096xf32, #tpu.memory_space<vmem_shared>>
    tpu.wait_indirect_dma semaphore(%arg21 : memref<!tpu.dma_semaphore, #tpu.memory_space<semaphore_mem>>) src(%dma_wait3A_199 : memref<100096xf32, #tpu.memory_space<vmem_shared>>) dst(%arg12 : memref<12544xf32, #tpu.memory_space<vmem>>)
    %dma_wait3A_200 = arith.constant 0 : i32
    %dma_wait3A_201 = tpu.memref_slice %arg18[%dma_wait3A_200] : memref<100096xf32, #tpu.memory_space<vmem_shared>> -> memref<100096xf32, #tpu.memory_space<vmem_shared>>
    tpu.wait_indirect_dma semaphore(%arg24 : memref<!tpu.dma_semaphore, #tpu.memory_space<semaphore_mem>>) src(%arg13 : memref<12544xf32, #tpu.memory_space<vmem>>) dst(%dma_wait3A_201 : memref<100096xf32, #tpu.memory_space<vmem_shared>>)
    %add3A_202 = arith.constant 12192 : i32
    %add3A_203 = arith.addi %mul3A_4, %add3A_202 : i32
    %add3A_204 = arith.constant 75264 : i32
    %add3A_205 = arith.addi %add3A_203, %add3A_204 : i32
    %dma_start3A_206 = tpu.memref_slice %arg2[%add3A_205] : memref<6400000xi32, #tpu.memory_space<hbm>> -> memref<12544xi32, #tpu.memory_space<hbm>>
    %dma_start3A_207 = tpu.memref_slice %arg2[%add3A_205] : memref<6400000xi32, #tpu.memory_space<hbm>> -> memref<12544xi32, #tpu.memory_space<hbm>>
    tpu.enqueue_dma source(%dma_start3A_207 : memref<12544xi32, #tpu.memory_space<hbm>>) target(%arg9 : memref<12544xi32, #tpu.memory_space<vmem>>) target_semaphore(%arg20 : memref<!tpu.dma_semaphore, #tpu.memory_space<semaphore_mem>>)
    %add3A_208 = arith.constant 12192 : i32
    %add3A_209 = arith.addi %add3A_8, %add3A_208 : i32
    %add3A_210 = arith.constant 75264 : i32
    %add3A_211 = arith.addi %add3A_209, %add3A_210 : i32
    %dma_start3A_212 = tpu.memref_slice %arg2[%add3A_211] : memref<6400000xi32, #tpu.memory_space<hbm>> -> memref<12544xi32, #tpu.memory_space<hbm>>
    %dma_start3A_213 = tpu.memref_slice %arg2[%add3A_211] : memref<6400000xi32, #tpu.memory_space<hbm>> -> memref<12544xi32, #tpu.memory_space<hbm>>
    tpu.enqueue_dma source(%dma_start3A_213 : memref<12544xi32, #tpu.memory_space<hbm>>) target(%arg11 : memref<12544xi32, #tpu.memory_space<vmem>>) target_semaphore(%arg20 : memref<!tpu.dma_semaphore, #tpu.memory_space<semaphore_mem>>)
    %dma_start3A_214 = arith.constant 0 : i32
    %dma_start3A_215 = tpu.memref_slice %arg18[%dma_start3A_214] : memref<100096xf32, #tpu.memory_space<vmem_shared>> -> memref<100096xf32, #tpu.memory_space<vmem_shared>>
    tpu.enqueue_indirect_dma source(%arg12 : memref<12544xf32, #tpu.memory_space<vmem>>) target(%dma_start3A_215 : memref<100096xf32, #tpu.memory_space<vmem_shared>>) offsets(%arg10 : memref<12544xi32, #tpu.memory_space<vmem>>) semaphore(%arg23 : memref<!tpu.dma_semaphore, #tpu.memory_space<semaphore_mem>>) {add = true}
    %dma_wait3A_216 = tpu.memref_slice %arg2[%add3A_205] : memref<6400000xi32, #tpu.memory_space<hbm>> -> memref<12544xi32, #tpu.memory_space<hbm>>
    %dma_wait3A_217 = tpu.memref_slice %arg2[%add3A_205] : memref<6400000xi32, #tpu.memory_space<hbm>> -> memref<12544xi32, #tpu.memory_space<hbm>>
    tpu.wait_dma2 semaphore(%arg20 : memref<!tpu.dma_semaphore, #tpu.memory_space<semaphore_mem>>) src(%dma_wait3A_217 : memref<12544xi32, #tpu.memory_space<hbm>>) dst(%arg9 : memref<12544xi32, #tpu.memory_space<vmem>>)
    %dma_wait3A_218 = tpu.memref_slice %arg2[%add3A_211] : memref<6400000xi32, #tpu.memory_space<hbm>> -> memref<12544xi32, #tpu.memory_space<hbm>>
    %dma_wait3A_219 = tpu.memref_slice %arg2[%add3A_211] : memref<6400000xi32, #tpu.memory_space<hbm>> -> memref<12544xi32, #tpu.memory_space<hbm>>
    tpu.wait_dma2 semaphore(%arg20 : memref<!tpu.dma_semaphore, #tpu.memory_space<semaphore_mem>>) src(%dma_wait3A_219 : memref<12544xi32, #tpu.memory_space<hbm>>) dst(%arg11 : memref<12544xi32, #tpu.memory_space<vmem>>)
    %dma_start3A_220 = arith.constant 0 : i32
    %dma_start3A_221 = tpu.memref_slice %arg17[%dma_start3A_220] : memref<100096xf32, #tpu.memory_space<vmem_shared>> -> memref<100096xf32, #tpu.memory_space<vmem_shared>>
    tpu.enqueue_indirect_dma source(%dma_start3A_221 : memref<100096xf32, #tpu.memory_space<vmem_shared>>) target(%arg13 : memref<12544xf32, #tpu.memory_space<vmem>>) offsets(%arg9 : memref<12544xi32, #tpu.memory_space<vmem>>) semaphore(%arg22 : memref<!tpu.dma_semaphore, #tpu.memory_space<semaphore_mem>>)
    %dma_wait3A_222 = arith.constant 0 : i32
    %dma_wait3A_223 = tpu.memref_slice %arg17[%dma_wait3A_222] : memref<100096xf32, #tpu.memory_space<vmem_shared>> -> memref<100096xf32, #tpu.memory_space<vmem_shared>>
    tpu.wait_indirect_dma semaphore(%arg22 : memref<!tpu.dma_semaphore, #tpu.memory_space<semaphore_mem>>) src(%dma_wait3A_223 : memref<100096xf32, #tpu.memory_space<vmem_shared>>) dst(%arg13 : memref<12544xf32, #tpu.memory_space<vmem>>)
    %dma_start3A_224 = arith.constant 0 : i32
    %dma_start3A_225 = tpu.memref_slice %arg18[%dma_start3A_224] : memref<100096xf32, #tpu.memory_space<vmem_shared>> -> memref<100096xf32, #tpu.memory_space<vmem_shared>>
    tpu.enqueue_indirect_dma source(%arg13 : memref<12544xf32, #tpu.memory_space<vmem>>) target(%dma_start3A_225 : memref<100096xf32, #tpu.memory_space<vmem_shared>>) offsets(%arg11 : memref<12544xi32, #tpu.memory_space<vmem>>) semaphore(%arg24 : memref<!tpu.dma_semaphore, #tpu.memory_space<semaphore_mem>>) {add = true}
    %dma_wait3A_226 = arith.constant 0 : i32
    %dma_wait3A_227 = tpu.memref_slice %arg18[%dma_wait3A_226] : memref<100096xf32, #tpu.memory_space<vmem_shared>> -> memref<100096xf32, #tpu.memory_space<vmem_shared>>
    tpu.wait_indirect_dma semaphore(%arg23 : memref<!tpu.dma_semaphore, #tpu.memory_space<semaphore_mem>>) src(%arg12 : memref<12544xf32, #tpu.memory_space<vmem>>) dst(%dma_wait3A_227 : memref<100096xf32, #tpu.memory_space<vmem_shared>>)
    %dma_wait3A_228 = arith.constant 0 : i32
    %dma_wait3A_229 = tpu.memref_slice %arg18[%dma_wait3A_228] : memref<100096xf32, #tpu.memory_space<vmem_shared>> -> memref<100096xf32, #tpu.memory_space<vmem_shared>>
    tpu.wait_indirect_dma semaphore(%arg24 : memref<!tpu.dma_semaphore, #tpu.memory_space<semaphore_mem>>) src(%arg13 : memref<12544xf32, #tpu.memory_space<vmem>>) dst(%dma_wait3A_229 : memref<100096xf32, #tpu.memory_space<vmem_shared>>)
    %barrier3A_230 = arith.constant 0 : index
    tpu.barrier barrier_id(%barrier3A_230)
    "tpu.region"() ({
      %run_scoped3A = tpu.sem_alloc : memref<!tpu.dma_semaphore, #tpu.memory_space<semaphore_mem>>
      %dma_start3A_236 = tpu.memref_slice %arg18[%mul3A_2] : memref<100096xf32, #tpu.memory_space<vmem_shared>> -> memref<6256xf32, #tpu.memory_space<vmem_shared>>
      %dma_start3A_237 = tpu.memref_slice %arg18[%mul3A_2] : memref<100096xf32, #tpu.memory_space<vmem_shared>> -> memref<6256xf32, #tpu.memory_space<vmem_shared>>
      tpu.enqueue_dma source(%dma_start3A_237 : memref<6256xf32, #tpu.memory_space<vmem_shared>>) target(%arg15 : memref<6256xf32, #tpu.memory_space<vmem>>) target_semaphore(%run_scoped3A : memref<!tpu.dma_semaphore, #tpu.memory_space<semaphore_mem>>)
      %dma_wait3A_238 = tpu.memref_slice %arg18[%mul3A_2] : memref<100096xf32, #tpu.memory_space<vmem_shared>> -> memref<6256xf32, #tpu.memory_space<vmem_shared>>
      %dma_wait3A_239 = tpu.memref_slice %arg18[%mul3A_2] : memref<100096xf32, #tpu.memory_space<vmem_shared>> -> memref<6256xf32, #tpu.memory_space<vmem_shared>>
      tpu.wait_dma2 semaphore(%run_scoped3A : memref<!tpu.dma_semaphore, #tpu.memory_space<semaphore_mem>>) src(%dma_wait3A_239 : memref<6256xf32, #tpu.memory_space<vmem_shared>>) dst(%arg15 : memref<6256xf32, #tpu.memory_space<vmem>>)
      tpu.yield
    }) : () -> ()
    %mul3A_231 = arith.constant 100096 : i32
    %mul3A_232 = arith.muli %arg0, %mul3A_231 : i32
    %mul3A_233 = arith.constant 6256 : i32
    %mul3A_234 = arith.muli %arg1, %mul3A_233 : i32
    %add3A_235 = arith.addi %mul3A_232, %mul3A_234 : i32
    "tpu.region"() ({
      %run_scoped3A = tpu.sem_alloc : memref<!tpu.dma_semaphore, #tpu.memory_space<semaphore_mem>>
      %dma_start3A_236 = tpu.memref_slice %arg5[%add3A_235] : memref<200192xf32, #tpu.memory_space<hbm>> -> memref<6256xf32, #tpu.memory_space<hbm>>
      %dma_start3A_237 = tpu.memref_slice %arg5[%add3A_235] : memref<200192xf32, #tpu.memory_space<hbm>> -> memref<6256xf32, #tpu.memory_space<hbm>>
      tpu.enqueue_dma source(%arg15 : memref<6256xf32, #tpu.memory_space<vmem>>) target(%dma_start3A_237 : memref<6256xf32, #tpu.memory_space<hbm>>) target_semaphore(%run_scoped3A : memref<!tpu.dma_semaphore, #tpu.memory_space<semaphore_mem>>)
      %dma_wait3A_238 = tpu.memref_slice %arg5[%add3A_235] : memref<200192xf32, #tpu.memory_space<hbm>> -> memref<6256xf32, #tpu.memory_space<hbm>>
      %dma_wait3A_239 = tpu.memref_slice %arg5[%add3A_235] : memref<200192xf32, #tpu.memory_space<hbm>> -> memref<6256xf32, #tpu.memory_space<hbm>>
      tpu.wait_dma2 semaphore(%run_scoped3A : memref<!tpu.dma_semaphore, #tpu.memory_space<semaphore_mem>>) src(%arg15 : memref<6256xf32, #tpu.memory_space<vmem>>) dst(%dma_wait3A_239 : memref<6256xf32, #tpu.memory_space<hbm>>)
      tpu.yield
    }) : () -> ()
    return
  }
}

#map = affine_map<(d0, d1) -> (0)>
module attributes {stable_mosaic.version = 14 : i64} {
  func.func @_deg_body(%arg0: i32, %arg1: i32, %arg2: memref<6400000xi32, #tpu.memory_space<hbm>>, %arg3: memref<200192xf32, #tpu.memory_space<hbm>>, %arg4: memref<12544xi32, #tpu.memory_space<vmem>>, %arg5: memref<12544xi32, #tpu.memory_space<vmem>>, %arg6: memref<12544xf32, #tpu.memory_space<vmem>>, %arg7: memref<6256xf32, #tpu.memory_space<vmem>>, %arg8: memref<100096xf32, #tpu.memory_space<vmem_shared>>, %arg9: memref<!tpu.dma_semaphore, #tpu.memory_space<semaphore_mem>>, %arg10: memref<!tpu.dma_semaphore, #tpu.memory_space<semaphore_mem>>, %arg11: memref<!tpu.dma_semaphore, #tpu.memory_space<semaphore_mem>>, %arg12: memref<!tpu.dma_semaphore, #tpu.memory_space<semaphore_mem>>) attributes {dimension_semantics = [#tpu.dimension_semantics<core_parallel>, #tpu.dimension_semantics<subcore_parallel>], iteration_bounds = array<i64: 2, 16>, scalar_prefetch = 0 : i64, scratch_operands = 9 : i64, tpu.core_type = #tpu.core_type<sc_vector_subcore>, window_params = [{transform_indices = #map}, {transform_indices = #map}]} {
    %mul3A = arith.constant 2 : i32
    %mul3A_0 = arith.muli %arg1, %mul3A : i32
    %add3A = arith.addi %mul3A_0, %arg0 : i32
    %mul3A_1 = arith.constant 6256 : i32
    %mul3A_2 = arith.muli %arg1, %mul3A_1 : i32
    %mul3A_3 = arith.constant 100000 : i32
    %mul3A_4 = arith.muli %add3A, %mul3A_3 : i32
    %add3A_5 = arith.constant 3200000 : i32
    %add3A_6 = arith.addi %add3A_5, %mul3A_4 : i32
    %scan3A = arith.constant 0 : i32
    %scan3A_7 = arith.constant 0 : i32
    %scan3A_8 = arith.constant 22 : i32
    %scan3A_9 = arith.addi %scan3A_7, %scan3A_8 : i32
    %scan3A_10 = arith.constant 1 : i32
    scf.for %scan3A_128 = %scan3A_7 to %scan3A_9 step %scan3A_10  : i32 {
      %broadcast_in_dim3A = arith.constant 100000 : i32
      %broadcast_in_dim3A_129 = vector.broadcast %broadcast_in_dim3A : i32 to vector<16xi32>
      %mul3A_130 = arith.constant 16 : i32
      %mul3A_131 = arith.muli %scan3A_128, %mul3A_130 : i32
      %add3A_132 = arith.constant 12192 : i32
      %add3A_133 = arith.addi %add3A_132, %mul3A_131 : i32
      %swap3A = arith.index_cast %add3A_133 : i32 to index
      %swap3A_134 = tpu.vector_load %arg4[%swap3A] {strides = array<i32>} : memref<12544xi32, #tpu.memory_space<vmem>>, vector<16xi32>,
      %swap3A_135 = vector.shape_cast %swap3A_134 : vector<16xi32> to vector<16xi32>
      %swap3A_136 = vector.shape_cast %broadcast_in_dim3A_129 : vector<16xi32> to vector<16xi32>
      tpu.vector_store %arg4[%swap3A], %swap3A_136 {strides = array<i32>} : memref<12544xi32, #tpu.memory_space<vmem>>, vector<16xi32>,
    }
    %scan3A_11 = arith.constant 22 : i32
    %dma_start3A = arith.constant 0 : i32
    %dma_start3A_12 = tpu.memref_slice %arg4[%dma_start3A] : memref<12544xi32, #tpu.memory_space<vmem>> -> memref<12192xi32, #tpu.memory_space<vmem>>
    %dma_start3A_13 = tpu.memref_slice %arg2[%add3A_6] : memref<6400000xi32, #tpu.memory_space<hbm>> -> memref<12192xi32, #tpu.memory_space<hbm>>
    %dma_start3A_14 = arith.constant 0 : i32
    %dma_start3A_15 = tpu.memref_slice %arg4[%dma_start3A_14] : memref<12544xi32, #tpu.memory_space<vmem>> -> memref<12192xi32, #tpu.memory_space<vmem>>
    %dma_start3A_16 = tpu.memref_slice %arg2[%add3A_6] : memref<6400000xi32, #tpu.memory_space<hbm>> -> memref<12192xi32, #tpu.memory_space<hbm>>
    tpu.enqueue_dma source(%dma_start3A_16 : memref<12192xi32, #tpu.memory_space<hbm>>) target(%dma_start3A_15 : memref<12192xi32, #tpu.memory_space<vmem>>) target_semaphore(%arg9 : memref<!tpu.dma_semaphore, #tpu.memory_space<semaphore_mem>>)
    %add3A_17 = arith.constant 12192 : i32
    %add3A_18 = arith.addi %add3A_6, %add3A_17 : i32
    %add3A_19 = arith.constant 0 : i32
    %add3A_20 = arith.addi %add3A_18, %add3A_19 : i32
    %dma_start3A_21 = tpu.memref_slice %arg2[%add3A_20] : memref<6400000xi32, #tpu.memory_space<hbm>> -> memref<12544xi32, #tpu.memory_space<hbm>>
    %dma_start3A_22 = tpu.memref_slice %arg2[%add3A_20] : memref<6400000xi32, #tpu.memory_space<hbm>> -> memref<12544xi32, #tpu.memory_space<hbm>>
    tpu.enqueue_dma source(%dma_start3A_22 : memref<12544xi32, #tpu.memory_space<hbm>>) target(%arg5 : memref<12544xi32, #tpu.memory_space<vmem>>) target_semaphore(%arg10 : memref<!tpu.dma_semaphore, #tpu.memory_space<semaphore_mem>>)
    %scan3A_23 = arith.constant 0 : i32
    %scan3A_24 = arith.constant 0 : i32
    %scan3A_25 = arith.constant 391 : i32
    %scan3A_26 = arith.addi %scan3A_24, %scan3A_25 : i32
    %scan3A_27 = arith.constant 1 : i32
    scf.for %scan3A_128 = %scan3A_24 to %scan3A_26 step %scan3A_27  : i32 {
      %broadcast_in_dim3A = arith.constant 0.000000e+00 : f32
      %broadcast_in_dim3A_129 = vector.broadcast %broadcast_in_dim3A : f32 to vector<16xf32>
      %mul3A_130 = arith.constant 16 : i32
      %mul3A_131 = arith.muli %scan3A_128, %mul3A_130 : i32
      %swap3A = arith.index_cast %mul3A_131 : i32 to index
      %swap3A_132 = tpu.vector_load %arg7[%swap3A] {strides = array<i32>} : memref<6256xf32, #tpu.memory_space<vmem>>, vector<16xf32>,
      %swap3A_133 = vector.shape_cast %swap3A_132 : vector<16xf32> to vector<16xf32>
      %swap3A_134 = vector.shape_cast %broadcast_in_dim3A_129 : vector<16xf32> to vector<16xf32>
      tpu.vector_store %arg7[%swap3A], %swap3A_134 {strides = array<i32>} : memref<6256xf32, #tpu.memory_space<vmem>>, vector<16xf32>,
    }
    %scan3A_28 = arith.constant 391 : i32
    %scan3A_29 = arith.constant 0 : i32
    %scan3A_30 = arith.constant 0 : i32
    %scan3A_31 = arith.constant 784 : i32
    %scan3A_32 = arith.addi %scan3A_30, %scan3A_31 : i32
    %scan3A_33 = arith.constant 1 : i32
    scf.for %scan3A_128 = %scan3A_30 to %scan3A_32 step %scan3A_33  : i32 {
      %broadcast_in_dim3A = arith.constant 1.000000e+00 : f32
      %broadcast_in_dim3A_129 = vector.broadcast %broadcast_in_dim3A : f32 to vector<16xf32>
      %mul3A_130 = arith.constant 16 : i32
      %mul3A_131 = arith.muli %scan3A_128, %mul3A_130 : i32
      %swap3A = arith.index_cast %mul3A_131 : i32 to index
      %swap3A_132 = tpu.vector_load %arg6[%swap3A] {strides = array<i32>} : memref<12544xf32, #tpu.memory_space<vmem>>, vector<16xf32>,
      %swap3A_133 = vector.shape_cast %swap3A_132 : vector<16xf32> to vector<16xf32>
      %swap3A_134 = vector.shape_cast %broadcast_in_dim3A_129 : vector<16xf32> to vector<16xf32>
      tpu.vector_store %arg6[%swap3A], %swap3A_134 {strides = array<i32>} : memref<12544xf32, #tpu.memory_space<vmem>>, vector<16xf32>,
    }
    %scan3A_34 = arith.constant 784 : i32
    "tpu.region"() ({
      %run_scoped3A = tpu.sem_alloc : memref<!tpu.dma_semaphore, #tpu.memory_space<semaphore_mem>>
      %dma_start3A_128 = tpu.memref_slice %arg8[%mul3A_2] : memref<100096xf32, #tpu.memory_space<vmem_shared>> -> memref<6256xf32, #tpu.memory_space<vmem_shared>>
      %dma_start3A_129 = tpu.memref_slice %arg8[%mul3A_2] : memref<100096xf32, #tpu.memory_space<vmem_shared>> -> memref<6256xf32, #tpu.memory_space<vmem_shared>>
      tpu.enqueue_dma source(%arg7 : memref<6256xf32, #tpu.memory_space<vmem>>) target(%dma_start3A_129 : memref<6256xf32, #tpu.memory_space<vmem_shared>>) target_semaphore(%run_scoped3A : memref<!tpu.dma_semaphore, #tpu.memory_space<semaphore_mem>>)
      %dma_wait3A_130 = tpu.memref_slice %arg8[%mul3A_2] : memref<100096xf32, #tpu.memory_space<vmem_shared>> -> memref<6256xf32, #tpu.memory_space<vmem_shared>>
      %dma_wait3A_131 = tpu.memref_slice %arg8[%mul3A_2] : memref<100096xf32, #tpu.memory_space<vmem_shared>> -> memref<6256xf32, #tpu.memory_space<vmem_shared>>
      tpu.wait_dma2 semaphore(%run_scoped3A : memref<!tpu.dma_semaphore, #tpu.memory_space<semaphore_mem>>) src(%arg7 : memref<6256xf32, #tpu.memory_space<vmem>>) dst(%dma_wait3A_131 : memref<6256xf32, #tpu.memory_space<vmem_shared>>)
      tpu.yield
    }) : () -> ()
    %barrier3A = arith.constant 0 : index
    tpu.barrier barrier_id(%barrier3A)
    %dma_wait3A = arith.constant 0 : i32
    %dma_wait3A_35 = tpu.memref_slice %arg4[%dma_wait3A] : memref<12544xi32, #tpu.memory_space<vmem>> -> memref<12192xi32, #tpu.memory_space<vmem>>
    %dma_wait3A_36 = tpu.memref_slice %arg2[%add3A_6] : memref<6400000xi32, #tpu.memory_space<hbm>> -> memref<12192xi32, #tpu.memory_space<hbm>>
    %dma_wait3A_37 = arith.constant 0 : i32
    %dma_wait3A_38 = tpu.memref_slice %arg4[%dma_wait3A_37] : memref<12544xi32, #tpu.memory_space<vmem>> -> memref<12192xi32, #tpu.memory_space<vmem>>
    %dma_wait3A_39 = tpu.memref_slice %arg2[%add3A_6] : memref<6400000xi32, #tpu.memory_space<hbm>> -> memref<12192xi32, #tpu.memory_space<hbm>>
    tpu.wait_dma2 semaphore(%arg9 : memref<!tpu.dma_semaphore, #tpu.memory_space<semaphore_mem>>) src(%dma_wait3A_39 : memref<12192xi32, #tpu.memory_space<hbm>>) dst(%dma_wait3A_38 : memref<12192xi32, #tpu.memory_space<vmem>>)
    %dma_start3A_40 = arith.constant 0 : i32
    %dma_start3A_41 = tpu.memref_slice %arg8[%dma_start3A_40] : memref<100096xf32, #tpu.memory_space<vmem_shared>> -> memref<100096xf32, #tpu.memory_space<vmem_shared>>
    tpu.enqueue_indirect_dma source(%arg6 : memref<12544xf32, #tpu.memory_space<vmem>>) target(%dma_start3A_41 : memref<100096xf32, #tpu.memory_space<vmem_shared>>) offsets(%arg4 : memref<12544xi32, #tpu.memory_space<vmem>>) semaphore(%arg11 : memref<!tpu.dma_semaphore, #tpu.memory_space<semaphore_mem>>) {add = true}
    %dma_wait3A_42 = tpu.memref_slice %arg2[%add3A_20] : memref<6400000xi32, #tpu.memory_space<hbm>> -> memref<12544xi32, #tpu.memory_space<hbm>>
    %dma_wait3A_43 = tpu.memref_slice %arg2[%add3A_20] : memref<6400000xi32, #tpu.memory_space<hbm>> -> memref<12544xi32, #tpu.memory_space<hbm>>
    tpu.wait_dma2 semaphore(%arg10 : memref<!tpu.dma_semaphore, #tpu.memory_space<semaphore_mem>>) src(%dma_wait3A_43 : memref<12544xi32, #tpu.memory_space<hbm>>) dst(%arg5 : memref<12544xi32, #tpu.memory_space<vmem>>)
    %dma_wait3A_44 = arith.constant 0 : i32
    %dma_wait3A_45 = tpu.memref_slice %arg8[%dma_wait3A_44] : memref<100096xf32, #tpu.memory_space<vmem_shared>> -> memref<100096xf32, #tpu.memory_space<vmem_shared>>
    tpu.wait_indirect_dma semaphore(%arg11 : memref<!tpu.dma_semaphore, #tpu.memory_space<semaphore_mem>>) src(%arg6 : memref<12544xf32, #tpu.memory_space<vmem>>) dst(%dma_wait3A_45 : memref<100096xf32, #tpu.memory_space<vmem_shared>>)
    %add3A_46 = arith.constant 12192 : i32
    %add3A_47 = arith.addi %add3A_6, %add3A_46 : i32
    %add3A_48 = arith.constant 12544 : i32
    %add3A_49 = arith.addi %add3A_47, %add3A_48 : i32
    %dma_start3A_50 = tpu.memref_slice %arg2[%add3A_49] : memref<6400000xi32, #tpu.memory_space<hbm>> -> memref<12544xi32, #tpu.memory_space<hbm>>
    %dma_start3A_51 = tpu.memref_slice %arg2[%add3A_49] : memref<6400000xi32, #tpu.memory_space<hbm>> -> memref<12544xi32, #tpu.memory_space<hbm>>
    tpu.enqueue_dma source(%dma_start3A_51 : memref<12544xi32, #tpu.memory_space<hbm>>) target(%arg4 : memref<12544xi32, #tpu.memory_space<vmem>>) target_semaphore(%arg9 : memref<!tpu.dma_semaphore, #tpu.memory_space<semaphore_mem>>)
    %dma_start3A_52 = arith.constant 0 : i32
    %dma_start3A_53 = tpu.memref_slice %arg8[%dma_start3A_52] : memref<100096xf32, #tpu.memory_space<vmem_shared>> -> memref<100096xf32, #tpu.memory_space<vmem_shared>>
    tpu.enqueue_indirect_dma source(%arg6 : memref<12544xf32, #tpu.memory_space<vmem>>) target(%dma_start3A_53 : memref<100096xf32, #tpu.memory_space<vmem_shared>>) offsets(%arg5 : memref<12544xi32, #tpu.memory_space<vmem>>) semaphore(%arg12 : memref<!tpu.dma_semaphore, #tpu.memory_space<semaphore_mem>>) {add = true}
    %dma_wait3A_54 = tpu.memref_slice %arg2[%add3A_49] : memref<6400000xi32, #tpu.memory_space<hbm>> -> memref<12544xi32, #tpu.memory_space<hbm>>
    %dma_wait3A_55 = tpu.memref_slice %arg2[%add3A_49] : memref<6400000xi32, #tpu.memory_space<hbm>> -> memref<12544xi32, #tpu.memory_space<hbm>>
    tpu.wait_dma2 semaphore(%arg9 : memref<!tpu.dma_semaphore, #tpu.memory_space<semaphore_mem>>) src(%dma_wait3A_55 : memref<12544xi32, #tpu.memory_space<hbm>>) dst(%arg4 : memref<12544xi32, #tpu.memory_space<vmem>>)
    %dma_wait3A_56 = arith.constant 0 : i32
    %dma_wait3A_57 = tpu.memref_slice %arg8[%dma_wait3A_56] : memref<100096xf32, #tpu.memory_space<vmem_shared>> -> memref<100096xf32, #tpu.memory_space<vmem_shared>>
    tpu.wait_indirect_dma semaphore(%arg12 : memref<!tpu.dma_semaphore, #tpu.memory_space<semaphore_mem>>) src(%arg6 : memref<12544xf32, #tpu.memory_space<vmem>>) dst(%dma_wait3A_57 : memref<100096xf32, #tpu.memory_space<vmem_shared>>)
    %add3A_58 = arith.constant 12192 : i32
    %add3A_59 = arith.addi %add3A_6, %add3A_58 : i32
    %add3A_60 = arith.constant 25088 : i32
    %add3A_61 = arith.addi %add3A_59, %add3A_60 : i32
    %dma_start3A_62 = tpu.memref_slice %arg2[%add3A_61] : memref<6400000xi32, #tpu.memory_space<hbm>> -> memref<12544xi32, #tpu.memory_space<hbm>>
    %dma_start3A_63 = tpu.memref_slice %arg2[%add3A_61] : memref<6400000xi32, #tpu.memory_space<hbm>> -> memref<12544xi32, #tpu.memory_space<hbm>>
    tpu.enqueue_dma source(%dma_start3A_63 : memref<12544xi32, #tpu.memory_space<hbm>>) target(%arg5 : memref<12544xi32, #tpu.memory_space<vmem>>) target_semaphore(%arg10 : memref<!tpu.dma_semaphore, #tpu.memory_space<semaphore_mem>>)
    %dma_start3A_64 = arith.constant 0 : i32
    %dma_start3A_65 = tpu.memref_slice %arg8[%dma_start3A_64] : memref<100096xf32, #tpu.memory_space<vmem_shared>> -> memref<100096xf32, #tpu.memory_space<vmem_shared>>
    tpu.enqueue_indirect_dma source(%arg6 : memref<12544xf32, #tpu.memory_space<vmem>>) target(%dma_start3A_65 : memref<100096xf32, #tpu.memory_space<vmem_shared>>) offsets(%arg4 : memref<12544xi32, #tpu.memory_space<vmem>>) semaphore(%arg11 : memref<!tpu.dma_semaphore, #tpu.memory_space<semaphore_mem>>) {add = true}
    %dma_wait3A_66 = tpu.memref_slice %arg2[%add3A_61] : memref<6400000xi32, #tpu.memory_space<hbm>> -> memref<12544xi32, #tpu.memory_space<hbm>>
    %dma_wait3A_67 = tpu.memref_slice %arg2[%add3A_61] : memref<6400000xi32, #tpu.memory_space<hbm>> -> memref<12544xi32, #tpu.memory_space<hbm>>
    tpu.wait_dma2 semaphore(%arg10 : memref<!tpu.dma_semaphore, #tpu.memory_space<semaphore_mem>>) src(%dma_wait3A_67 : memref<12544xi32, #tpu.memory_space<hbm>>) dst(%arg5 : memref<12544xi32, #tpu.memory_space<vmem>>)
    %dma_wait3A_68 = arith.constant 0 : i32
    %dma_wait3A_69 = tpu.memref_slice %arg8[%dma_wait3A_68] : memref<100096xf32, #tpu.memory_space<vmem_shared>> -> memref<100096xf32, #tpu.memory_space<vmem_shared>>
    tpu.wait_indirect_dma semaphore(%arg11 : memref<!tpu.dma_semaphore, #tpu.memory_space<semaphore_mem>>) src(%arg6 : memref<12544xf32, #tpu.memory_space<vmem>>) dst(%dma_wait3A_69 : memref<100096xf32, #tpu.memory_space<vmem_shared>>)
    %add3A_70 = arith.constant 12192 : i32
    %add3A_71 = arith.addi %add3A_6, %add3A_70 : i32
    %add3A_72 = arith.constant 37632 : i32
    %add3A_73 = arith.addi %add3A_71, %add3A_72 : i32
    %dma_start3A_74 = tpu.memref_slice %arg2[%add3A_73] : memref<6400000xi32, #tpu.memory_space<hbm>> -> memref<12544xi32, #tpu.memory_space<hbm>>
    %dma_start3A_75 = tpu.memref_slice %arg2[%add3A_73] : memref<6400000xi32, #tpu.memory_space<hbm>> -> memref<12544xi32, #tpu.memory_space<hbm>>
    tpu.enqueue_dma source(%dma_start3A_75 : memref<12544xi32, #tpu.memory_space<hbm>>) target(%arg4 : memref<12544xi32, #tpu.memory_space<vmem>>) target_semaphore(%arg9 : memref<!tpu.dma_semaphore, #tpu.memory_space<semaphore_mem>>)
    %dma_start3A_76 = arith.constant 0 : i32
    %dma_start3A_77 = tpu.memref_slice %arg8[%dma_start3A_76] : memref<100096xf32, #tpu.memory_space<vmem_shared>> -> memref<100096xf32, #tpu.memory_space<vmem_shared>>
    tpu.enqueue_indirect_dma source(%arg6 : memref<12544xf32, #tpu.memory_space<vmem>>) target(%dma_start3A_77 : memref<100096xf32, #tpu.memory_space<vmem_shared>>) offsets(%arg5 : memref<12544xi32, #tpu.memory_space<vmem>>) semaphore(%arg12 : memref<!tpu.dma_semaphore, #tpu.memory_space<semaphore_mem>>) {add = true}
    %dma_wait3A_78 = tpu.memref_slice %arg2[%add3A_73] : memref<6400000xi32, #tpu.memory_space<hbm>> -> memref<12544xi32, #tpu.memory_space<hbm>>
    %dma_wait3A_79 = tpu.memref_slice %arg2[%add3A_73] : memref<6400000xi32, #tpu.memory_space<hbm>> -> memref<12544xi32, #tpu.memory_space<hbm>>
    tpu.wait_dma2 semaphore(%arg9 : memref<!tpu.dma_semaphore, #tpu.memory_space<semaphore_mem>>) src(%dma_wait3A_79 : memref<12544xi32, #tpu.memory_space<hbm>>) dst(%arg4 : memref<12544xi32, #tpu.memory_space<vmem>>)
    %dma_wait3A_80 = arith.constant 0 : i32
    %dma_wait3A_81 = tpu.memref_slice %arg8[%dma_wait3A_80] : memref<100096xf32, #tpu.memory_space<vmem_shared>> -> memref<100096xf32, #tpu.memory_space<vmem_shared>>
    tpu.wait_indirect_dma semaphore(%arg12 : memref<!tpu.dma_semaphore, #tpu.memory_space<semaphore_mem>>) src(%arg6 : memref<12544xf32, #tpu.memory_space<vmem>>) dst(%dma_wait3A_81 : memref<100096xf32, #tpu.memory_space<vmem_shared>>)
    %add3A_82 = arith.constant 12192 : i32
    %add3A_83 = arith.addi %add3A_6, %add3A_82 : i32
    %add3A_84 = arith.constant 50176 : i32
    %add3A_85 = arith.addi %add3A_83, %add3A_84 : i32
    %dma_start3A_86 = tpu.memref_slice %arg2[%add3A_85] : memref<6400000xi32, #tpu.memory_space<hbm>> -> memref<12544xi32, #tpu.memory_space<hbm>>
    %dma_start3A_87 = tpu.memref_slice %arg2[%add3A_85] : memref<6400000xi32, #tpu.memory_space<hbm>> -> memref<12544xi32, #tpu.memory_space<hbm>>
    tpu.enqueue_dma source(%dma_start3A_87 : memref<12544xi32, #tpu.memory_space<hbm>>) target(%arg5 : memref<12544xi32, #tpu.memory_space<vmem>>) target_semaphore(%arg10 : memref<!tpu.dma_semaphore, #tpu.memory_space<semaphore_mem>>)
    %dma_start3A_88 = arith.constant 0 : i32
    %dma_start3A_89 = tpu.memref_slice %arg8[%dma_start3A_88] : memref<100096xf32, #tpu.memory_space<vmem_shared>> -> memref<100096xf32, #tpu.memory_space<vmem_shared>>
    tpu.enqueue_indirect_dma source(%arg6 : memref<12544xf32, #tpu.memory_space<vmem>>) target(%dma_start3A_89 : memref<100096xf32, #tpu.memory_space<vmem_shared>>) offsets(%arg4 : memref<12544xi32, #tpu.memory_space<vmem>>) semaphore(%arg11 : memref<!tpu.dma_semaphore, #tpu.memory_space<semaphore_mem>>) {add = true}
    %dma_wait3A_90 = tpu.memref_slice %arg2[%add3A_85] : memref<6400000xi32, #tpu.memory_space<hbm>> -> memref<12544xi32, #tpu.memory_space<hbm>>
    %dma_wait3A_91 = tpu.memref_slice %arg2[%add3A_85] : memref<6400000xi32, #tpu.memory_space<hbm>> -> memref<12544xi32, #tpu.memory_space<hbm>>
    tpu.wait_dma2 semaphore(%arg10 : memref<!tpu.dma_semaphore, #tpu.memory_space<semaphore_mem>>) src(%dma_wait3A_91 : memref<12544xi32, #tpu.memory_space<hbm>>) dst(%arg5 : memref<12544xi32, #tpu.memory_space<vmem>>)
    %dma_wait3A_92 = arith.constant 0 : i32
    %dma_wait3A_93 = tpu.memref_slice %arg8[%dma_wait3A_92] : memref<100096xf32, #tpu.memory_space<vmem_shared>> -> memref<100096xf32, #tpu.memory_space<vmem_shared>>
    tpu.wait_indirect_dma semaphore(%arg11 : memref<!tpu.dma_semaphore, #tpu.memory_space<semaphore_mem>>) src(%arg6 : memref<12544xf32, #tpu.memory_space<vmem>>) dst(%dma_wait3A_93 : memref<100096xf32, #tpu.memory_space<vmem_shared>>)
    %add3A_94 = arith.constant 12192 : i32
    %add3A_95 = arith.addi %add3A_6, %add3A_94 : i32
    %add3A_96 = arith.constant 62720 : i32
    %add3A_97 = arith.addi %add3A_95, %add3A_96 : i32
    %dma_start3A_98 = tpu.memref_slice %arg2[%add3A_97] : memref<6400000xi32, #tpu.memory_space<hbm>> -> memref<12544xi32, #tpu.memory_space<hbm>>
    %dma_start3A_99 = tpu.memref_slice %arg2[%add3A_97] : memref<6400000xi32, #tpu.memory_space<hbm>> -> memref<12544xi32, #tpu.memory_space<hbm>>
    tpu.enqueue_dma source(%dma_start3A_99 : memref<12544xi32, #tpu.memory_space<hbm>>) target(%arg4 : memref<12544xi32, #tpu.memory_space<vmem>>) target_semaphore(%arg9 : memref<!tpu.dma_semaphore, #tpu.memory_space<semaphore_mem>>)
    %dma_start3A_100 = arith.constant 0 : i32
    %dma_start3A_101 = tpu.memref_slice %arg8[%dma_start3A_100] : memref<100096xf32, #tpu.memory_space<vmem_shared>> -> memref<100096xf32, #tpu.memory_space<vmem_shared>>
    tpu.enqueue_indirect_dma source(%arg6 : memref<12544xf32, #tpu.memory_space<vmem>>) target(%dma_start3A_101 : memref<100096xf32, #tpu.memory_space<vmem_shared>>) offsets(%arg5 : memref<12544xi32, #tpu.memory_space<vmem>>) semaphore(%arg12 : memref<!tpu.dma_semaphore, #tpu.memory_space<semaphore_mem>>) {add = true}
    %dma_wait3A_102 = tpu.memref_slice %arg2[%add3A_97] : memref<6400000xi32, #tpu.memory_space<hbm>> -> memref<12544xi32, #tpu.memory_space<hbm>>
    %dma_wait3A_103 = tpu.memref_slice %arg2[%add3A_97] : memref<6400000xi32, #tpu.memory_space<hbm>> -> memref<12544xi32, #tpu.memory_space<hbm>>
    tpu.wait_dma2 semaphore(%arg9 : memref<!tpu.dma_semaphore, #tpu.memory_space<semaphore_mem>>) src(%dma_wait3A_103 : memref<12544xi32, #tpu.memory_space<hbm>>) dst(%arg4 : memref<12544xi32, #tpu.memory_space<vmem>>)
    %dma_wait3A_104 = arith.constant 0 : i32
    %dma_wait3A_105 = tpu.memref_slice %arg8[%dma_wait3A_104] : memref<100096xf32, #tpu.memory_space<vmem_shared>> -> memref<100096xf32, #tpu.memory_space<vmem_shared>>
    tpu.wait_indirect_dma semaphore(%arg12 : memref<!tpu.dma_semaphore, #tpu.memory_space<semaphore_mem>>) src(%arg6 : memref<12544xf32, #tpu.memory_space<vmem>>) dst(%dma_wait3A_105 : memref<100096xf32, #tpu.memory_space<vmem_shared>>)
    %add3A_106 = arith.constant 12192 : i32
    %add3A_107 = arith.addi %add3A_6, %add3A_106 : i32
    %add3A_108 = arith.constant 75264 : i32
    %add3A_109 = arith.addi %add3A_107, %add3A_108 : i32
    %dma_start3A_110 = tpu.memref_slice %arg2[%add3A_109] : memref<6400000xi32, #tpu.memory_space<hbm>> -> memref<12544xi32, #tpu.memory_space<hbm>>
    %dma_start3A_111 = tpu.memref_slice %arg2[%add3A_109] : memref<6400000xi32, #tpu.memory_space<hbm>> -> memref<12544xi32, #tpu.memory_space<hbm>>
    tpu.enqueue_dma source(%dma_start3A_111 : memref<12544xi32, #tpu.memory_space<hbm>>) target(%arg5 : memref<12544xi32, #tpu.memory_space<vmem>>) target_semaphore(%arg10 : memref<!tpu.dma_semaphore, #tpu.memory_space<semaphore_mem>>)
    %dma_start3A_112 = arith.constant 0 : i32
    %dma_start3A_113 = tpu.memref_slice %arg8[%dma_start3A_112] : memref<100096xf32, #tpu.memory_space<vmem_shared>> -> memref<100096xf32, #tpu.memory_space<vmem_shared>>
    tpu.enqueue_indirect_dma source(%arg6 : memref<12544xf32, #tpu.memory_space<vmem>>) target(%dma_start3A_113 : memref<100096xf32, #tpu.memory_space<vmem_shared>>) offsets(%arg4 : memref<12544xi32, #tpu.memory_space<vmem>>) semaphore(%arg11 : memref<!tpu.dma_semaphore, #tpu.memory_space<semaphore_mem>>) {add = true}
    %dma_wait3A_114 = tpu.memref_slice %arg2[%add3A_109] : memref<6400000xi32, #tpu.memory_space<hbm>> -> memref<12544xi32, #tpu.memory_space<hbm>>
    %dma_wait3A_115 = tpu.memref_slice %arg2[%add3A_109] : memref<6400000xi32, #tpu.memory_space<hbm>> -> memref<12544xi32, #tpu.memory_space<hbm>>
    tpu.wait_dma2 semaphore(%arg10 : memref<!tpu.dma_semaphore, #tpu.memory_space<semaphore_mem>>) src(%dma_wait3A_115 : memref<12544xi32, #tpu.memory_space<hbm>>) dst(%arg5 : memref<12544xi32, #tpu.memory_space<vmem>>)
    %dma_start3A_116 = arith.constant 0 : i32
    %dma_start3A_117 = tpu.memref_slice %arg8[%dma_start3A_116] : memref<100096xf32, #tpu.memory_space<vmem_shared>> -> memref<100096xf32, #tpu.memory_space<vmem_shared>>
    tpu.enqueue_indirect_dma source(%arg6 : memref<12544xf32, #tpu.memory_space<vmem>>) target(%dma_start3A_117 : memref<100096xf32, #tpu.memory_space<vmem_shared>>) offsets(%arg5 : memref<12544xi32, #tpu.memory_space<vmem>>) semaphore(%arg12 : memref<!tpu.dma_semaphore, #tpu.memory_space<semaphore_mem>>) {add = true}
    %dma_wait3A_118 = arith.constant 0 : i32
    %dma_wait3A_119 = tpu.memref_slice %arg8[%dma_wait3A_118] : memref<100096xf32, #tpu.memory_space<vmem_shared>> -> memref<100096xf32, #tpu.memory_space<vmem_shared>>
    tpu.wait_indirect_dma semaphore(%arg11 : memref<!tpu.dma_semaphore, #tpu.memory_space<semaphore_mem>>) src(%arg6 : memref<12544xf32, #tpu.memory_space<vmem>>) dst(%dma_wait3A_119 : memref<100096xf32, #tpu.memory_space<vmem_shared>>)
    %dma_wait3A_120 = arith.constant 0 : i32
    %dma_wait3A_121 = tpu.memref_slice %arg8[%dma_wait3A_120] : memref<100096xf32, #tpu.memory_space<vmem_shared>> -> memref<100096xf32, #tpu.memory_space<vmem_shared>>
    tpu.wait_indirect_dma semaphore(%arg12 : memref<!tpu.dma_semaphore, #tpu.memory_space<semaphore_mem>>) src(%arg6 : memref<12544xf32, #tpu.memory_space<vmem>>) dst(%dma_wait3A_121 : memref<100096xf32, #tpu.memory_space<vmem_shared>>)
    %barrier3A_122 = arith.constant 0 : index
    tpu.barrier barrier_id(%barrier3A_122)
    "tpu.region"() ({
      %run_scoped3A = tpu.sem_alloc : memref<!tpu.dma_semaphore, #tpu.memory_space<semaphore_mem>>
      %dma_start3A_128 = tpu.memref_slice %arg8[%mul3A_2] : memref<100096xf32, #tpu.memory_space<vmem_shared>> -> memref<6256xf32, #tpu.memory_space<vmem_shared>>
      %dma_start3A_129 = tpu.memref_slice %arg8[%mul3A_2] : memref<100096xf32, #tpu.memory_space<vmem_shared>> -> memref<6256xf32, #tpu.memory_space<vmem_shared>>
      tpu.enqueue_dma source(%dma_start3A_129 : memref<6256xf32, #tpu.memory_space<vmem_shared>>) target(%arg7 : memref<6256xf32, #tpu.memory_space<vmem>>) target_semaphore(%run_scoped3A : memref<!tpu.dma_semaphore, #tpu.memory_space<semaphore_mem>>)
      %dma_wait3A_130 = tpu.memref_slice %arg8[%mul3A_2] : memref<100096xf32, #tpu.memory_space<vmem_shared>> -> memref<6256xf32, #tpu.memory_space<vmem_shared>>
      %dma_wait3A_131 = tpu.memref_slice %arg8[%mul3A_2] : memref<100096xf32, #tpu.memory_space<vmem_shared>> -> memref<6256xf32, #tpu.memory_space<vmem_shared>>
      tpu.wait_dma2 semaphore(%run_scoped3A : memref<!tpu.dma_semaphore, #tpu.memory_space<semaphore_mem>>) src(%dma_wait3A_131 : memref<6256xf32, #tpu.memory_space<vmem_shared>>) dst(%arg7 : memref<6256xf32, #tpu.memory_space<vmem>>)
      tpu.yield
    }) : () -> ()
    %mul3A_123 = arith.constant 100096 : i32
    %mul3A_124 = arith.muli %arg0, %mul3A_123 : i32
    %mul3A_125 = arith.constant 6256 : i32
    %mul3A_126 = arith.muli %arg1, %mul3A_125 : i32
    %add3A_127 = arith.addi %mul3A_124, %mul3A_126 : i32
    "tpu.region"() ({
      %run_scoped3A = tpu.sem_alloc : memref<!tpu.dma_semaphore, #tpu.memory_space<semaphore_mem>>
      %dma_start3A_128 = tpu.memref_slice %arg3[%add3A_127] : memref<200192xf32, #tpu.memory_space<hbm>> -> memref<6256xf32, #tpu.memory_space<hbm>>
      %dma_start3A_129 = tpu.memref_slice %arg3[%add3A_127] : memref<200192xf32, #tpu.memory_space<hbm>> -> memref<6256xf32, #tpu.memory_space<hbm>>
      tpu.enqueue_dma source(%arg7 : memref<6256xf32, #tpu.memory_space<vmem>>) target(%dma_start3A_129 : memref<6256xf32, #tpu.memory_space<hbm>>) target_semaphore(%run_scoped3A : memref<!tpu.dma_semaphore, #tpu.memory_space<semaphore_mem>>)
      %dma_wait3A_130 = tpu.memref_slice %arg3[%add3A_127] : memref<200192xf32, #tpu.memory_space<hbm>> -> memref<6256xf32, #tpu.memory_space<hbm>>
      %dma_wait3A_131 = tpu.memref_slice %arg3[%add3A_127] : memref<200192xf32, #tpu.memory_space<hbm>> -> memref<6256xf32, #tpu.memory_space<hbm>>
      tpu.wait_dma2 semaphore(%run_scoped3A : memref<!tpu.dma_semaphore, #tpu.memory_space<semaphore_mem>>) src(%arg7 : memref<6256xf32, #tpu.memory_space<vmem>>) dst(%dma_wait3A_131 : memref<6256xf32, #tpu.memory_space<hbm>>)
      tpu.yield
    }) : () -> ()
    return
  }
}

#map = affine_map<(d0, d1) -> (0)>
module attributes {stable_mosaic.version = 14 : i64} {
  func.func @_s2_body(%arg0: i32, %arg1: i32, %arg2: memref<6400000xi32, #tpu.memory_space<hbm>>, %arg3: memref<200192xf32, #tpu.memory_space<hbm>>, %arg4: memref<100096xf32, #tpu.memory_space<hbm>>, %arg5: memref<100096xf32, #tpu.memory_space<hbm>>, %arg6: memref<64xf32, #tpu.memory_space<hbm>>, %arg7: memref<400384xf32, #tpu.memory_space<hbm>>, %arg8: memref<100096xf32, #tpu.memory_space<hbm>>, %arg9: memref<100096xf32, #tpu.memory_space<hbm>>, %arg10: memref<12544xi32, #tpu.memory_space<vmem>>, %arg11: memref<12544xi32, #tpu.memory_space<vmem>>, %arg12: memref<12544xi32, #tpu.memory_space<vmem>>, %arg13: memref<12544xi32, #tpu.memory_space<vmem>>, %arg14: memref<12544xf32, #tpu.memory_space<vmem>>, %arg15: memref<12544xf32, #tpu.memory_space<vmem>>, %arg16: memref<6256xf32, #tpu.memory_space<vmem>>, %arg17: memref<6256xf32, #tpu.memory_space<vmem>>, %arg18: memref<6256xf32, #tpu.memory_space<vmem>>, %arg19: memref<6256xf32, #tpu.memory_space<vmem>>, %arg20: memref<64xf32, #tpu.memory_space<vmem>>, %arg21: memref<100096xf32, #tpu.memory_space<vmem_shared>>, %arg22: memref<100096xf32, #tpu.memory_space<vmem_shared>>, %arg23: memref<100096xf32, #tpu.memory_space<vmem_shared>>, %arg24: memref<100096xf32, #tpu.memory_space<vmem_shared>>, %arg25: memref<!tpu.dma_semaphore, #tpu.memory_space<semaphore_mem>>, %arg26: memref<!tpu.dma_semaphore, #tpu.memory_space<semaphore_mem>>, %arg27: memref<!tpu.dma_semaphore, #tpu.memory_space<semaphore_mem>>, %arg28: memref<!tpu.dma_semaphore, #tpu.memory_space<semaphore_mem>>, %arg29: memref<!tpu.dma_semaphore, #tpu.memory_space<semaphore_mem>>) attributes {dimension_semantics = [#tpu.dimension_semantics<core_parallel>, #tpu.dimension_semantics<subcore_parallel>], iteration_bounds = array<i64: 2, 16>, scalar_prefetch = 0 : i64, scratch_operands = 20 : i64, tpu.core_type = #tpu.core_type<sc_vector_subcore>, window_params = [{transform_indices = #map}, {transform_indices = #map}, {transform_indices = #map}, {transform_indices = #map}, {transform_indices = #map}, {transform_indices = #map}, {transform_indices = #map}, {transform_indices = #map}]} {
    %mul3A = arith.constant 2 : i32
    %mul3A_0 = arith.muli %arg1, %mul3A : i32
    %add3A = arith.addi %mul3A_0, %arg0 : i32
    %mul3A_1 = arith.constant 6256 : i32
    %mul3A_2 = arith.muli %arg1, %mul3A_1 : i32
    %mul3A_3 = arith.constant 100000 : i32
    %mul3A_4 = arith.muli %add3A, %mul3A_3 : i32
    %mul3A_5 = arith.constant 100000 : i32
    %mul3A_6 = arith.muli %add3A, %mul3A_5 : i32
    %add3A_7 = arith.constant 3200000 : i32
    %add3A_8 = arith.addi %add3A_7, %mul3A_6 : i32
    %scan3A = arith.constant 0 : i32
    %scan3A_9 = arith.constant 0 : i32
    %scan3A_10 = arith.constant 22 : i32
    %scan3A_11 = arith.addi %scan3A_9, %scan3A_10 : i32
    %scan3A_12 = arith.constant 1 : i32
    scf.for %scan3A_314 = %scan3A_9 to %scan3A_11 step %scan3A_12  : i32 {
      %broadcast_in_dim3A = arith.constant 100000 : i32
      %broadcast_in_dim3A_315 = vector.broadcast %broadcast_in_dim3A : i32 to vector<16xi32>
      %mul3A_316 = arith.constant 16 : i32
      %mul3A_317 = arith.muli %scan3A_314, %mul3A_316 : i32
      %add3A_318 = arith.constant 12192 : i32
      %add3A_319 = arith.addi %add3A_318, %mul3A_317 : i32
      %swap3A = arith.index_cast %add3A_319 : i32 to index
      %swap3A_320 = tpu.vector_load %arg10[%swap3A] {strides = array<i32>} : memref<12544xi32, #tpu.memory_space<vmem>>, vector<16xi32>,
      %swap3A_321 = vector.shape_cast %swap3A_320 : vector<16xi32> to vector<16xi32>
      %swap3A_322 = vector.shape_cast %broadcast_in_dim3A_315 : vector<16xi32> to vector<16xi32>
      tpu.vector_store %arg10[%swap3A], %swap3A_322 {strides = array<i32>} : memref<12544xi32, #tpu.memory_space<vmem>>, vector<16xi32>,
    }
    %scan3A_13 = arith.constant 22 : i32
    %scan3A_14 = arith.constant 0 : i32
    %scan3A_15 = arith.constant 0 : i32
    %scan3A_16 = arith.constant 22 : i32
    %scan3A_17 = arith.addi %scan3A_15, %scan3A_16 : i32
    %scan3A_18 = arith.constant 1 : i32
    scf.for %scan3A_314 = %scan3A_15 to %scan3A_17 step %scan3A_18  : i32 {
      %broadcast_in_dim3A = arith.constant 100000 : i32
      %broadcast_in_dim3A_315 = vector.broadcast %broadcast_in_dim3A : i32 to vector<16xi32>
      %mul3A_316 = arith.constant 16 : i32
      %mul3A_317 = arith.muli %scan3A_314, %mul3A_316 : i32
      %add3A_318 = arith.constant 12192 : i32
      %add3A_319 = arith.addi %add3A_318, %mul3A_317 : i32
      %swap3A = arith.index_cast %add3A_319 : i32 to index
      %swap3A_320 = tpu.vector_load %arg12[%swap3A] {strides = array<i32>} : memref<12544xi32, #tpu.memory_space<vmem>>, vector<16xi32>,
      %swap3A_321 = vector.shape_cast %swap3A_320 : vector<16xi32> to vector<16xi32>
      %swap3A_322 = vector.shape_cast %broadcast_in_dim3A_315 : vector<16xi32> to vector<16xi32>
      tpu.vector_store %arg12[%swap3A], %swap3A_322 {strides = array<i32>} : memref<12544xi32, #tpu.memory_space<vmem>>, vector<16xi32>,
    }
    %scan3A_19 = arith.constant 22 : i32
    %dma_start3A = arith.constant 0 : i32
    %dma_start3A_20 = tpu.memref_slice %arg10[%dma_start3A] : memref<12544xi32, #tpu.memory_space<vmem>> -> memref<12192xi32, #tpu.memory_space<vmem>>
    %dma_start3A_21 = tpu.memref_slice %arg2[%mul3A_4] : memref<6400000xi32, #tpu.memory_space<hbm>> -> memref<12192xi32, #tpu.memory_space<hbm>>
    %dma_start3A_22 = arith.constant 0 : i32
    %dma_start3A_23 = tpu.memref_slice %arg10[%dma_start3A_22] : memref<12544xi32, #tpu.memory_space<vmem>> -> memref<12192xi32, #tpu.memory_space<vmem>>
    %dma_start3A_24 = tpu.memref_slice %arg2[%mul3A_4] : memref<6400000xi32, #tpu.memory_space<hbm>> -> memref<12192xi32, #tpu.memory_space<hbm>>
    tpu.enqueue_dma source(%dma_start3A_24 : memref<12192xi32, #tpu.memory_space<hbm>>) target(%dma_start3A_23 : memref<12192xi32, #tpu.memory_space<vmem>>) target_semaphore(%arg25 : memref<!tpu.dma_semaphore, #tpu.memory_space<semaphore_mem>>)
    %dma_start3A_25 = arith.constant 0 : i32
    %dma_start3A_26 = tpu.memref_slice %arg12[%dma_start3A_25] : memref<12544xi32, #tpu.memory_space<vmem>> -> memref<12192xi32, #tpu.memory_space<vmem>>
    %dma_start3A_27 = tpu.memref_slice %arg2[%add3A_8] : memref<6400000xi32, #tpu.memory_space<hbm>> -> memref<12192xi32, #tpu.memory_space<hbm>>
    %dma_start3A_28 = arith.constant 0 : i32
    %dma_start3A_29 = tpu.memref_slice %arg12[%dma_start3A_28] : memref<12544xi32, #tpu.memory_space<vmem>> -> memref<12192xi32, #tpu.memory_space<vmem>>
    %dma_start3A_30 = tpu.memref_slice %arg2[%add3A_8] : memref<6400000xi32, #tpu.memory_space<hbm>> -> memref<12192xi32, #tpu.memory_space<hbm>>
    tpu.enqueue_dma source(%dma_start3A_30 : memref<12192xi32, #tpu.memory_space<hbm>>) target(%dma_start3A_29 : memref<12192xi32, #tpu.memory_space<vmem>>) target_semaphore(%arg25 : memref<!tpu.dma_semaphore, #tpu.memory_space<semaphore_mem>>)
    %add3A_31 = arith.constant 12192 : i32
    %add3A_32 = arith.addi %mul3A_4, %add3A_31 : i32
    %add3A_33 = arith.constant 0 : i32
    %add3A_34 = arith.addi %add3A_32, %add3A_33 : i32
    %dma_start3A_35 = tpu.memref_slice %arg2[%add3A_34] : memref<6400000xi32, #tpu.memory_space<hbm>> -> memref<12544xi32, #tpu.memory_space<hbm>>
    %dma_start3A_36 = tpu.memref_slice %arg2[%add3A_34] : memref<6400000xi32, #tpu.memory_space<hbm>> -> memref<12544xi32, #tpu.memory_space<hbm>>
    tpu.enqueue_dma source(%dma_start3A_36 : memref<12544xi32, #tpu.memory_space<hbm>>) target(%arg11 : memref<12544xi32, #tpu.memory_space<vmem>>) target_semaphore(%arg26 : memref<!tpu.dma_semaphore, #tpu.memory_space<semaphore_mem>>)
    %add3A_37 = arith.constant 12192 : i32
    %add3A_38 = arith.addi %add3A_8, %add3A_37 : i32
    %add3A_39 = arith.constant 0 : i32
    %add3A_40 = arith.addi %add3A_38, %add3A_39 : i32
    %dma_start3A_41 = tpu.memref_slice %arg2[%add3A_40] : memref<6400000xi32, #tpu.memory_space<hbm>> -> memref<12544xi32, #tpu.memory_space<hbm>>
    %dma_start3A_42 = tpu.memref_slice %arg2[%add3A_40] : memref<6400000xi32, #tpu.memory_space<hbm>> -> memref<12544xi32, #tpu.memory_space<hbm>>
    tpu.enqueue_dma source(%dma_start3A_42 : memref<12544xi32, #tpu.memory_space<hbm>>) target(%arg13 : memref<12544xi32, #tpu.memory_space<vmem>>) target_semaphore(%arg26 : memref<!tpu.dma_semaphore, #tpu.memory_space<semaphore_mem>>)
    "tpu.region"() ({
      %run_scoped3A = tpu.sem_alloc : memref<!tpu.dma_semaphore, #tpu.memory_space<semaphore_mem>>
      %dma_start3A_314 = tpu.memref_slice %arg3[%mul3A_2] : memref<200192xf32, #tpu.memory_space<hbm>> -> memref<6256xf32, #tpu.memory_space<hbm>>
      %dma_start3A_315 = tpu.memref_slice %arg3[%mul3A_2] : memref<200192xf32, #tpu.memory_space<hbm>> -> memref<6256xf32, #tpu.memory_space<hbm>>
      tpu.enqueue_dma source(%dma_start3A_315 : memref<6256xf32, #tpu.memory_space<hbm>>) target(%arg16 : memref<6256xf32, #tpu.memory_space<vmem>>) target_semaphore(%run_scoped3A : memref<!tpu.dma_semaphore, #tpu.memory_space<semaphore_mem>>)
      %dma_wait3A_316 = tpu.memref_slice %arg3[%mul3A_2] : memref<200192xf32, #tpu.memory_space<hbm>> -> memref<6256xf32, #tpu.memory_space<hbm>>
      %dma_wait3A_317 = tpu.memref_slice %arg3[%mul3A_2] : memref<200192xf32, #tpu.memory_space<hbm>> -> memref<6256xf32, #tpu.memory_space<hbm>>
      tpu.wait_dma2 semaphore(%run_scoped3A : memref<!tpu.dma_semaphore, #tpu.memory_space<semaphore_mem>>) src(%dma_wait3A_317 : memref<6256xf32, #tpu.memory_space<hbm>>) dst(%arg16 : memref<6256xf32, #tpu.memory_space<vmem>>)
      tpu.yield
    }) : () -> ()
    %mul3A_43 = arith.constant 6256 : i32
    %mul3A_44 = arith.muli %arg1, %mul3A_43 : i32
    %add3A_45 = arith.constant 100096 : i32
    %add3A_46 = arith.addi %add3A_45, %mul3A_44 : i32
    "tpu.region"() ({
      %run_scoped3A = tpu.sem_alloc : memref<!tpu.dma_semaphore, #tpu.memory_space<semaphore_mem>>
      %dma_start3A_314 = tpu.memref_slice %arg3[%add3A_46] : memref<200192xf32, #tpu.memory_space<hbm>> -> memref<6256xf32, #tpu.memory_space<hbm>>
      %dma_start3A_315 = tpu.memref_slice %arg3[%add3A_46] : memref<200192xf32, #tpu.memory_space<hbm>> -> memref<6256xf32, #tpu.memory_space<hbm>>
      tpu.enqueue_dma source(%dma_start3A_315 : memref<6256xf32, #tpu.memory_space<hbm>>) target(%arg17 : memref<6256xf32, #tpu.memory_space<vmem>>) target_semaphore(%run_scoped3A : memref<!tpu.dma_semaphore, #tpu.memory_space<semaphore_mem>>)
      %dma_wait3A_316 = tpu.memref_slice %arg3[%add3A_46] : memref<200192xf32, #tpu.memory_space<hbm>> -> memref<6256xf32, #tpu.memory_space<hbm>>
      %dma_wait3A_317 = tpu.memref_slice %arg3[%add3A_46] : memref<200192xf32, #tpu.memory_space<hbm>> -> memref<6256xf32, #tpu.memory_space<hbm>>
      tpu.wait_dma2 semaphore(%run_scoped3A : memref<!tpu.dma_semaphore, #tpu.memory_space<semaphore_mem>>) src(%dma_wait3A_317 : memref<6256xf32, #tpu.memory_space<hbm>>) dst(%arg17 : memref<6256xf32, #tpu.memory_space<vmem>>)
      tpu.yield
    }) : () -> ()
    "tpu.region"() ({
      %run_scoped3A = tpu.sem_alloc : memref<!tpu.dma_semaphore, #tpu.memory_space<semaphore_mem>>
      %dma_start3A_314 = tpu.memref_slice %arg4[%mul3A_2] : memref<100096xf32, #tpu.memory_space<hbm>> -> memref<6256xf32, #tpu.memory_space<hbm>>
      %dma_start3A_315 = tpu.memref_slice %arg4[%mul3A_2] : memref<100096xf32, #tpu.memory_space<hbm>> -> memref<6256xf32, #tpu.memory_space<hbm>>
      tpu.enqueue_dma source(%dma_start3A_315 : memref<6256xf32, #tpu.memory_space<hbm>>) target(%arg18 : memref<6256xf32, #tpu.memory_space<vmem>>) target_semaphore(%run_scoped3A : memref<!tpu.dma_semaphore, #tpu.memory_space<semaphore_mem>>)
      %dma_wait3A_316 = tpu.memref_slice %arg4[%mul3A_2] : memref<100096xf32, #tpu.memory_space<hbm>> -> memref<6256xf32, #tpu.memory_space<hbm>>
      %dma_wait3A_317 = tpu.memref_slice %arg4[%mul3A_2] : memref<100096xf32, #tpu.memory_space<hbm>> -> memref<6256xf32, #tpu.memory_space<hbm>>
      tpu.wait_dma2 semaphore(%run_scoped3A : memref<!tpu.dma_semaphore, #tpu.memory_space<semaphore_mem>>) src(%dma_wait3A_317 : memref<6256xf32, #tpu.memory_space<hbm>>) dst(%arg18 : memref<6256xf32, #tpu.memory_space<vmem>>)
      tpu.yield
    }) : () -> ()
    "tpu.region"() ({
      %run_scoped3A = tpu.sem_alloc : memref<!tpu.dma_semaphore, #tpu.memory_space<semaphore_mem>>
      %dma_start3A_314 = tpu.memref_slice %arg5[%mul3A_2] : memref<100096xf32, #tpu.memory_space<hbm>> -> memref<6256xf32, #tpu.memory_space<hbm>>
      %dma_start3A_315 = tpu.memref_slice %arg5[%mul3A_2] : memref<100096xf32, #tpu.memory_space<hbm>> -> memref<6256xf32, #tpu.memory_space<hbm>>
      tpu.enqueue_dma source(%dma_start3A_315 : memref<6256xf32, #tpu.memory_space<hbm>>) target(%arg19 : memref<6256xf32, #tpu.memory_space<vmem>>) target_semaphore(%run_scoped3A : memref<!tpu.dma_semaphore, #tpu.memory_space<semaphore_mem>>)
      %dma_wait3A_316 = tpu.memref_slice %arg5[%mul3A_2] : memref<100096xf32, #tpu.memory_space<hbm>> -> memref<6256xf32, #tpu.memory_space<hbm>>
      %dma_wait3A_317 = tpu.memref_slice %arg5[%mul3A_2] : memref<100096xf32, #tpu.memory_space<hbm>> -> memref<6256xf32, #tpu.memory_space<hbm>>
      tpu.wait_dma2 semaphore(%run_scoped3A : memref<!tpu.dma_semaphore, #tpu.memory_space<semaphore_mem>>) src(%dma_wait3A_317 : memref<6256xf32, #tpu.memory_space<hbm>>) dst(%arg19 : memref<6256xf32, #tpu.memory_space<vmem>>)
      tpu.yield
    }) : () -> ()
    "tpu.region"() ({
      %run_scoped3A = tpu.sem_alloc : memref<!tpu.dma_semaphore, #tpu.memory_space<semaphore_mem>>
      tpu.enqueue_dma source(%arg6 : memref<64xf32, #tpu.memory_space<hbm>>) target(%arg20 : memref<64xf32, #tpu.memory_space<vmem>>) target_semaphore(%run_scoped3A : memref<!tpu.dma_semaphore, #tpu.memory_space<semaphore_mem>>)
      tpu.wait_dma2 semaphore(%run_scoped3A : memref<!tpu.dma_semaphore, #tpu.memory_space<semaphore_mem>>) src(%arg6 : memref<64xf32, #tpu.memory_space<hbm>>) dst(%arg20 : memref<64xf32, #tpu.memory_space<vmem>>)
      tpu.yield
    }) : () -> ()
    %get3A = arith.constant 0 : index
    %get3A_47 = tpu.vector_load %arg20[%get3A] {strides = array<i32>} : memref<64xf32, #tpu.memory_space<vmem>>, vector<16xf32>,
    %get3A_48 = arith.constant 16 : index
    %get3A_49 = tpu.vector_load %arg20[%get3A_48] {strides = array<i32>} : memref<64xf32, #tpu.memory_space<vmem>>, vector<16xf32>,
    %get3A_50 = arith.constant 32 : index
    %get3A_51 = tpu.vector_load %arg20[%get3A_50] {strides = array<i32>} : memref<64xf32, #tpu.memory_space<vmem>>, vector<16xf32>,
    %get3A_52 = arith.constant 48 : index
    %get3A_53 = tpu.vector_load %arg20[%get3A_52] {strides = array<i32>} : memref<64xf32, #tpu.memory_space<vmem>>, vector<16xf32>,
    %scan3A_54 = arith.constant 0 : i32
    %scan3A_55 = arith.constant 0 : i32
    %scan3A_56 = arith.constant 391 : i32
    %scan3A_57 = arith.addi %scan3A_55, %scan3A_56 : i32
    %scan3A_58 = arith.constant 1 : i32
    scf.for %scan3A_314 = %scan3A_55 to %scan3A_57 step %scan3A_58  : i32 {
      %mul3A_315 = arith.constant 16 : i32
      %mul3A_316 = arith.muli %scan3A_314, %mul3A_315 : i32
      %get3A_317 = arith.index_cast %mul3A_316 : i32 to index
      %get3A_318 = tpu.vector_load %arg18[%get3A_317] {strides = array<i32>} : memref<6256xf32, #tpu.memory_space<vmem>>, vector<16xf32>,
      %get3A_319 = arith.index_cast %mul3A_316 : i32 to index
      %get3A_320 = tpu.vector_load %arg16[%get3A_319] {strides = array<i32>} : memref<6256xf32, #tpu.memory_space<vmem>>, vector<16xf32>,
      %get3A_321 = arith.index_cast %mul3A_316 : i32 to index
      %get3A_322 = tpu.vector_load %arg17[%get3A_321] {strides = array<i32>} : memref<6256xf32, #tpu.memory_space<vmem>>, vector<16xf32>,
      %add3A_323 = arith.addf %get3A_320, %get3A_322 : vector<16xf32>
      %get3A_324 = arith.index_cast %mul3A_316 : i32 to index
      %get3A_325 = tpu.vector_load %arg19[%get3A_324] {strides = array<i32>} : memref<6256xf32, #tpu.memory_space<vmem>>, vector<16xf32>,
      %add3A_326 = arith.addf %add3A_323, %get3A_325 : vector<16xf32>
      %mul3A_327 = arith.mulf %get3A_318, %add3A_326 : vector<16xf32>
      %max3A = arith.constant 0.000000e+00 : f32
      %max3A_328 = vector.broadcast %max3A : f32 to vector<16xf32>
      %max3A_329 = arith.maximumf %mul3A_327, %max3A_328 : vector<16xf32>
      %min3A = arith.constant 0.000000e+00 : f32
      %min3A_330 = vector.broadcast %min3A : f32 to vector<16xf32>
      %min3A_331 = arith.minimumf %mul3A_327, %min3A_330 : vector<16xf32>
      %mul3A_332 = arith.mulf %max3A_329, %get3A_47 : vector<16xf32>
      %mul3A_333 = arith.mulf %min3A_331, %get3A_51 : vector<16xf32>
      %add3A_334 = arith.addf %mul3A_332, %mul3A_333 : vector<16xf32>
      %mul3A_335 = arith.mulf %add3A_334, %get3A_318 : vector<16xf32>
      %swap3A = arith.index_cast %mul3A_316 : i32 to index
      %swap3A_336 = tpu.vector_load %arg16[%swap3A] {strides = array<i32>} : memref<6256xf32, #tpu.memory_space<vmem>>, vector<16xf32>,
      %swap3A_337 = vector.shape_cast %swap3A_336 : vector<16xf32> to vector<16xf32>
      %swap3A_338 = vector.shape_cast %mul3A_335 : vector<16xf32> to vector<16xf32>
      tpu.vector_store %arg16[%swap3A], %swap3A_338 {strides = array<i32>} : memref<6256xf32, #tpu.memory_space<vmem>>, vector<16xf32>,
      %mul3A_339 = arith.mulf %max3A_329, %get3A_49 : vector<16xf32>
      %mul3A_340 = arith.mulf %min3A_331, %get3A_53 : vector<16xf32>
      %add3A_341 = arith.addf %mul3A_339, %mul3A_340 : vector<16xf32>
      %mul3A_342 = arith.mulf %add3A_341, %get3A_318 : vector<16xf32>
      %swap3A_343 = arith.index_cast %mul3A_316 : i32 to index
      %swap3A_344 = tpu.vector_load %arg17[%swap3A_343] {strides = array<i32>} : memref<6256xf32, #tpu.memory_space<vmem>>, vector<16xf32>,
      %swap3A_345 = vector.shape_cast %swap3A_344 : vector<16xf32> to vector<16xf32>
      %swap3A_346 = vector.shape_cast %mul3A_342 : vector<16xf32> to vector<16xf32>
      tpu.vector_store %arg17[%swap3A_343], %swap3A_346 {strides = array<i32>} : memref<6256xf32, #tpu.memory_space<vmem>>, vector<16xf32>,
      %broadcast_in_dim3A = arith.constant 0.000000e+00 : f32
      %broadcast_in_dim3A_347 = vector.broadcast %broadcast_in_dim3A : f32 to vector<16xf32>
      %swap3A_348 = arith.index_cast %mul3A_316 : i32 to index
      %swap3A_349 = tpu.vector_load %arg19[%swap3A_348] {strides = array<i32>} : memref<6256xf32, #tpu.memory_space<vmem>>, vector<16xf32>,
      %swap3A_350 = vector.shape_cast %swap3A_349 : vector<16xf32> to vector<16xf32>
      %swap3A_351 = vector.shape_cast %broadcast_in_dim3A_347 : vector<16xf32> to vector<16xf32>
      tpu.vector_store %arg19[%swap3A_348], %swap3A_351 {strides = array<i32>} : memref<6256xf32, #tpu.memory_space<vmem>>, vector<16xf32>,
    }
    %scan3A_59 = arith.constant 391 : i32
    "tpu.region"() ({
      %run_scoped3A = tpu.sem_alloc : memref<!tpu.dma_semaphore, #tpu.memory_space<semaphore_mem>>
      %dma_start3A_314 = tpu.memref_slice %arg21[%mul3A_2] : memref<100096xf32, #tpu.memory_space<vmem_shared>> -> memref<6256xf32, #tpu.memory_space<vmem_shared>>
      %dma_start3A_315 = tpu.memref_slice %arg21[%mul3A_2] : memref<100096xf32, #tpu.memory_space<vmem_shared>> -> memref<6256xf32, #tpu.memory_space<vmem_shared>>
      tpu.enqueue_dma source(%arg16 : memref<6256xf32, #tpu.memory_space<vmem>>) target(%dma_start3A_315 : memref<6256xf32, #tpu.memory_space<vmem_shared>>) target_semaphore(%run_scoped3A : memref<!tpu.dma_semaphore, #tpu.memory_space<semaphore_mem>>)
      %dma_wait3A_316 = tpu.memref_slice %arg21[%mul3A_2] : memref<100096xf32, #tpu.memory_space<vmem_shared>> -> memref<6256xf32, #tpu.memory_space<vmem_shared>>
      %dma_wait3A_317 = tpu.memref_slice %arg21[%mul3A_2] : memref<100096xf32, #tpu.memory_space<vmem_shared>> -> memref<6256xf32, #tpu.memory_space<vmem_shared>>
      tpu.wait_dma2 semaphore(%run_scoped3A : memref<!tpu.dma_semaphore, #tpu.memory_space<semaphore_mem>>) src(%arg16 : memref<6256xf32, #tpu.memory_space<vmem>>) dst(%dma_wait3A_317 : memref<6256xf32, #tpu.memory_space<vmem_shared>>)
      tpu.yield
    }) : () -> ()
    "tpu.region"() ({
      %run_scoped3A = tpu.sem_alloc : memref<!tpu.dma_semaphore, #tpu.memory_space<semaphore_mem>>
      %dma_start3A_314 = tpu.memref_slice %arg22[%mul3A_2] : memref<100096xf32, #tpu.memory_space<vmem_shared>> -> memref<6256xf32, #tpu.memory_space<vmem_shared>>
      %dma_start3A_315 = tpu.memref_slice %arg22[%mul3A_2] : memref<100096xf32, #tpu.memory_space<vmem_shared>> -> memref<6256xf32, #tpu.memory_space<vmem_shared>>
      tpu.enqueue_dma source(%arg17 : memref<6256xf32, #tpu.memory_space<vmem>>) target(%dma_start3A_315 : memref<6256xf32, #tpu.memory_space<vmem_shared>>) target_semaphore(%run_scoped3A : memref<!tpu.dma_semaphore, #tpu.memory_space<semaphore_mem>>)
      %dma_wait3A_316 = tpu.memref_slice %arg22[%mul3A_2] : memref<100096xf32, #tpu.memory_space<vmem_shared>> -> memref<6256xf32, #tpu.memory_space<vmem_shared>>
      %dma_wait3A_317 = tpu.memref_slice %arg22[%mul3A_2] : memref<100096xf32, #tpu.memory_space<vmem_shared>> -> memref<6256xf32, #tpu.memory_space<vmem_shared>>
      tpu.wait_dma2 semaphore(%run_scoped3A : memref<!tpu.dma_semaphore, #tpu.memory_space<semaphore_mem>>) src(%arg17 : memref<6256xf32, #tpu.memory_space<vmem>>) dst(%dma_wait3A_317 : memref<6256xf32, #tpu.memory_space<vmem_shared>>)
      tpu.yield
    }) : () -> ()
    "tpu.region"() ({
      %run_scoped3A = tpu.sem_alloc : memref<!tpu.dma_semaphore, #tpu.memory_space<semaphore_mem>>
      %dma_start3A_314 = tpu.memref_slice %arg23[%mul3A_2] : memref<100096xf32, #tpu.memory_space<vmem_shared>> -> memref<6256xf32, #tpu.memory_space<vmem_shared>>
      %dma_start3A_315 = tpu.memref_slice %arg23[%mul3A_2] : memref<100096xf32, #tpu.memory_space<vmem_shared>> -> memref<6256xf32, #tpu.memory_space<vmem_shared>>
      tpu.enqueue_dma source(%arg19 : memref<6256xf32, #tpu.memory_space<vmem>>) target(%dma_start3A_315 : memref<6256xf32, #tpu.memory_space<vmem_shared>>) target_semaphore(%run_scoped3A : memref<!tpu.dma_semaphore, #tpu.memory_space<semaphore_mem>>)
      %dma_wait3A_316 = tpu.memref_slice %arg23[%mul3A_2] : memref<100096xf32, #tpu.memory_space<vmem_shared>> -> memref<6256xf32, #tpu.memory_space<vmem_shared>>
      %dma_wait3A_317 = tpu.memref_slice %arg23[%mul3A_2] : memref<100096xf32, #tpu.memory_space<vmem_shared>> -> memref<6256xf32, #tpu.memory_space<vmem_shared>>
      tpu.wait_dma2 semaphore(%run_scoped3A : memref<!tpu.dma_semaphore, #tpu.memory_space<semaphore_mem>>) src(%arg19 : memref<6256xf32, #tpu.memory_space<vmem>>) dst(%dma_wait3A_317 : memref<6256xf32, #tpu.memory_space<vmem_shared>>)
      tpu.yield
    }) : () -> ()
    "tpu.region"() ({
      %run_scoped3A = tpu.sem_alloc : memref<!tpu.dma_semaphore, #tpu.memory_space<semaphore_mem>>
      %dma_start3A_314 = tpu.memref_slice %arg24[%mul3A_2] : memref<100096xf32, #tpu.memory_space<vmem_shared>> -> memref<6256xf32, #tpu.memory_space<vmem_shared>>
      %dma_start3A_315 = tpu.memref_slice %arg24[%mul3A_2] : memref<100096xf32, #tpu.memory_space<vmem_shared>> -> memref<6256xf32, #tpu.memory_space<vmem_shared>>
      tpu.enqueue_dma source(%arg19 : memref<6256xf32, #tpu.memory_space<vmem>>) target(%dma_start3A_315 : memref<6256xf32, #tpu.memory_space<vmem_shared>>) target_semaphore(%run_scoped3A : memref<!tpu.dma_semaphore, #tpu.memory_space<semaphore_mem>>)
      %dma_wait3A_316 = tpu.memref_slice %arg24[%mul3A_2] : memref<100096xf32, #tpu.memory_space<vmem_shared>> -> memref<6256xf32, #tpu.memory_space<vmem_shared>>
      %dma_wait3A_317 = tpu.memref_slice %arg24[%mul3A_2] : memref<100096xf32, #tpu.memory_space<vmem_shared>> -> memref<6256xf32, #tpu.memory_space<vmem_shared>>
      tpu.wait_dma2 semaphore(%run_scoped3A : memref<!tpu.dma_semaphore, #tpu.memory_space<semaphore_mem>>) src(%arg19 : memref<6256xf32, #tpu.memory_space<vmem>>) dst(%dma_wait3A_317 : memref<6256xf32, #tpu.memory_space<vmem_shared>>)
      tpu.yield
    }) : () -> ()
    %eq3A = arith.constant 0 : i32
    %eq3A_60 = arith.cmpi eq, %arg0, %eq3A : i32
    %convert_element_type3A = arith.extui %eq3A_60 : i1 to i32
    %cond3A = arith.constant 0 : i32
    %cond3A_61 = arith.cmpi ne, %convert_element_type3A, %cond3A : i32
    scf.if %cond3A_61 {
      "tpu.region"() ({
        %run_scoped3A = tpu.sem_alloc : memref<!tpu.dma_semaphore, #tpu.memory_space<semaphore_mem>>
        %dma_start3A_314 = tpu.memref_slice %arg8[%mul3A_2] : memref<100096xf32, #tpu.memory_space<hbm>> -> memref<6256xf32, #tpu.memory_space<hbm>>
        %dma_start3A_315 = tpu.memref_slice %arg8[%mul3A_2] : memref<100096xf32, #tpu.memory_space<hbm>> -> memref<6256xf32, #tpu.memory_space<hbm>>
        tpu.enqueue_dma source(%arg16 : memref<6256xf32, #tpu.memory_space<vmem>>) target(%dma_start3A_315 : memref<6256xf32, #tpu.memory_space<hbm>>) target_semaphore(%run_scoped3A : memref<!tpu.dma_semaphore, #tpu.memory_space<semaphore_mem>>)
        %dma_wait3A_316 = tpu.memref_slice %arg8[%mul3A_2] : memref<100096xf32, #tpu.memory_space<hbm>> -> memref<6256xf32, #tpu.memory_space<hbm>>
        %dma_wait3A_317 = tpu.memref_slice %arg8[%mul3A_2] : memref<100096xf32, #tpu.memory_space<hbm>> -> memref<6256xf32, #tpu.memory_space<hbm>>
        tpu.wait_dma2 semaphore(%run_scoped3A : memref<!tpu.dma_semaphore, #tpu.memory_space<semaphore_mem>>) src(%arg16 : memref<6256xf32, #tpu.memory_space<vmem>>) dst(%dma_wait3A_317 : memref<6256xf32, #tpu.memory_space<hbm>>)
        tpu.yield
      }) : () -> ()
      "tpu.region"() ({
        %run_scoped3A = tpu.sem_alloc : memref<!tpu.dma_semaphore, #tpu.memory_space<semaphore_mem>>
        %dma_start3A_314 = tpu.memref_slice %arg9[%mul3A_2] : memref<100096xf32, #tpu.memory_space<hbm>> -> memref<6256xf32, #tpu.memory_space<hbm>>
        %dma_start3A_315 = tpu.memref_slice %arg9[%mul3A_2] : memref<100096xf32, #tpu.memory_space<hbm>> -> memref<6256xf32, #tpu.memory_space<hbm>>
        tpu.enqueue_dma source(%arg17 : memref<6256xf32, #tpu.memory_space<vmem>>) target(%dma_start3A_315 : memref<6256xf32, #tpu.memory_space<hbm>>) target_semaphore(%run_scoped3A : memref<!tpu.dma_semaphore, #tpu.memory_space<semaphore_mem>>)
        %dma_wait3A_316 = tpu.memref_slice %arg9[%mul3A_2] : memref<100096xf32, #tpu.memory_space<hbm>> -> memref<6256xf32, #tpu.memory_space<hbm>>
        %dma_wait3A_317 = tpu.memref_slice %arg9[%mul3A_2] : memref<100096xf32, #tpu.memory_space<hbm>> -> memref<6256xf32, #tpu.memory_space<hbm>>
        tpu.wait_dma2 semaphore(%run_scoped3A : memref<!tpu.dma_semaphore, #tpu.memory_space<semaphore_mem>>) src(%arg17 : memref<6256xf32, #tpu.memory_space<vmem>>) dst(%dma_wait3A_317 : memref<6256xf32, #tpu.memory_space<hbm>>)
        tpu.yield
      }) : () -> ()
    } else {
    }
    %barrier3A = arith.constant 0 : index
    tpu.barrier barrier_id(%barrier3A)
    %dma_wait3A = arith.constant 0 : i32
    %dma_wait3A_62 = tpu.memref_slice %arg10[%dma_wait3A] : memref<12544xi32, #tpu.memory_space<vmem>> -> memref<12192xi32, #tpu.memory_space<vmem>>
    %dma_wait3A_63 = tpu.memref_slice %arg2[%mul3A_4] : memref<6400000xi32, #tpu.memory_space<hbm>> -> memref<12192xi32, #tpu.memory_space<hbm>>
    %dma_wait3A_64 = arith.constant 0 : i32
    %dma_wait3A_65 = tpu.memref_slice %arg10[%dma_wait3A_64] : memref<12544xi32, #tpu.memory_space<vmem>> -> memref<12192xi32, #tpu.memory_space<vmem>>
    %dma_wait3A_66 = tpu.memref_slice %arg2[%mul3A_4] : memref<6400000xi32, #tpu.memory_space<hbm>> -> memref<12192xi32, #tpu.memory_space<hbm>>
    tpu.wait_dma2 semaphore(%arg25 : memref<!tpu.dma_semaphore, #tpu.memory_space<semaphore_mem>>) src(%dma_wait3A_66 : memref<12192xi32, #tpu.memory_space<hbm>>) dst(%dma_wait3A_65 : memref<12192xi32, #tpu.memory_space<vmem>>)
    %dma_wait3A_67 = arith.constant 0 : i32
    %dma_wait3A_68 = tpu.memref_slice %arg12[%dma_wait3A_67] : memref<12544xi32, #tpu.memory_space<vmem>> -> memref<12192xi32, #tpu.memory_space<vmem>>
    %dma_wait3A_69 = tpu.memref_slice %arg2[%add3A_8] : memref<6400000xi32, #tpu.memory_space<hbm>> -> memref<12192xi32, #tpu.memory_space<hbm>>
    %dma_wait3A_70 = arith.constant 0 : i32
    %dma_wait3A_71 = tpu.memref_slice %arg12[%dma_wait3A_70] : memref<12544xi32, #tpu.memory_space<vmem>> -> memref<12192xi32, #tpu.memory_space<vmem>>
    %dma_wait3A_72 = tpu.memref_slice %arg2[%add3A_8] : memref<6400000xi32, #tpu.memory_space<hbm>> -> memref<12192xi32, #tpu.memory_space<hbm>>
    tpu.wait_dma2 semaphore(%arg25 : memref<!tpu.dma_semaphore, #tpu.memory_space<semaphore_mem>>) src(%dma_wait3A_72 : memref<12192xi32, #tpu.memory_space<hbm>>) dst(%dma_wait3A_71 : memref<12192xi32, #tpu.memory_space<vmem>>)
    %dma_start3A_73 = arith.constant 0 : i32
    %dma_start3A_74 = tpu.memref_slice %arg21[%dma_start3A_73] : memref<100096xf32, #tpu.memory_space<vmem_shared>> -> memref<100096xf32, #tpu.memory_space<vmem_shared>>
    tpu.enqueue_indirect_dma source(%dma_start3A_74 : memref<100096xf32, #tpu.memory_space<vmem_shared>>) target(%arg14 : memref<12544xf32, #tpu.memory_space<vmem>>) offsets(%arg10 : memref<12544xi32, #tpu.memory_space<vmem>>) semaphore(%arg27 : memref<!tpu.dma_semaphore, #tpu.memory_space<semaphore_mem>>)
    %dma_wait3A_75 = arith.constant 0 : i32
    %dma_wait3A_76 = tpu.memref_slice %arg21[%dma_wait3A_75] : memref<100096xf32, #tpu.memory_space<vmem_shared>> -> memref<100096xf32, #tpu.memory_space<vmem_shared>>
    tpu.wait_indirect_dma semaphore(%arg27 : memref<!tpu.dma_semaphore, #tpu.memory_space<semaphore_mem>>) src(%dma_wait3A_76 : memref<100096xf32, #tpu.memory_space<vmem_shared>>) dst(%arg14 : memref<12544xf32, #tpu.memory_space<vmem>>)
    %dma_start3A_77 = arith.constant 0 : i32
    %dma_start3A_78 = tpu.memref_slice %arg23[%dma_start3A_77] : memref<100096xf32, #tpu.memory_space<vmem_shared>> -> memref<100096xf32, #tpu.memory_space<vmem_shared>>
    tpu.enqueue_indirect_dma source(%arg14 : memref<12544xf32, #tpu.memory_space<vmem>>) target(%dma_start3A_78 : memref<100096xf32, #tpu.memory_space<vmem_shared>>) offsets(%arg12 : memref<12544xi32, #tpu.memory_space<vmem>>) semaphore(%arg28 : memref<!tpu.dma_semaphore, #tpu.memory_space<semaphore_mem>>) {add = true}
    %dma_start3A_79 = arith.constant 0 : i32
    %dma_start3A_80 = tpu.memref_slice %arg22[%dma_start3A_79] : memref<100096xf32, #tpu.memory_space<vmem_shared>> -> memref<100096xf32, #tpu.memory_space<vmem_shared>>
    tpu.enqueue_indirect_dma source(%dma_start3A_80 : memref<100096xf32, #tpu.memory_space<vmem_shared>>) target(%arg15 : memref<12544xf32, #tpu.memory_space<vmem>>) offsets(%arg10 : memref<12544xi32, #tpu.memory_space<vmem>>) semaphore(%arg27 : memref<!tpu.dma_semaphore, #tpu.memory_space<semaphore_mem>>)
    %dma_wait3A_81 = arith.constant 0 : i32
    %dma_wait3A_82 = tpu.memref_slice %arg22[%dma_wait3A_81] : memref<100096xf32, #tpu.memory_space<vmem_shared>> -> memref<100096xf32, #tpu.memory_space<vmem_shared>>
    tpu.wait_indirect_dma semaphore(%arg27 : memref<!tpu.dma_semaphore, #tpu.memory_space<semaphore_mem>>) src(%dma_wait3A_82 : memref<100096xf32, #tpu.memory_space<vmem_shared>>) dst(%arg15 : memref<12544xf32, #tpu.memory_space<vmem>>)
    %dma_start3A_83 = arith.constant 0 : i32
    %dma_start3A_84 = tpu.memref_slice %arg24[%dma_start3A_83] : memref<100096xf32, #tpu.memory_space<vmem_shared>> -> memref<100096xf32, #tpu.memory_space<vmem_shared>>
    tpu.enqueue_indirect_dma source(%arg15 : memref<12544xf32, #tpu.memory_space<vmem>>) target(%dma_start3A_84 : memref<100096xf32, #tpu.memory_space<vmem_shared>>) offsets(%arg12 : memref<12544xi32, #tpu.memory_space<vmem>>) semaphore(%arg29 : memref<!tpu.dma_semaphore, #tpu.memory_space<semaphore_mem>>) {add = true}
    %dma_wait3A_85 = tpu.memref_slice %arg2[%add3A_34] : memref<6400000xi32, #tpu.memory_space<hbm>> -> memref<12544xi32, #tpu.memory_space<hbm>>
    %dma_wait3A_86 = tpu.memref_slice %arg2[%add3A_34] : memref<6400000xi32, #tpu.memory_space<hbm>> -> memref<12544xi32, #tpu.memory_space<hbm>>
    tpu.wait_dma2 semaphore(%arg26 : memref<!tpu.dma_semaphore, #tpu.memory_space<semaphore_mem>>) src(%dma_wait3A_86 : memref<12544xi32, #tpu.memory_space<hbm>>) dst(%arg11 : memref<12544xi32, #tpu.memory_space<vmem>>)
    %dma_wait3A_87 = tpu.memref_slice %arg2[%add3A_40] : memref<6400000xi32, #tpu.memory_space<hbm>> -> memref<12544xi32, #tpu.memory_space<hbm>>
    %dma_wait3A_88 = tpu.memref_slice %arg2[%add3A_40] : memref<6400000xi32, #tpu.memory_space<hbm>> -> memref<12544xi32, #tpu.memory_space<hbm>>
    tpu.wait_dma2 semaphore(%arg26 : memref<!tpu.dma_semaphore, #tpu.memory_space<semaphore_mem>>) src(%dma_wait3A_88 : memref<12544xi32, #tpu.memory_space<hbm>>) dst(%arg13 : memref<12544xi32, #tpu.memory_space<vmem>>)
    %dma_wait3A_89 = arith.constant 0 : i32
    %dma_wait3A_90 = tpu.memref_slice %arg23[%dma_wait3A_89] : memref<100096xf32, #tpu.memory_space<vmem_shared>> -> memref<100096xf32, #tpu.memory_space<vmem_shared>>
    tpu.wait_indirect_dma semaphore(%arg28 : memref<!tpu.dma_semaphore, #tpu.memory_space<semaphore_mem>>) src(%arg14 : memref<12544xf32, #tpu.memory_space<vmem>>) dst(%dma_wait3A_90 : memref<100096xf32, #tpu.memory_space<vmem_shared>>)
    %dma_start3A_91 = arith.constant 0 : i32
    %dma_start3A_92 = tpu.memref_slice %arg21[%dma_start3A_91] : memref<100096xf32, #tpu.memory_space<vmem_shared>> -> memref<100096xf32, #tpu.memory_space<vmem_shared>>
    tpu.enqueue_indirect_dma source(%dma_start3A_92 : memref<100096xf32, #tpu.memory_space<vmem_shared>>) target(%arg14 : memref<12544xf32, #tpu.memory_space<vmem>>) offsets(%arg11 : memref<12544xi32, #tpu.memory_space<vmem>>) semaphore(%arg27 : memref<!tpu.dma_semaphore, #tpu.memory_space<semaphore_mem>>)
    %dma_wait3A_93 = arith.constant 0 : i32
    %dma_wait3A_94 = tpu.memref_slice %arg21[%dma_wait3A_93] : memref<100096xf32, #tpu.memory_space<vmem_shared>> -> memref<100096xf32, #tpu.memory_space<vmem_shared>>
    tpu.wait_indirect_dma semaphore(%arg27 : memref<!tpu.dma_semaphore, #tpu.memory_space<semaphore_mem>>) src(%dma_wait3A_94 : memref<100096xf32, #tpu.memory_space<vmem_shared>>) dst(%arg14 : memref<12544xf32, #tpu.memory_space<vmem>>)
    %dma_start3A_95 = arith.constant 0 : i32
    %dma_start3A_96 = tpu.memref_slice %arg23[%dma_start3A_95] : memref<100096xf32, #tpu.memory_space<vmem_shared>> -> memref<100096xf32, #tpu.memory_space<vmem_shared>>
    tpu.enqueue_indirect_dma source(%arg14 : memref<12544xf32, #tpu.memory_space<vmem>>) target(%dma_start3A_96 : memref<100096xf32, #tpu.memory_space<vmem_shared>>) offsets(%arg13 : memref<12544xi32, #tpu.memory_space<vmem>>) semaphore(%arg28 : memref<!tpu.dma_semaphore, #tpu.memory_space<semaphore_mem>>) {add = true}
    %dma_wait3A_97 = arith.constant 0 : i32
    %dma_wait3A_98 = tpu.memref_slice %arg24[%dma_wait3A_97] : memref<100096xf32, #tpu.memory_space<vmem_shared>> -> memref<100096xf32, #tpu.memory_space<vmem_shared>>
    tpu.wait_indirect_dma semaphore(%arg29 : memref<!tpu.dma_semaphore, #tpu.memory_space<semaphore_mem>>) src(%arg15 : memref<12544xf32, #tpu.memory_space<vmem>>) dst(%dma_wait3A_98 : memref<100096xf32, #tpu.memory_space<vmem_shared>>)
    %dma_start3A_99 = arith.constant 0 : i32
    %dma_start3A_100 = tpu.memref_slice %arg22[%dma_start3A_99] : memref<100096xf32, #tpu.memory_space<vmem_shared>> -> memref<100096xf32, #tpu.memory_space<vmem_shared>>
    tpu.enqueue_indirect_dma source(%dma_start3A_100 : memref<100096xf32, #tpu.memory_space<vmem_shared>>) target(%arg15 : memref<12544xf32, #tpu.memory_space<vmem>>) offsets(%arg11 : memref<12544xi32, #tpu.memory_space<vmem>>) semaphore(%arg27 : memref<!tpu.dma_semaphore, #tpu.memory_space<semaphore_mem>>)
    %dma_wait3A_101 = arith.constant 0 : i32
    %dma_wait3A_102 = tpu.memref_slice %arg22[%dma_wait3A_101] : memref<100096xf32, #tpu.memory_space<vmem_shared>> -> memref<100096xf32, #tpu.memory_space<vmem_shared>>
    tpu.wait_indirect_dma semaphore(%arg27 : memref<!tpu.dma_semaphore, #tpu.memory_space<semaphore_mem>>) src(%dma_wait3A_102 : memref<100096xf32, #tpu.memory_space<vmem_shared>>) dst(%arg15 : memref<12544xf32, #tpu.memory_space<vmem>>)
    %add3A_103 = arith.constant 12192 : i32
    %add3A_104 = arith.addi %mul3A_4, %add3A_103 : i32
    %add3A_105 = arith.constant 12544 : i32
    %add3A_106 = arith.addi %add3A_104, %add3A_105 : i32
    %dma_start3A_107 = tpu.memref_slice %arg2[%add3A_106] : memref<6400000xi32, #tpu.memory_space<hbm>> -> memref<12544xi32, #tpu.memory_space<hbm>>
    %dma_start3A_108 = tpu.memref_slice %arg2[%add3A_106] : memref<6400000xi32, #tpu.memory_space<hbm>> -> memref<12544xi32, #tpu.memory_space<hbm>>
    tpu.enqueue_dma source(%dma_start3A_108 : memref<12544xi32, #tpu.memory_space<hbm>>) target(%arg10 : memref<12544xi32, #tpu.memory_space<vmem>>) target_semaphore(%arg25 : memref<!tpu.dma_semaphore, #tpu.memory_space<semaphore_mem>>)
    %add3A_109 = arith.constant 12192 : i32
    %add3A_110 = arith.addi %add3A_8, %add3A_109 : i32
    %add3A_111 = arith.constant 12544 : i32
    %add3A_112 = arith.addi %add3A_110, %add3A_111 : i32
    %dma_start3A_113 = tpu.memref_slice %arg2[%add3A_112] : memref<6400000xi32, #tpu.memory_space<hbm>> -> memref<12544xi32, #tpu.memory_space<hbm>>
    %dma_start3A_114 = tpu.memref_slice %arg2[%add3A_112] : memref<6400000xi32, #tpu.memory_space<hbm>> -> memref<12544xi32, #tpu.memory_space<hbm>>
    tpu.enqueue_dma source(%dma_start3A_114 : memref<12544xi32, #tpu.memory_space<hbm>>) target(%arg12 : memref<12544xi32, #tpu.memory_space<vmem>>) target_semaphore(%arg25 : memref<!tpu.dma_semaphore, #tpu.memory_space<semaphore_mem>>)
    %dma_start3A_115 = arith.constant 0 : i32
    %dma_start3A_116 = tpu.memref_slice %arg24[%dma_start3A_115] : memref<100096xf32, #tpu.memory_space<vmem_shared>> -> memref<100096xf32, #tpu.memory_space<vmem_shared>>
    tpu.enqueue_indirect_dma source(%arg15 : memref<12544xf32, #tpu.memory_space<vmem>>) target(%dma_start3A_116 : memref<100096xf32, #tpu.memory_space<vmem_shared>>) offsets(%arg13 : memref<12544xi32, #tpu.memory_space<vmem>>) semaphore(%arg29 : memref<!tpu.dma_semaphore, #tpu.memory_space<semaphore_mem>>) {add = true}
    %dma_wait3A_117 = tpu.memref_slice %arg2[%add3A_106] : memref<6400000xi32, #tpu.memory_space<hbm>> -> memref<12544xi32, #tpu.memory_space<hbm>>
    %dma_wait3A_118 = tpu.memref_slice %arg2[%add3A_106] : memref<6400000xi32, #tpu.memory_space<hbm>> -> memref<12544xi32, #tpu.memory_space<hbm>>
    tpu.wait_dma2 semaphore(%arg25 : memref<!tpu.dma_semaphore, #tpu.memory_space<semaphore_mem>>) src(%dma_wait3A_118 : memref<12544xi32, #tpu.memory_space<hbm>>) dst(%arg10 : memref<12544xi32, #tpu.memory_space<vmem>>)
    %dma_wait3A_119 = tpu.memref_slice %arg2[%add3A_112] : memref<6400000xi32, #tpu.memory_space<hbm>> -> memref<12544xi32, #tpu.memory_space<hbm>>
    %dma_wait3A_120 = tpu.memref_slice %arg2[%add3A_112] : memref<6400000xi32, #tpu.memory_space<hbm>> -> memref<12544xi32, #tpu.memory_space<hbm>>
    tpu.wait_dma2 semaphore(%arg25 : memref<!tpu.dma_semaphore, #tpu.memory_space<semaphore_mem>>) src(%dma_wait3A_120 : memref<12544xi32, #tpu.memory_space<hbm>>) dst(%arg12 : memref<12544xi32, #tpu.memory_space<vmem>>)
    %dma_wait3A_121 = arith.constant 0 : i32
    %dma_wait3A_122 = tpu.memref_slice %arg23[%dma_wait3A_121] : memref<100096xf32, #tpu.memory_space<vmem_shared>> -> memref<100096xf32, #tpu.memory_space<vmem_shared>>
    tpu.wait_indirect_dma semaphore(%arg28 : memref<!tpu.dma_semaphore, #tpu.memory_space<semaphore_mem>>) src(%arg14 : memref<12544xf32, #tpu.memory_space<vmem>>) dst(%dma_wait3A_122 : memref<100096xf32, #tpu.memory_space<vmem_shared>>)
    %dma_start3A_123 = arith.constant 0 : i32
    %dma_start3A_124 = tpu.memref_slice %arg21[%dma_start3A_123] : memref<100096xf32, #tpu.memory_space<vmem_shared>> -> memref<100096xf32, #tpu.memory_space<vmem_shared>>
    tpu.enqueue_indirect_dma source(%dma_start3A_124 : memref<100096xf32, #tpu.memory_space<vmem_shared>>) target(%arg14 : memref<12544xf32, #tpu.memory_space<vmem>>) offsets(%arg10 : memref<12544xi32, #tpu.memory_space<vmem>>) semaphore(%arg27 : memref<!tpu.dma_semaphore, #tpu.memory_space<semaphore_mem>>)
    %dma_wait3A_125 = arith.constant 0 : i32
    %dma_wait3A_126 = tpu.memref_slice %arg21[%dma_wait3A_125] : memref<100096xf32, #tpu.memory_space<vmem_shared>> -> memref<100096xf32, #tpu.memory_space<vmem_shared>>
    tpu.wait_indirect_dma semaphore(%arg27 : memref<!tpu.dma_semaphore, #tpu.memory_space<semaphore_mem>>) src(%dma_wait3A_126 : memref<100096xf32, #tpu.memory_space<vmem_shared>>) dst(%arg14 : memref<12544xf32, #tpu.memory_space<vmem>>)
    %dma_start3A_127 = arith.constant 0 : i32
    %dma_start3A_128 = tpu.memref_slice %arg23[%dma_start3A_127] : memref<100096xf32, #tpu.memory_space<vmem_shared>> -> memref<100096xf32, #tpu.memory_space<vmem_shared>>
    tpu.enqueue_indirect_dma source(%arg14 : memref<12544xf32, #tpu.memory_space<vmem>>) target(%dma_start3A_128 : memref<100096xf32, #tpu.memory_space<vmem_shared>>) offsets(%arg12 : memref<12544xi32, #tpu.memory_space<vmem>>) semaphore(%arg28 : memref<!tpu.dma_semaphore, #tpu.memory_space<semaphore_mem>>) {add = true}
    %dma_wait3A_129 = arith.constant 0 : i32
    %dma_wait3A_130 = tpu.memref_slice %arg24[%dma_wait3A_129] : memref<100096xf32, #tpu.memory_space<vmem_shared>> -> memref<100096xf32, #tpu.memory_space<vmem_shared>>
    tpu.wait_indirect_dma semaphore(%arg29 : memref<!tpu.dma_semaphore, #tpu.memory_space<semaphore_mem>>) src(%arg15 : memref<12544xf32, #tpu.memory_space<vmem>>) dst(%dma_wait3A_130 : memref<100096xf32, #tpu.memory_space<vmem_shared>>)
    %dma_start3A_131 = arith.constant 0 : i32
    %dma_start3A_132 = tpu.memref_slice %arg22[%dma_start3A_131] : memref<100096xf32, #tpu.memory_space<vmem_shared>> -> memref<100096xf32, #tpu.memory_space<vmem_shared>>
    tpu.enqueue_indirect_dma source(%dma_start3A_132 : memref<100096xf32, #tpu.memory_space<vmem_shared>>) target(%arg15 : memref<12544xf32, #tpu.memory_space<vmem>>) offsets(%arg10 : memref<12544xi32, #tpu.memory_space<vmem>>) semaphore(%arg27 : memref<!tpu.dma_semaphore, #tpu.memory_space<semaphore_mem>>)
    %dma_wait3A_133 = arith.constant 0 : i32
    %dma_wait3A_134 = tpu.memref_slice %arg22[%dma_wait3A_133] : memref<100096xf32, #tpu.memory_space<vmem_shared>> -> memref<100096xf32, #tpu.memory_space<vmem_shared>>
    tpu.wait_indirect_dma semaphore(%arg27 : memref<!tpu.dma_semaphore, #tpu.memory_space<semaphore_mem>>) src(%dma_wait3A_134 : memref<100096xf32, #tpu.memory_space<vmem_shared>>) dst(%arg15 : memref<12544xf32, #tpu.memory_space<vmem>>)
    %add3A_135 = arith.constant 12192 : i32
    %add3A_136 = arith.addi %mul3A_4, %add3A_135 : i32
    %add3A_137 = arith.constant 25088 : i32
    %add3A_138 = arith.addi %add3A_136, %add3A_137 : i32
    %dma_start3A_139 = tpu.memref_slice %arg2[%add3A_138] : memref<6400000xi32, #tpu.memory_space<hbm>> -> memref<12544xi32, #tpu.memory_space<hbm>>
    %dma_start3A_140 = tpu.memref_slice %arg2[%add3A_138] : memref<6400000xi32, #tpu.memory_space<hbm>> -> memref<12544xi32, #tpu.memory_space<hbm>>
    tpu.enqueue_dma source(%dma_start3A_140 : memref<12544xi32, #tpu.memory_space<hbm>>) target(%arg11 : memref<12544xi32, #tpu.memory_space<vmem>>) target_semaphore(%arg26 : memref<!tpu.dma_semaphore, #tpu.memory_space<semaphore_mem>>)
    %add3A_141 = arith.constant 12192 : i32
    %add3A_142 = arith.addi %add3A_8, %add3A_141 : i32
    %add3A_143 = arith.constant 25088 : i32
    %add3A_144 = arith.addi %add3A_142, %add3A_143 : i32
    %dma_start3A_145 = tpu.memref_slice %arg2[%add3A_144] : memref<6400000xi32, #tpu.memory_space<hbm>> -> memref<12544xi32, #tpu.memory_space<hbm>>
    %dma_start3A_146 = tpu.memref_slice %arg2[%add3A_144] : memref<6400000xi32, #tpu.memory_space<hbm>> -> memref<12544xi32, #tpu.memory_space<hbm>>
    tpu.enqueue_dma source(%dma_start3A_146 : memref<12544xi32, #tpu.memory_space<hbm>>) target(%arg13 : memref<12544xi32, #tpu.memory_space<vmem>>) target_semaphore(%arg26 : memref<!tpu.dma_semaphore, #tpu.memory_space<semaphore_mem>>)
    %dma_start3A_147 = arith.constant 0 : i32
    %dma_start3A_148 = tpu.memref_slice %arg24[%dma_start3A_147] : memref<100096xf32, #tpu.memory_space<vmem_shared>> -> memref<100096xf32, #tpu.memory_space<vmem_shared>>
    tpu.enqueue_indirect_dma source(%arg15 : memref<12544xf32, #tpu.memory_space<vmem>>) target(%dma_start3A_148 : memref<100096xf32, #tpu.memory_space<vmem_shared>>) offsets(%arg12 : memref<12544xi32, #tpu.memory_space<vmem>>) semaphore(%arg29 : memref<!tpu.dma_semaphore, #tpu.memory_space<semaphore_mem>>) {add = true}
    %dma_wait3A_149 = tpu.memref_slice %arg2[%add3A_138] : memref<6400000xi32, #tpu.memory_space<hbm>> -> memref<12544xi32, #tpu.memory_space<hbm>>
    %dma_wait3A_150 = tpu.memref_slice %arg2[%add3A_138] : memref<6400000xi32, #tpu.memory_space<hbm>> -> memref<12544xi32, #tpu.memory_space<hbm>>
    tpu.wait_dma2 semaphore(%arg26 : memref<!tpu.dma_semaphore, #tpu.memory_space<semaphore_mem>>) src(%dma_wait3A_150 : memref<12544xi32, #tpu.memory_space<hbm>>) dst(%arg11 : memref<12544xi32, #tpu.memory_space<vmem>>)
    %dma_wait3A_151 = tpu.memref_slice %arg2[%add3A_144] : memref<6400000xi32, #tpu.memory_space<hbm>> -> memref<12544xi32, #tpu.memory_space<hbm>>
    %dma_wait3A_152 = tpu.memref_slice %arg2[%add3A_144] : memref<6400000xi32, #tpu.memory_space<hbm>> -> memref<12544xi32, #tpu.memory_space<hbm>>
    tpu.wait_dma2 semaphore(%arg26 : memref<!tpu.dma_semaphore, #tpu.memory_space<semaphore_mem>>) src(%dma_wait3A_152 : memref<12544xi32, #tpu.memory_space<hbm>>) dst(%arg13 : memref<12544xi32, #tpu.memory_space<vmem>>)
    %dma_wait3A_153 = arith.constant 0 : i32
    %dma_wait3A_154 = tpu.memref_slice %arg23[%dma_wait3A_153] : memref<100096xf32, #tpu.memory_space<vmem_shared>> -> memref<100096xf32, #tpu.memory_space<vmem_shared>>
    tpu.wait_indirect_dma semaphore(%arg28 : memref<!tpu.dma_semaphore, #tpu.memory_space<semaphore_mem>>) src(%arg14 : memref<12544xf32, #tpu.memory_space<vmem>>) dst(%dma_wait3A_154 : memref<100096xf32, #tpu.memory_space<vmem_shared>>)
    %dma_start3A_155 = arith.constant 0 : i32
    %dma_start3A_156 = tpu.memref_slice %arg21[%dma_start3A_155] : memref<100096xf32, #tpu.memory_space<vmem_shared>> -> memref<100096xf32, #tpu.memory_space<vmem_shared>>
    tpu.enqueue_indirect_dma source(%dma_start3A_156 : memref<100096xf32, #tpu.memory_space<vmem_shared>>) target(%arg14 : memref<12544xf32, #tpu.memory_space<vmem>>) offsets(%arg11 : memref<12544xi32, #tpu.memory_space<vmem>>) semaphore(%arg27 : memref<!tpu.dma_semaphore, #tpu.memory_space<semaphore_mem>>)
    %dma_wait3A_157 = arith.constant 0 : i32
    %dma_wait3A_158 = tpu.memref_slice %arg21[%dma_wait3A_157] : memref<100096xf32, #tpu.memory_space<vmem_shared>> -> memref<100096xf32, #tpu.memory_space<vmem_shared>>
    tpu.wait_indirect_dma semaphore(%arg27 : memref<!tpu.dma_semaphore, #tpu.memory_space<semaphore_mem>>) src(%dma_wait3A_158 : memref<100096xf32, #tpu.memory_space<vmem_shared>>) dst(%arg14 : memref<12544xf32, #tpu.memory_space<vmem>>)
    %dma_start3A_159 = arith.constant 0 : i32
    %dma_start3A_160 = tpu.memref_slice %arg23[%dma_start3A_159] : memref<100096xf32, #tpu.memory_space<vmem_shared>> -> memref<100096xf32, #tpu.memory_space<vmem_shared>>
    tpu.enqueue_indirect_dma source(%arg14 : memref<12544xf32, #tpu.memory_space<vmem>>) target(%dma_start3A_160 : memref<100096xf32, #tpu.memory_space<vmem_shared>>) offsets(%arg13 : memref<12544xi32, #tpu.memory_space<vmem>>) semaphore(%arg28 : memref<!tpu.dma_semaphore, #tpu.memory_space<semaphore_mem>>) {add = true}
    %dma_wait3A_161 = arith.constant 0 : i32
    %dma_wait3A_162 = tpu.memref_slice %arg24[%dma_wait3A_161] : memref<100096xf32, #tpu.memory_space<vmem_shared>> -> memref<100096xf32, #tpu.memory_space<vmem_shared>>
    tpu.wait_indirect_dma semaphore(%arg29 : memref<!tpu.dma_semaphore, #tpu.memory_space<semaphore_mem>>) src(%arg15 : memref<12544xf32, #tpu.memory_space<vmem>>) dst(%dma_wait3A_162 : memref<100096xf32, #tpu.memory_space<vmem_shared>>)
    %dma_start3A_163 = arith.constant 0 : i32
    %dma_start3A_164 = tpu.memref_slice %arg22[%dma_start3A_163] : memref<100096xf32, #tpu.memory_space<vmem_shared>> -> memref<100096xf32, #tpu.memory_space<vmem_shared>>
    tpu.enqueue_indirect_dma source(%dma_start3A_164 : memref<100096xf32, #tpu.memory_space<vmem_shared>>) target(%arg15 : memref<12544xf32, #tpu.memory_space<vmem>>) offsets(%arg11 : memref<12544xi32, #tpu.memory_space<vmem>>) semaphore(%arg27 : memref<!tpu.dma_semaphore, #tpu.memory_space<semaphore_mem>>)
    %dma_wait3A_165 = arith.constant 0 : i32
    %dma_wait3A_166 = tpu.memref_slice %arg22[%dma_wait3A_165] : memref<100096xf32, #tpu.memory_space<vmem_shared>> -> memref<100096xf32, #tpu.memory_space<vmem_shared>>
    tpu.wait_indirect_dma semaphore(%arg27 : memref<!tpu.dma_semaphore, #tpu.memory_space<semaphore_mem>>) src(%dma_wait3A_166 : memref<100096xf32, #tpu.memory_space<vmem_shared>>) dst(%arg15 : memref<12544xf32, #tpu.memory_space<vmem>>)
    %add3A_167 = arith.constant 12192 : i32
    %add3A_168 = arith.addi %mul3A_4, %add3A_167 : i32
    %add3A_169 = arith.constant 37632 : i32
    %add3A_170 = arith.addi %add3A_168, %add3A_169 : i32
    %dma_start3A_171 = tpu.memref_slice %arg2[%add3A_170] : memref<6400000xi32, #tpu.memory_space<hbm>> -> memref<12544xi32, #tpu.memory_space<hbm>>
    %dma_start3A_172 = tpu.memref_slice %arg2[%add3A_170] : memref<6400000xi32, #tpu.memory_space<hbm>> -> memref<12544xi32, #tpu.memory_space<hbm>>
    tpu.enqueue_dma source(%dma_start3A_172 : memref<12544xi32, #tpu.memory_space<hbm>>) target(%arg10 : memref<12544xi32, #tpu.memory_space<vmem>>) target_semaphore(%arg25 : memref<!tpu.dma_semaphore, #tpu.memory_space<semaphore_mem>>)
    %add3A_173 = arith.constant 12192 : i32
    %add3A_174 = arith.addi %add3A_8, %add3A_173 : i32
    %add3A_175 = arith.constant 37632 : i32
    %add3A_176 = arith.addi %add3A_174, %add3A_175 : i32
    %dma_start3A_177 = tpu.memref_slice %arg2[%add3A_176] : memref<6400000xi32, #tpu.memory_space<hbm>> -> memref<12544xi32, #tpu.memory_space<hbm>>
    %dma_start3A_178 = tpu.memref_slice %arg2[%add3A_176] : memref<6400000xi32, #tpu.memory_space<hbm>> -> memref<12544xi32, #tpu.memory_space<hbm>>
    tpu.enqueue_dma source(%dma_start3A_178 : memref<12544xi32, #tpu.memory_space<hbm>>) target(%arg12 : memref<12544xi32, #tpu.memory_space<vmem>>) target_semaphore(%arg25 : memref<!tpu.dma_semaphore, #tpu.memory_space<semaphore_mem>>)
    %dma_start3A_179 = arith.constant 0 : i32
    %dma_start3A_180 = tpu.memref_slice %arg24[%dma_start3A_179] : memref<100096xf32, #tpu.memory_space<vmem_shared>> -> memref<100096xf32, #tpu.memory_space<vmem_shared>>
    tpu.enqueue_indirect_dma source(%arg15 : memref<12544xf32, #tpu.memory_space<vmem>>) target(%dma_start3A_180 : memref<100096xf32, #tpu.memory_space<vmem_shared>>) offsets(%arg13 : memref<12544xi32, #tpu.memory_space<vmem>>) semaphore(%arg29 : memref<!tpu.dma_semaphore, #tpu.memory_space<semaphore_mem>>) {add = true}
    %dma_wait3A_181 = tpu.memref_slice %arg2[%add3A_170] : memref<6400000xi32, #tpu.memory_space<hbm>> -> memref<12544xi32, #tpu.memory_space<hbm>>
    %dma_wait3A_182 = tpu.memref_slice %arg2[%add3A_170] : memref<6400000xi32, #tpu.memory_space<hbm>> -> memref<12544xi32, #tpu.memory_space<hbm>>
    tpu.wait_dma2 semaphore(%arg25 : memref<!tpu.dma_semaphore, #tpu.memory_space<semaphore_mem>>) src(%dma_wait3A_182 : memref<12544xi32, #tpu.memory_space<hbm>>) dst(%arg10 : memref<12544xi32, #tpu.memory_space<vmem>>)
    %dma_wait3A_183 = tpu.memref_slice %arg2[%add3A_176] : memref<6400000xi32, #tpu.memory_space<hbm>> -> memref<12544xi32, #tpu.memory_space<hbm>>
    %dma_wait3A_184 = tpu.memref_slice %arg2[%add3A_176] : memref<6400000xi32, #tpu.memory_space<hbm>> -> memref<12544xi32, #tpu.memory_space<hbm>>
    tpu.wait_dma2 semaphore(%arg25 : memref<!tpu.dma_semaphore, #tpu.memory_space<semaphore_mem>>) src(%dma_wait3A_184 : memref<12544xi32, #tpu.memory_space<hbm>>) dst(%arg12 : memref<12544xi32, #tpu.memory_space<vmem>>)
    %dma_wait3A_185 = arith.constant 0 : i32
    %dma_wait3A_186 = tpu.memref_slice %arg23[%dma_wait3A_185] : memref<100096xf32, #tpu.memory_space<vmem_shared>> -> memref<100096xf32, #tpu.memory_space<vmem_shared>>
    tpu.wait_indirect_dma semaphore(%arg28 : memref<!tpu.dma_semaphore, #tpu.memory_space<semaphore_mem>>) src(%arg14 : memref<12544xf32, #tpu.memory_space<vmem>>) dst(%dma_wait3A_186 : memref<100096xf32, #tpu.memory_space<vmem_shared>>)
    %dma_start3A_187 = arith.constant 0 : i32
    %dma_start3A_188 = tpu.memref_slice %arg21[%dma_start3A_187] : memref<100096xf32, #tpu.memory_space<vmem_shared>> -> memref<100096xf32, #tpu.memory_space<vmem_shared>>
    tpu.enqueue_indirect_dma source(%dma_start3A_188 : memref<100096xf32, #tpu.memory_space<vmem_shared>>) target(%arg14 : memref<12544xf32, #tpu.memory_space<vmem>>) offsets(%arg10 : memref<12544xi32, #tpu.memory_space<vmem>>) semaphore(%arg27 : memref<!tpu.dma_semaphore, #tpu.memory_space<semaphore_mem>>)
    %dma_wait3A_189 = arith.constant 0 : i32
    %dma_wait3A_190 = tpu.memref_slice %arg21[%dma_wait3A_189] : memref<100096xf32, #tpu.memory_space<vmem_shared>> -> memref<100096xf32, #tpu.memory_space<vmem_shared>>
    tpu.wait_indirect_dma semaphore(%arg27 : memref<!tpu.dma_semaphore, #tpu.memory_space<semaphore_mem>>) src(%dma_wait3A_190 : memref<100096xf32, #tpu.memory_space<vmem_shared>>) dst(%arg14 : memref<12544xf32, #tpu.memory_space<vmem>>)
    %dma_start3A_191 = arith.constant 0 : i32
    %dma_start3A_192 = tpu.memref_slice %arg23[%dma_start3A_191] : memref<100096xf32, #tpu.memory_space<vmem_shared>> -> memref<100096xf32, #tpu.memory_space<vmem_shared>>
    tpu.enqueue_indirect_dma source(%arg14 : memref<12544xf32, #tpu.memory_space<vmem>>) target(%dma_start3A_192 : memref<100096xf32, #tpu.memory_space<vmem_shared>>) offsets(%arg12 : memref<12544xi32, #tpu.memory_space<vmem>>) semaphore(%arg28 : memref<!tpu.dma_semaphore, #tpu.memory_space<semaphore_mem>>) {add = true}
    %dma_wait3A_193 = arith.constant 0 : i32
    %dma_wait3A_194 = tpu.memref_slice %arg24[%dma_wait3A_193] : memref<100096xf32, #tpu.memory_space<vmem_shared>> -> memref<100096xf32, #tpu.memory_space<vmem_shared>>
    tpu.wait_indirect_dma semaphore(%arg29 : memref<!tpu.dma_semaphore, #tpu.memory_space<semaphore_mem>>) src(%arg15 : memref<12544xf32, #tpu.memory_space<vmem>>) dst(%dma_wait3A_194 : memref<100096xf32, #tpu.memory_space<vmem_shared>>)
    %dma_start3A_195 = arith.constant 0 : i32
    %dma_start3A_196 = tpu.memref_slice %arg22[%dma_start3A_195] : memref<100096xf32, #tpu.memory_space<vmem_shared>> -> memref<100096xf32, #tpu.memory_space<vmem_shared>>
    tpu.enqueue_indirect_dma source(%dma_start3A_196 : memref<100096xf32, #tpu.memory_space<vmem_shared>>) target(%arg15 : memref<12544xf32, #tpu.memory_space<vmem>>) offsets(%arg10 : memref<12544xi32, #tpu.memory_space<vmem>>) semaphore(%arg27 : memref<!tpu.dma_semaphore, #tpu.memory_space<semaphore_mem>>)
    %dma_wait3A_197 = arith.constant 0 : i32
    %dma_wait3A_198 = tpu.memref_slice %arg22[%dma_wait3A_197] : memref<100096xf32, #tpu.memory_space<vmem_shared>> -> memref<100096xf32, #tpu.memory_space<vmem_shared>>
    tpu.wait_indirect_dma semaphore(%arg27 : memref<!tpu.dma_semaphore, #tpu.memory_space<semaphore_mem>>) src(%dma_wait3A_198 : memref<100096xf32, #tpu.memory_space<vmem_shared>>) dst(%arg15 : memref<12544xf32, #tpu.memory_space<vmem>>)
    %add3A_199 = arith.constant 12192 : i32
    %add3A_200 = arith.addi %mul3A_4, %add3A_199 : i32
    %add3A_201 = arith.constant 50176 : i32
    %add3A_202 = arith.addi %add3A_200, %add3A_201 : i32
    %dma_start3A_203 = tpu.memref_slice %arg2[%add3A_202] : memref<6400000xi32, #tpu.memory_space<hbm>> -> memref<12544xi32, #tpu.memory_space<hbm>>
    %dma_start3A_204 = tpu.memref_slice %arg2[%add3A_202] : memref<6400000xi32, #tpu.memory_space<hbm>> -> memref<12544xi32, #tpu.memory_space<hbm>>
    tpu.enqueue_dma source(%dma_start3A_204 : memref<12544xi32, #tpu.memory_space<hbm>>) target(%arg11 : memref<12544xi32, #tpu.memory_space<vmem>>) target_semaphore(%arg26 : memref<!tpu.dma_semaphore, #tpu.memory_space<semaphore_mem>>)
    %add3A_205 = arith.constant 12192 : i32
    %add3A_206 = arith.addi %add3A_8, %add3A_205 : i32
    %add3A_207 = arith.constant 50176 : i32
    %add3A_208 = arith.addi %add3A_206, %add3A_207 : i32
    %dma_start3A_209 = tpu.memref_slice %arg2[%add3A_208] : memref<6400000xi32, #tpu.memory_space<hbm>> -> memref<12544xi32, #tpu.memory_space<hbm>>
    %dma_start3A_210 = tpu.memref_slice %arg2[%add3A_208] : memref<6400000xi32, #tpu.memory_space<hbm>> -> memref<12544xi32, #tpu.memory_space<hbm>>
    tpu.enqueue_dma source(%dma_start3A_210 : memref<12544xi32, #tpu.memory_space<hbm>>) target(%arg13 : memref<12544xi32, #tpu.memory_space<vmem>>) target_semaphore(%arg26 : memref<!tpu.dma_semaphore, #tpu.memory_space<semaphore_mem>>)
    %dma_start3A_211 = arith.constant 0 : i32
    %dma_start3A_212 = tpu.memref_slice %arg24[%dma_start3A_211] : memref<100096xf32, #tpu.memory_space<vmem_shared>> -> memref<100096xf32, #tpu.memory_space<vmem_shared>>
    tpu.enqueue_indirect_dma source(%arg15 : memref<12544xf32, #tpu.memory_space<vmem>>) target(%dma_start3A_212 : memref<100096xf32, #tpu.memory_space<vmem_shared>>) offsets(%arg12 : memref<12544xi32, #tpu.memory_space<vmem>>) semaphore(%arg29 : memref<!tpu.dma_semaphore, #tpu.memory_space<semaphore_mem>>) {add = true}
    %dma_wait3A_213 = tpu.memref_slice %arg2[%add3A_202] : memref<6400000xi32, #tpu.memory_space<hbm>> -> memref<12544xi32, #tpu.memory_space<hbm>>
    %dma_wait3A_214 = tpu.memref_slice %arg2[%add3A_202] : memref<6400000xi32, #tpu.memory_space<hbm>> -> memref<12544xi32, #tpu.memory_space<hbm>>
    tpu.wait_dma2 semaphore(%arg26 : memref<!tpu.dma_semaphore, #tpu.memory_space<semaphore_mem>>) src(%dma_wait3A_214 : memref<12544xi32, #tpu.memory_space<hbm>>) dst(%arg11 : memref<12544xi32, #tpu.memory_space<vmem>>)
    %dma_wait3A_215 = tpu.memref_slice %arg2[%add3A_208] : memref<6400000xi32, #tpu.memory_space<hbm>> -> memref<12544xi32, #tpu.memory_space<hbm>>
    %dma_wait3A_216 = tpu.memref_slice %arg2[%add3A_208] : memref<6400000xi32, #tpu.memory_space<hbm>> -> memref<12544xi32, #tpu.memory_space<hbm>>
    tpu.wait_dma2 semaphore(%arg26 : memref<!tpu.dma_semaphore, #tpu.memory_space<semaphore_mem>>) src(%dma_wait3A_216 : memref<12544xi32, #tpu.memory_space<hbm>>) dst(%arg13 : memref<12544xi32, #tpu.memory_space<vmem>>)
    %dma_wait3A_217 = arith.constant 0 : i32
    %dma_wait3A_218 = tpu.memref_slice %arg23[%dma_wait3A_217] : memref<100096xf32, #tpu.memory_space<vmem_shared>> -> memref<100096xf32, #tpu.memory_space<vmem_shared>>
    tpu.wait_indirect_dma semaphore(%arg28 : memref<!tpu.dma_semaphore, #tpu.memory_space<semaphore_mem>>) src(%arg14 : memref<12544xf32, #tpu.memory_space<vmem>>) dst(%dma_wait3A_218 : memref<100096xf32, #tpu.memory_space<vmem_shared>>)
    %dma_start3A_219 = arith.constant 0 : i32
    %dma_start3A_220 = tpu.memref_slice %arg21[%dma_start3A_219] : memref<100096xf32, #tpu.memory_space<vmem_shared>> -> memref<100096xf32, #tpu.memory_space<vmem_shared>>
    tpu.enqueue_indirect_dma source(%dma_start3A_220 : memref<100096xf32, #tpu.memory_space<vmem_shared>>) target(%arg14 : memref<12544xf32, #tpu.memory_space<vmem>>) offsets(%arg11 : memref<12544xi32, #tpu.memory_space<vmem>>) semaphore(%arg27 : memref<!tpu.dma_semaphore, #tpu.memory_space<semaphore_mem>>)
    %dma_wait3A_221 = arith.constant 0 : i32
    %dma_wait3A_222 = tpu.memref_slice %arg21[%dma_wait3A_221] : memref<100096xf32, #tpu.memory_space<vmem_shared>> -> memref<100096xf32, #tpu.memory_space<vmem_shared>>
    tpu.wait_indirect_dma semaphore(%arg27 : memref<!tpu.dma_semaphore, #tpu.memory_space<semaphore_mem>>) src(%dma_wait3A_222 : memref<100096xf32, #tpu.memory_space<vmem_shared>>) dst(%arg14 : memref<12544xf32, #tpu.memory_space<vmem>>)
    %dma_start3A_223 = arith.constant 0 : i32
    %dma_start3A_224 = tpu.memref_slice %arg23[%dma_start3A_223] : memref<100096xf32, #tpu.memory_space<vmem_shared>> -> memref<100096xf32, #tpu.memory_space<vmem_shared>>
    tpu.enqueue_indirect_dma source(%arg14 : memref<12544xf32, #tpu.memory_space<vmem>>) target(%dma_start3A_224 : memref<100096xf32, #tpu.memory_space<vmem_shared>>) offsets(%arg13 : memref<12544xi32, #tpu.memory_space<vmem>>) semaphore(%arg28 : memref<!tpu.dma_semaphore, #tpu.memory_space<semaphore_mem>>) {add = true}
    %dma_wait3A_225 = arith.constant 0 : i32
    %dma_wait3A_226 = tpu.memref_slice %arg24[%dma_wait3A_225] : memref<100096xf32, #tpu.memory_space<vmem_shared>> -> memref<100096xf32, #tpu.memory_space<vmem_shared>>
    tpu.wait_indirect_dma semaphore(%arg29 : memref<!tpu.dma_semaphore, #tpu.memory_space<semaphore_mem>>) src(%arg15 : memref<12544xf32, #tpu.memory_space<vmem>>) dst(%dma_wait3A_226 : memref<100096xf32, #tpu.memory_space<vmem_shared>>)
    %dma_start3A_227 = arith.constant 0 : i32
    %dma_start3A_228 = tpu.memref_slice %arg22[%dma_start3A_227] : memref<100096xf32, #tpu.memory_space<vmem_shared>> -> memref<100096xf32, #tpu.memory_space<vmem_shared>>
    tpu.enqueue_indirect_dma source(%dma_start3A_228 : memref<100096xf32, #tpu.memory_space<vmem_shared>>) target(%arg15 : memref<12544xf32, #tpu.memory_space<vmem>>) offsets(%arg11 : memref<12544xi32, #tpu.memory_space<vmem>>) semaphore(%arg27 : memref<!tpu.dma_semaphore, #tpu.memory_space<semaphore_mem>>)
    %dma_wait3A_229 = arith.constant 0 : i32
    %dma_wait3A_230 = tpu.memref_slice %arg22[%dma_wait3A_229] : memref<100096xf32, #tpu.memory_space<vmem_shared>> -> memref<100096xf32, #tpu.memory_space<vmem_shared>>
    tpu.wait_indirect_dma semaphore(%arg27 : memref<!tpu.dma_semaphore, #tpu.memory_space<semaphore_mem>>) src(%dma_wait3A_230 : memref<100096xf32, #tpu.memory_space<vmem_shared>>) dst(%arg15 : memref<12544xf32, #tpu.memory_space<vmem>>)
    %add3A_231 = arith.constant 12192 : i32
    %add3A_232 = arith.addi %mul3A_4, %add3A_231 : i32
    %add3A_233 = arith.constant 62720 : i32
    %add3A_234 = arith.addi %add3A_232, %add3A_233 : i32
    %dma_start3A_235 = tpu.memref_slice %arg2[%add3A_234] : memref<6400000xi32, #tpu.memory_space<hbm>> -> memref<12544xi32, #tpu.memory_space<hbm>>
    %dma_start3A_236 = tpu.memref_slice %arg2[%add3A_234] : memref<6400000xi32, #tpu.memory_space<hbm>> -> memref<12544xi32, #tpu.memory_space<hbm>>
    tpu.enqueue_dma source(%dma_start3A_236 : memref<12544xi32, #tpu.memory_space<hbm>>) target(%arg10 : memref<12544xi32, #tpu.memory_space<vmem>>) target_semaphore(%arg25 : memref<!tpu.dma_semaphore, #tpu.memory_space<semaphore_mem>>)
    %add3A_237 = arith.constant 12192 : i32
    %add3A_238 = arith.addi %add3A_8, %add3A_237 : i32
    %add3A_239 = arith.constant 62720 : i32
    %add3A_240 = arith.addi %add3A_238, %add3A_239 : i32
    %dma_start3A_241 = tpu.memref_slice %arg2[%add3A_240] : memref<6400000xi32, #tpu.memory_space<hbm>> -> memref<12544xi32, #tpu.memory_space<hbm>>
    %dma_start3A_242 = tpu.memref_slice %arg2[%add3A_240] : memref<6400000xi32, #tpu.memory_space<hbm>> -> memref<12544xi32, #tpu.memory_space<hbm>>
    tpu.enqueue_dma source(%dma_start3A_242 : memref<12544xi32, #tpu.memory_space<hbm>>) target(%arg12 : memref<12544xi32, #tpu.memory_space<vmem>>) target_semaphore(%arg25 : memref<!tpu.dma_semaphore, #tpu.memory_space<semaphore_mem>>)
    %dma_start3A_243 = arith.constant 0 : i32
    %dma_start3A_244 = tpu.memref_slice %arg24[%dma_start3A_243] : memref<100096xf32, #tpu.memory_space<vmem_shared>> -> memref<100096xf32, #tpu.memory_space<vmem_shared>>
    tpu.enqueue_indirect_dma source(%arg15 : memref<12544xf32, #tpu.memory_space<vmem>>) target(%dma_start3A_244 : memref<100096xf32, #tpu.memory_space<vmem_shared>>) offsets(%arg13 : memref<12544xi32, #tpu.memory_space<vmem>>) semaphore(%arg29 : memref<!tpu.dma_semaphore, #tpu.memory_space<semaphore_mem>>) {add = true}
    %dma_wait3A_245 = tpu.memref_slice %arg2[%add3A_234] : memref<6400000xi32, #tpu.memory_space<hbm>> -> memref<12544xi32, #tpu.memory_space<hbm>>
    %dma_wait3A_246 = tpu.memref_slice %arg2[%add3A_234] : memref<6400000xi32, #tpu.memory_space<hbm>> -> memref<12544xi32, #tpu.memory_space<hbm>>
    tpu.wait_dma2 semaphore(%arg25 : memref<!tpu.dma_semaphore, #tpu.memory_space<semaphore_mem>>) src(%dma_wait3A_246 : memref<12544xi32, #tpu.memory_space<hbm>>) dst(%arg10 : memref<12544xi32, #tpu.memory_space<vmem>>)
    %dma_wait3A_247 = tpu.memref_slice %arg2[%add3A_240] : memref<6400000xi32, #tpu.memory_space<hbm>> -> memref<12544xi32, #tpu.memory_space<hbm>>
    %dma_wait3A_248 = tpu.memref_slice %arg2[%add3A_240] : memref<6400000xi32, #tpu.memory_space<hbm>> -> memref<12544xi32, #tpu.memory_space<hbm>>
    tpu.wait_dma2 semaphore(%arg25 : memref<!tpu.dma_semaphore, #tpu.memory_space<semaphore_mem>>) src(%dma_wait3A_248 : memref<12544xi32, #tpu.memory_space<hbm>>) dst(%arg12 : memref<12544xi32, #tpu.memory_space<vmem>>)
    %dma_wait3A_249 = arith.constant 0 : i32
    %dma_wait3A_250 = tpu.memref_slice %arg23[%dma_wait3A_249] : memref<100096xf32, #tpu.memory_space<vmem_shared>> -> memref<100096xf32, #tpu.memory_space<vmem_shared>>
    tpu.wait_indirect_dma semaphore(%arg28 : memref<!tpu.dma_semaphore, #tpu.memory_space<semaphore_mem>>) src(%arg14 : memref<12544xf32, #tpu.memory_space<vmem>>) dst(%dma_wait3A_250 : memref<100096xf32, #tpu.memory_space<vmem_shared>>)
    %dma_start3A_251 = arith.constant 0 : i32
    %dma_start3A_252 = tpu.memref_slice %arg21[%dma_start3A_251] : memref<100096xf32, #tpu.memory_space<vmem_shared>> -> memref<100096xf32, #tpu.memory_space<vmem_shared>>
    tpu.enqueue_indirect_dma source(%dma_start3A_252 : memref<100096xf32, #tpu.memory_space<vmem_shared>>) target(%arg14 : memref<12544xf32, #tpu.memory_space<vmem>>) offsets(%arg10 : memref<12544xi32, #tpu.memory_space<vmem>>) semaphore(%arg27 : memref<!tpu.dma_semaphore, #tpu.memory_space<semaphore_mem>>)
    %dma_wait3A_253 = arith.constant 0 : i32
    %dma_wait3A_254 = tpu.memref_slice %arg21[%dma_wait3A_253] : memref<100096xf32, #tpu.memory_space<vmem_shared>> -> memref<100096xf32, #tpu.memory_space<vmem_shared>>
    tpu.wait_indirect_dma semaphore(%arg27 : memref<!tpu.dma_semaphore, #tpu.memory_space<semaphore_mem>>) src(%dma_wait3A_254 : memref<100096xf32, #tpu.memory_space<vmem_shared>>) dst(%arg14 : memref<12544xf32, #tpu.memory_space<vmem>>)
    %dma_start3A_255 = arith.constant 0 : i32
    %dma_start3A_256 = tpu.memref_slice %arg23[%dma_start3A_255] : memref<100096xf32, #tpu.memory_space<vmem_shared>> -> memref<100096xf32, #tpu.memory_space<vmem_shared>>
    tpu.enqueue_indirect_dma source(%arg14 : memref<12544xf32, #tpu.memory_space<vmem>>) target(%dma_start3A_256 : memref<100096xf32, #tpu.memory_space<vmem_shared>>) offsets(%arg12 : memref<12544xi32, #tpu.memory_space<vmem>>) semaphore(%arg28 : memref<!tpu.dma_semaphore, #tpu.memory_space<semaphore_mem>>) {add = true}
    %dma_wait3A_257 = arith.constant 0 : i32
    %dma_wait3A_258 = tpu.memref_slice %arg24[%dma_wait3A_257] : memref<100096xf32, #tpu.memory_space<vmem_shared>> -> memref<100096xf32, #tpu.memory_space<vmem_shared>>
    tpu.wait_indirect_dma semaphore(%arg29 : memref<!tpu.dma_semaphore, #tpu.memory_space<semaphore_mem>>) src(%arg15 : memref<12544xf32, #tpu.memory_space<vmem>>) dst(%dma_wait3A_258 : memref<100096xf32, #tpu.memory_space<vmem_shared>>)
    %dma_start3A_259 = arith.constant 0 : i32
    %dma_start3A_260 = tpu.memref_slice %arg22[%dma_start3A_259] : memref<100096xf32, #tpu.memory_space<vmem_shared>> -> memref<100096xf32, #tpu.memory_space<vmem_shared>>
    tpu.enqueue_indirect_dma source(%dma_start3A_260 : memref<100096xf32, #tpu.memory_space<vmem_shared>>) target(%arg15 : memref<12544xf32, #tpu.memory_space<vmem>>) offsets(%arg10 : memref<12544xi32, #tpu.memory_space<vmem>>) semaphore(%arg27 : memref<!tpu.dma_semaphore, #tpu.memory_space<semaphore_mem>>)
    %dma_wait3A_261 = arith.constant 0 : i32
    %dma_wait3A_262 = tpu.memref_slice %arg22[%dma_wait3A_261] : memref<100096xf32, #tpu.memory_space<vmem_shared>> -> memref<100096xf32, #tpu.memory_space<vmem_shared>>
    tpu.wait_indirect_dma semaphore(%arg27 : memref<!tpu.dma_semaphore, #tpu.memory_space<semaphore_mem>>) src(%dma_wait3A_262 : memref<100096xf32, #tpu.memory_space<vmem_shared>>) dst(%arg15 : memref<12544xf32, #tpu.memory_space<vmem>>)
    %add3A_263 = arith.constant 12192 : i32
    %add3A_264 = arith.addi %mul3A_4, %add3A_263 : i32
    %add3A_265 = arith.constant 75264 : i32
    %add3A_266 = arith.addi %add3A_264, %add3A_265 : i32
    %dma_start3A_267 = tpu.memref_slice %arg2[%add3A_266] : memref<6400000xi32, #tpu.memory_space<hbm>> -> memref<12544xi32, #tpu.memory_space<hbm>>
    %dma_start3A_268 = tpu.memref_slice %arg2[%add3A_266] : memref<6400000xi32, #tpu.memory_space<hbm>> -> memref<12544xi32, #tpu.memory_space<hbm>>
    tpu.enqueue_dma source(%dma_start3A_268 : memref<12544xi32, #tpu.memory_space<hbm>>) target(%arg11 : memref<12544xi32, #tpu.memory_space<vmem>>) target_semaphore(%arg26 : memref<!tpu.dma_semaphore, #tpu.memory_space<semaphore_mem>>)
    %add3A_269 = arith.constant 12192 : i32
    %add3A_270 = arith.addi %add3A_8, %add3A_269 : i32
    %add3A_271 = arith.constant 75264 : i32
    %add3A_272 = arith.addi %add3A_270, %add3A_271 : i32
    %dma_start3A_273 = tpu.memref_slice %arg2[%add3A_272] : memref<6400000xi32, #tpu.memory_space<hbm>> -> memref<12544xi32, #tpu.memory_space<hbm>>
    %dma_start3A_274 = tpu.memref_slice %arg2[%add3A_272] : memref<6400000xi32, #tpu.memory_space<hbm>> -> memref<12544xi32, #tpu.memory_space<hbm>>
    tpu.enqueue_dma source(%dma_start3A_274 : memref<12544xi32, #tpu.memory_space<hbm>>) target(%arg13 : memref<12544xi32, #tpu.memory_space<vmem>>) target_semaphore(%arg26 : memref<!tpu.dma_semaphore, #tpu.memory_space<semaphore_mem>>)
    %dma_start3A_275 = arith.constant 0 : i32
    %dma_start3A_276 = tpu.memref_slice %arg24[%dma_start3A_275] : memref<100096xf32, #tpu.memory_space<vmem_shared>> -> memref<100096xf32, #tpu.memory_space<vmem_shared>>
    tpu.enqueue_indirect_dma source(%arg15 : memref<12544xf32, #tpu.memory_space<vmem>>) target(%dma_start3A_276 : memref<100096xf32, #tpu.memory_space<vmem_shared>>) offsets(%arg12 : memref<12544xi32, #tpu.memory_space<vmem>>) semaphore(%arg29 : memref<!tpu.dma_semaphore, #tpu.memory_space<semaphore_mem>>) {add = true}
    %dma_wait3A_277 = tpu.memref_slice %arg2[%add3A_266] : memref<6400000xi32, #tpu.memory_space<hbm>> -> memref<12544xi32, #tpu.memory_space<hbm>>
    %dma_wait3A_278 = tpu.memref_slice %arg2[%add3A_266] : memref<6400000xi32, #tpu.memory_space<hbm>> -> memref<12544xi32, #tpu.memory_space<hbm>>
    tpu.wait_dma2 semaphore(%arg26 : memref<!tpu.dma_semaphore, #tpu.memory_space<semaphore_mem>>) src(%dma_wait3A_278 : memref<12544xi32, #tpu.memory_space<hbm>>) dst(%arg11 : memref<12544xi32, #tpu.memory_space<vmem>>)
    %dma_wait3A_279 = tpu.memref_slice %arg2[%add3A_272] : memref<6400000xi32, #tpu.memory_space<hbm>> -> memref<12544xi32, #tpu.memory_space<hbm>>
    %dma_wait3A_280 = tpu.memref_slice %arg2[%add3A_272] : memref<6400000xi32, #tpu.memory_space<hbm>> -> memref<12544xi32, #tpu.memory_space<hbm>>
    tpu.wait_dma2 semaphore(%arg26 : memref<!tpu.dma_semaphore, #tpu.memory_space<semaphore_mem>>) src(%dma_wait3A_280 : memref<12544xi32, #tpu.memory_space<hbm>>) dst(%arg13 : memref<12544xi32, #tpu.memory_space<vmem>>)
    %dma_wait3A_281 = arith.constant 0 : i32
    %dma_wait3A_282 = tpu.memref_slice %arg23[%dma_wait3A_281] : memref<100096xf32, #tpu.memory_space<vmem_shared>> -> memref<100096xf32, #tpu.memory_space<vmem_shared>>
    tpu.wait_indirect_dma semaphore(%arg28 : memref<!tpu.dma_semaphore, #tpu.memory_space<semaphore_mem>>) src(%arg14 : memref<12544xf32, #tpu.memory_space<vmem>>) dst(%dma_wait3A_282 : memref<100096xf32, #tpu.memory_space<vmem_shared>>)
    %dma_start3A_283 = arith.constant 0 : i32
    %dma_start3A_284 = tpu.memref_slice %arg21[%dma_start3A_283] : memref<100096xf32, #tpu.memory_space<vmem_shared>> -> memref<100096xf32, #tpu.memory_space<vmem_shared>>
    tpu.enqueue_indirect_dma source(%dma_start3A_284 : memref<100096xf32, #tpu.memory_space<vmem_shared>>) target(%arg14 : memref<12544xf32, #tpu.memory_space<vmem>>) offsets(%arg11 : memref<12544xi32, #tpu.memory_space<vmem>>) semaphore(%arg27 : memref<!tpu.dma_semaphore, #tpu.memory_space<semaphore_mem>>)
    %dma_wait3A_285 = arith.constant 0 : i32
    %dma_wait3A_286 = tpu.memref_slice %arg21[%dma_wait3A_285] : memref<100096xf32, #tpu.memory_space<vmem_shared>> -> memref<100096xf32, #tpu.memory_space<vmem_shared>>
    tpu.wait_indirect_dma semaphore(%arg27 : memref<!tpu.dma_semaphore, #tpu.memory_space<semaphore_mem>>) src(%dma_wait3A_286 : memref<100096xf32, #tpu.memory_space<vmem_shared>>) dst(%arg14 : memref<12544xf32, #tpu.memory_space<vmem>>)
    %dma_start3A_287 = arith.constant 0 : i32
    %dma_start3A_288 = tpu.memref_slice %arg23[%dma_start3A_287] : memref<100096xf32, #tpu.memory_space<vmem_shared>> -> memref<100096xf32, #tpu.memory_space<vmem_shared>>
    tpu.enqueue_indirect_dma source(%arg14 : memref<12544xf32, #tpu.memory_space<vmem>>) target(%dma_start3A_288 : memref<100096xf32, #tpu.memory_space<vmem_shared>>) offsets(%arg13 : memref<12544xi32, #tpu.memory_space<vmem>>) semaphore(%arg28 : memref<!tpu.dma_semaphore, #tpu.memory_space<semaphore_mem>>) {add = true}
    %dma_wait3A_289 = arith.constant 0 : i32
    %dma_wait3A_290 = tpu.memref_slice %arg24[%dma_wait3A_289] : memref<100096xf32, #tpu.memory_space<vmem_shared>> -> memref<100096xf32, #tpu.memory_space<vmem_shared>>
    tpu.wait_indirect_dma semaphore(%arg29 : memref<!tpu.dma_semaphore, #tpu.memory_space<semaphore_mem>>) src(%arg15 : memref<12544xf32, #tpu.memory_space<vmem>>) dst(%dma_wait3A_290 : memref<100096xf32, #tpu.memory_space<vmem_shared>>)
    %dma_start3A_291 = arith.constant 0 : i32
    %dma_start3A_292 = tpu.memref_slice %arg22[%dma_start3A_291] : memref<100096xf32, #tpu.memory_space<vmem_shared>> -> memref<100096xf32, #tpu.memory_space<vmem_shared>>
    tpu.enqueue_indirect_dma source(%dma_start3A_292 : memref<100096xf32, #tpu.memory_space<vmem_shared>>) target(%arg15 : memref<12544xf32, #tpu.memory_space<vmem>>) offsets(%arg11 : memref<12544xi32, #tpu.memory_space<vmem>>) semaphore(%arg27 : memref<!tpu.dma_semaphore, #tpu.memory_space<semaphore_mem>>)
    %dma_wait3A_293 = arith.constant 0 : i32
    %dma_wait3A_294 = tpu.memref_slice %arg22[%dma_wait3A_293] : memref<100096xf32, #tpu.memory_space<vmem_shared>> -> memref<100096xf32, #tpu.memory_space<vmem_shared>>
    tpu.wait_indirect_dma semaphore(%arg27 : memref<!tpu.dma_semaphore, #tpu.memory_space<semaphore_mem>>) src(%dma_wait3A_294 : memref<100096xf32, #tpu.memory_space<vmem_shared>>) dst(%arg15 : memref<12544xf32, #tpu.memory_space<vmem>>)
    %dma_start3A_295 = arith.constant 0 : i32
    %dma_start3A_296 = tpu.memref_slice %arg24[%dma_start3A_295] : memref<100096xf32, #tpu.memory_space<vmem_shared>> -> memref<100096xf32, #tpu.memory_space<vmem_shared>>
    tpu.enqueue_indirect_dma source(%arg15 : memref<12544xf32, #tpu.memory_space<vmem>>) target(%dma_start3A_296 : memref<100096xf32, #tpu.memory_space<vmem_shared>>) offsets(%arg13 : memref<12544xi32, #tpu.memory_space<vmem>>) semaphore(%arg29 : memref<!tpu.dma_semaphore, #tpu.memory_space<semaphore_mem>>) {add = true}
    %dma_wait3A_297 = arith.constant 0 : i32
    %dma_wait3A_298 = tpu.memref_slice %arg23[%dma_wait3A_297] : memref<100096xf32, #tpu.memory_space<vmem_shared>> -> memref<100096xf32, #tpu.memory_space<vmem_shared>>
    tpu.wait_indirect_dma semaphore(%arg28 : memref<!tpu.dma_semaphore, #tpu.memory_space<semaphore_mem>>) src(%arg14 : memref<12544xf32, #tpu.memory_space<vmem>>) dst(%dma_wait3A_298 : memref<100096xf32, #tpu.memory_space<vmem_shared>>)
    %dma_wait3A_299 = arith.constant 0 : i32
    %dma_wait3A_300 = tpu.memref_slice %arg24[%dma_wait3A_299] : memref<100096xf32, #tpu.memory_space<vmem_shared>> -> memref<100096xf32, #tpu.memory_space<vmem_shared>>
    tpu.wait_indirect_dma semaphore(%arg29 : memref<!tpu.dma_semaphore, #tpu.memory_space<semaphore_mem>>) src(%arg15 : memref<12544xf32, #tpu.memory_space<vmem>>) dst(%dma_wait3A_300 : memref<100096xf32, #tpu.memory_space<vmem_shared>>)
    %barrier3A_301 = arith.constant 0 : index
    tpu.barrier barrier_id(%barrier3A_301)
    "tpu.region"() ({
      %run_scoped3A = tpu.sem_alloc : memref<!tpu.dma_semaphore, #tpu.memory_space<semaphore_mem>>
      %dma_start3A_314 = tpu.memref_slice %arg23[%mul3A_2] : memref<100096xf32, #tpu.memory_space<vmem_shared>> -> memref<6256xf32, #tpu.memory_space<vmem_shared>>
      %dma_start3A_315 = tpu.memref_slice %arg23[%mul3A_2] : memref<100096xf32, #tpu.memory_space<vmem_shared>> -> memref<6256xf32, #tpu.memory_space<vmem_shared>>
      tpu.enqueue_dma source(%dma_start3A_315 : memref<6256xf32, #tpu.memory_space<vmem_shared>>) target(%arg16 : memref<6256xf32, #tpu.memory_space<vmem>>) target_semaphore(%run_scoped3A : memref<!tpu.dma_semaphore, #tpu.memory_space<semaphore_mem>>)
      %dma_wait3A_316 = tpu.memref_slice %arg23[%mul3A_2] : memref<100096xf32, #tpu.memory_space<vmem_shared>> -> memref<6256xf32, #tpu.memory_space<vmem_shared>>
      %dma_wait3A_317 = tpu.memref_slice %arg23[%mul3A_2] : memref<100096xf32, #tpu.memory_space<vmem_shared>> -> memref<6256xf32, #tpu.memory_space<vmem_shared>>
      tpu.wait_dma2 semaphore(%run_scoped3A : memref<!tpu.dma_semaphore, #tpu.memory_space<semaphore_mem>>) src(%dma_wait3A_317 : memref<6256xf32, #tpu.memory_space<vmem_shared>>) dst(%arg16 : memref<6256xf32, #tpu.memory_space<vmem>>)
      tpu.yield
    }) : () -> ()
    %mul3A_302 = arith.constant 100096 : i32
    %mul3A_303 = arith.muli %arg0, %mul3A_302 : i32
    %mul3A_304 = arith.constant 6256 : i32
    %mul3A_305 = arith.muli %arg1, %mul3A_304 : i32
    %add3A_306 = arith.addi %mul3A_303, %mul3A_305 : i32
    "tpu.region"() ({
      %run_scoped3A = tpu.sem_alloc : memref<!tpu.dma_semaphore, #tpu.memory_space<semaphore_mem>>
      %dma_start3A_314 = tpu.memref_slice %arg7[%add3A_306] : memref<400384xf32, #tpu.memory_space<hbm>> -> memref<6256xf32, #tpu.memory_space<hbm>>
      %dma_start3A_315 = tpu.memref_slice %arg7[%add3A_306] : memref<400384xf32, #tpu.memory_space<hbm>> -> memref<6256xf32, #tpu.memory_space<hbm>>
      tpu.enqueue_dma source(%arg16 : memref<6256xf32, #tpu.memory_space<vmem>>) target(%dma_start3A_315 : memref<6256xf32, #tpu.memory_space<hbm>>) target_semaphore(%run_scoped3A : memref<!tpu.dma_semaphore, #tpu.memory_space<semaphore_mem>>)
      %dma_wait3A_316 = tpu.memref_slice %arg7[%add3A_306] : memref<400384xf32, #tpu.memory_space<hbm>> -> memref<6256xf32, #tpu.memory_space<hbm>>
      %dma_wait3A_317 = tpu.memref_slice %arg7[%add3A_306] : memref<400384xf32, #tpu.memory_space<hbm>> -> memref<6256xf32, #tpu.memory_space<hbm>>
      tpu.wait_dma2 semaphore(%run_scoped3A : memref<!tpu.dma_semaphore, #tpu.memory_space<semaphore_mem>>) src(%arg16 : memref<6256xf32, #tpu.memory_space<vmem>>) dst(%dma_wait3A_317 : memref<6256xf32, #tpu.memory_space<hbm>>)
      tpu.yield
    }) : () -> ()
    "tpu.region"() ({
      %run_scoped3A = tpu.sem_alloc : memref<!tpu.dma_semaphore, #tpu.memory_space<semaphore_mem>>
      %dma_start3A_314 = tpu.memref_slice %arg24[%mul3A_2] : memref<100096xf32, #tpu.memory_space<vmem_shared>> -> memref<6256xf32, #tpu.memory_space<vmem_shared>>
      %dma_start3A_315 = tpu.memref_slice %arg24[%mul3A_2] : memref<100096xf32, #tpu.memory_space<vmem_shared>> -> memref<6256xf32, #tpu.memory_space<vmem_shared>>
      tpu.enqueue_dma source(%dma_start3A_315 : memref<6256xf32, #tpu.memory_space<vmem_shared>>) target(%arg17 : memref<6256xf32, #tpu.memory_space<vmem>>) target_semaphore(%run_scoped3A : memref<!tpu.dma_semaphore, #tpu.memory_space<semaphore_mem>>)
      %dma_wait3A_316 = tpu.memref_slice %arg24[%mul3A_2] : memref<100096xf32, #tpu.memory_space<vmem_shared>> -> memref<6256xf32, #tpu.memory_space<vmem_shared>>
      %dma_wait3A_317 = tpu.memref_slice %arg24[%mul3A_2] : memref<100096xf32, #tpu.memory_space<vmem_shared>> -> memref<6256xf32, #tpu.memory_space<vmem_shared>>
      tpu.wait_dma2 semaphore(%run_scoped3A : memref<!tpu.dma_semaphore, #tpu.memory_space<semaphore_mem>>) src(%dma_wait3A_317 : memref<6256xf32, #tpu.memory_space<vmem_shared>>) dst(%arg17 : memref<6256xf32, #tpu.memory_space<vmem>>)
      tpu.yield
    }) : () -> ()
    %add3A_307 = arith.constant 2 : i32
    %add3A_308 = arith.addi %add3A_307, %arg0 : i32
    %mul3A_309 = arith.constant 100096 : i32
    %mul3A_310 = arith.muli %add3A_308, %mul3A_309 : i32
    %mul3A_311 = arith.constant 6256 : i32
    %mul3A_312 = arith.muli %arg1, %mul3A_311 : i32
    %add3A_313 = arith.addi %mul3A_310, %mul3A_312 : i32
    "tpu.region"() ({
      %run_scoped3A = tpu.sem_alloc : memref<!tpu.dma_semaphore, #tpu.memory_space<semaphore_mem>>
      %dma_start3A_314 = tpu.memref_slice %arg7[%add3A_313] : memref<400384xf32, #tpu.memory_space<hbm>> -> memref<6256xf32, #tpu.memory_space<hbm>>
      %dma_start3A_315 = tpu.memref_slice %arg7[%add3A_313] : memref<400384xf32, #tpu.memory_space<hbm>> -> memref<6256xf32, #tpu.memory_space<hbm>>
      tpu.enqueue_dma source(%arg17 : memref<6256xf32, #tpu.memory_space<vmem>>) target(%dma_start3A_315 : memref<6256xf32, #tpu.memory_space<hbm>>) target_semaphore(%run_scoped3A : memref<!tpu.dma_semaphore, #tpu.memory_space<semaphore_mem>>)
      %dma_wait3A_316 = tpu.memref_slice %arg7[%add3A_313] : memref<400384xf32, #tpu.memory_space<hbm>> -> memref<6256xf32, #tpu.memory_space<hbm>>
      %dma_wait3A_317 = tpu.memref_slice %arg7[%add3A_313] : memref<400384xf32, #tpu.memory_space<hbm>> -> memref<6256xf32, #tpu.memory_space<hbm>>
      tpu.wait_dma2 semaphore(%run_scoped3A : memref<!tpu.dma_semaphore, #tpu.memory_space<semaphore_mem>>) src(%arg17 : memref<6256xf32, #tpu.memory_space<vmem>>) dst(%dma_wait3A_317 : memref<6256xf32, #tpu.memory_space<hbm>>)
      tpu.yield
    }) : () -> ()
    return
  }
}

</mosaic_0001>

<sc_bundles>
// kernel: kernel.11.cloned.1.call-start
scs
__scs_entry_jumppad:
0x0: {  	(pc) =	sbr.rel $0x88, $3  }
0x1: {  	(tag) =	ssettag $0x0;
	lr =	simm.s32 $0x1  }
0x2: {  	[smem:$0x3F9C] =	sst lr;
	_ =	strace $0xD0000000  }
0x3: {  	_ = 	snop  }
0x4: {  	_ = 	snop  }
0x5: {  	_ = 	snop  }
0x6: {  	_ = 	snop  }
0x7: {  	_ = 	snop  }
__scs_overlays_trampoline_lowered:
0x8: {  	[smem:$0x3FAB] =	sst s0  }
0x9: {  	[smem:$0x3FAC] =	sst s1  }
0xa: {  	[smem:$0x3FAD] =	sst s2  }
0xb: {  	[smem:$0x3FAE] =	sst s3  }
0xc: {  	[smem:$0x3FAF] =	sst s4  }
0xd: {  	[smem:$0x3FB0] =	sst s5  }
0xe: {  	[smem:$0x3FB1] =	sst s6  }
0xf: {  	[smem:$0x3FB2] =	sst s7  }
0x10: {  	[smem:$0x3FB3] =	sst s8  }
0x11: {  	[smem:$0x3FB4] =	sst s9;
	s0 =	simm.s32 @!p0 $0x0  }
0x12: {  	s1 =	sld [smem:$0x3F9A];
	s0 =	simm.s32 @p0 $0x1  }
0x13: {  	[smem:$0x3FB5] =	sst s0;
	s0 =	simm.s32 @!p1 $0x0  }
0x14: {  	s2 =	sld [smem:$0x3F99];
	s0 =	simm.s32 @p1 $0x1  }
0x15: {  	[smem:$0x3FB6] =	sst s0;
	s0 =	simm.s32 @!p2 $0x0  }
0x16: {  	s3 =	sld [smem:$0x3FDB];
	s0 =	simm.s32 @p2 $0x1  }
0x17: {  	s4 =	simm.s32 $0x1BF5;
	[smem:$0x3FB8] =	sst s0  }
0x18: {  	s0 =	sld [smem:$0x3F9B];
	_ =	swait.ge [sflag:s4], $0x0  }
0x19: {  	s7 =	sld [smem:$0x3F9C]  }
0x1a: {  	s8 =	sadd.s32 $0xFFFFE003, lr  }
0x1b: {  	s9 =	sadd.s32 $0xFFFFFEF7, lr;
	s5 =	simm.s32 $0xFFFFFFFF;
	p2 =	slt.u32 s8, $0xFFFFF086  }
0x1c: {  	p1 =	slt.u32 s9, $0xF7A;
	s5 =	simm.s32 @!p2 $0x0  }
0x1d: {  	s5 =	simm.s32 @p1 $0x1;
	p0 =	seq.s32 s7, s2  }
0x1e: {  	s7 =	smul.u32 @!p0 $0xF7A, s2;
	p2 =	seq.s32 @!p0 s5, $0x0  }
0x1f: {  	s9 =	smul.u32 $0xF7A, s1;
	s8 =	simm.s32 @!p0 $0x1BF5;
	p2 =	por !p2, p0  }
0x20: {  	[sflag:s8] =	ssyncset.s32 @!p0 $0xFFFFF086;
	s6 =	sadd.s32 @!p0 s3, s7;
	s7 =	simm.s32 @!p0 $0x108  }
0x21: {  	s3 =	sadd.s32 s3, s9;
	s6 =	sadd.s32 @!p0 $0x88, s6;
	s7 =	simm.s32 @p2 $0x1082  }
0x22: {  	[simem:s7], [sflag:s8] =	dma.local @!p0 [hbm:s6], $0xF7A  }
0x23: {  	s9 =	sor.u32 $0xD0000000, s2;
	s6 =	simm.s32 $0x108;
	_ =	swait.ge @!p0 [sflag:s8], $0x0  }
0x24: {  	s3 =	sadd.s32 $0x88, s3;
	s6 =	simm.s32 @!p1 $0x1082;
	[sflag:s4] =	ssyncset.s32 $0xFFFFF086  }
0x25: {  	[simem:s6], [sflag:s4] =	dma.local [hbm:s3], $0xF7A  }
0x26: {  	[smem:$0x3F9C] =	sst s1;
	(tag) =	ssettag s2;
	_ =	strace s9  }
0x27: {  	s1 =	sld [smem:$0x3FAC]  }
0x28: {  	s2 =	sld [smem:$0x3FAD]  }
0x29: {  	s4 =	sld [smem:$0x3FAF]  }
0x2a: {  	p0 =	seq.s32 s5, $0x0;
	s5 =	sld [smem:$0x3FB0]  }
0x2b: {  	s6 =	sld [smem:$0x3FB1]  }
0x2c: {  	s7 =	sld [smem:$0x3FB2]  }
0x2d: {  	s3 =	simm.s32 $0x108;
	s8 =	sld [smem:$0x3FB3]  }
0x2e: {  	s3 =	simm.s32 @!p0 $0x1082;
	s9 =	sld [smem:$0x3FB4]  }
0x2f: {  	lr =	sadd.s32 s0, s3;
	s0 =	sld [smem:$0x3FAB]  }
0x30: {  	s3 =	sld [smem:$0x3FAE]  }
0x31: {  	[smem:$0x3FB7] =	sst s10  }
0x32: {  	s10 =	sld [smem:$0x3FB5];
	_ =	sdelay $0x3  }
0x33: {  	p0 =	seq.s32 s10, $0x1;
	s10 =	sld [smem:$0x3FB7];
	_ =	sdelay $0x3  }
0x34: {  	[smem:$0x3FB7] =	sst s10  }
0x35: {  	s10 =	sld [smem:$0x3FB6];
	_ =	sdelay $0x3  }
0x36: {  	p1 =	seq.s32 s10, $0x1;
	s10 =	sld [smem:$0x3FB7];
	_ =	sdelay $0x3  }
0x37: {  	[smem:$0x3FB7] =	sst s10  }
0x38: {  	s10 =	sld [smem:$0x3FB8]  }
0x39: {  	_ = 	snop;
	(pc) =	sbr.ind lr, $3  }
0x3a: {  	_ = 	snop  }
0x3b: {  	_ = 	snop  }
0x3c: {  	p2 =	seq.s32 s10, $0x1;
	s10 =	sld [smem:$0x3FB7]  }
0x3d: {  	_ =	shalt  }
0x3e: {  	_ =	shalt  }
0x3f: {  	_ =	shalt  }
0x40: {  	_ =	shalt  }
0x41: {  	_ =	shalt  }
0x42: {  	_ =	shalt  }
0x43: {  	_ =	shalt  }
0x44: {  	_ =	shalt  }
0x45: {  	_ =	shalt  }
0x46: {  	_ =	shalt  }
0x47: {  	_ =	shalt  }
0x48: {  	_ =	shalt  }
0x49: {  	_ =	shalt  }
0x4a: {  	_ =	shalt  }
0x4b: {  	_ =	shalt  }
0x4c: {  	_ =	shalt  }
0x4d: {  	_ =	shalt  }
0x4e: {  	_ =	shalt  }
0x4f: {  	_ =	shalt  }
0x50: {  	_ =	shalt  }
0x51: {  	_ =	shalt  }
0x52: {  	_ =	shalt  }
0x53: {  	_ =	shalt  }
0x54: {  	_ =	shalt  }
0x55: {  	_ =	shalt  }
0x56: {  	_ =	shalt  }
0x57: {  	_ =	shalt  }
0x58: {  	_ =	shalt  }
0x59: {  	_ =	shalt  }
0x5a: {  	_ =	shalt  }
0x5b: {  	_ =	shalt  }
0x5c: {  	_ =	shalt  }
0x5d: {  	_ =	shalt  }
0x5e: {  	_ =	shalt  }
0x5f: {  	_ =	shalt  }
0x60: {  	_ =	shalt  }
0x61: {  	_ =	shalt  }
0x62: {  	_ =	shalt  }
0x63: {  	_ =	shalt  }
0x64: {  	_ =	shalt  }
0x65: {  	_ =	shalt  }
0x66: {  	_ =	shalt  }
0x67: {  	_ =	shalt  }
0x68: {  	_ =	shalt  }
0x69: {  	_ =	shalt  }
0x6a: {  	_ =	shalt  }
0x6b: {  	_ =	shalt  }
0x6c: {  	_ =	shalt  }
0x6d: {  	_ =	shalt  }
0x6e: {  	_ =	shalt  }
0x6f: {  	_ =	shalt  }
0x70: {  	_ =	shalt  }
0x71: {  	_ =	shalt  }
0x72: {  	_ =	shalt  }
0x73: {  	_ =	shalt  }
0x74: {  	_ =	shalt  }
0x75: {  	_ =	shalt  }
0x76: {  	_ =	shalt  }
0x77: {  	_ =	shalt  }
0x78: {  	_ =	shalt  }
0x79: {  	_ =	shalt  }
0x7a: {  	_ =	shalt  }
0x7b: {  	_ =	shalt  }
0x7c: {  	_ =	shalt  }
0x7d: {  	_ =	shalt  }
0x7e: {  	_ =	shalt  }
0x7f: {  	_ =	shalt  }
0x80: {  	_ =	shalt  }
0x81: {  	_ =	shalt  }
0x82: {  	_ =	shalt  }
0x83: {  	_ =	shalt  }
0x84: {  	_ =	shalt  }
0x85: {  	_ =	shalt  }
0x86: {  	_ =	shalt  }
0x87: {  	_ =	shalt  }
.Lfunc_end0:
.L_simem_size_0:
called_computation.2_lowered:
.L_overlay_start_0:
0x88: {  	s2 =	sld [smem:$0x3FD9]  }
0x89: {  	s3 =	sld [smem:$0x3FFE];
	_ =	sdelay $0x1  }
0x8a: {  	s1 =	srdreg.scid  }
0x8b: {  	s0 =	sand.u32 $0x1, s1  }
0x8c: {  	s17 =	sshll.u32 s0, $0xA;
	s2 =	sadd.s32 s3, s2  }
0x8d: {  	s2 =	sadd.s32 s2, s17  }
0x8e: {  	[smem:$0x3FC3] =	sst s2  }
0x8f: {  	_ = 	snop  }
0x90: {  	s2 =	sld [smem:$0x3FD0];
	(tm) =	ssettm $0x1  }
0x91: {  	s18 =	sld [smem:$0x3FFB];
	_ =	sdelay $0x3  }
0x92: {  	_ =	strace s18  }
0x93: {  	s3 =	sld [smem:$0x3FFC];
	_ =	sdelay $0x3  }
0x94: {  	_ =	strace s3  }
0x95: {  	s3 =	sld [smem:$0x3FFD];
	_ =	sdelay $0x3  }
0x96: {  	_ =	strace s3  }
0x97: {  	_ =	strace $0x8FFFFFFF  }
0x98: {  	s19 =	sld [smem:$0x3FDB];
	_ =	sdelay $0x1  }
0x99: {  	s4 =	simm.s32 $_scs_section_size  }
0x9a: {  	s5 =	simm.s32 $_size__tile_overlayer_lowered;
	s6 =	simm.s32 $_tile_overlayer_lowered  }
0x9b: {  	s22 =	simm.s32 $0x1BFF;
	s21 =	sshll.u32 s6, $0x1;
	s3 =	sadd.s32 s4, s19  }
0x9c: {  	s7 =	simm.s32 $0x0;
	s20 =	sshll.u32 s5, $0x1;
	s5 =	sadd.s32 s21, s3  }
0x9d: {  	[timem:s7], [sflag:s22] =	dma.local [hbm:s5], s20  }
0x9e: {  	_ =	swait.ge [sflag:s22], s20  }
0x9f: {  	s4 =	ssub.s32 $0x0, s20;
	[sflag:s22] =	ssyncset.done $0x0  }
0xa0: {  	[sflag:s22] =	ssyncadd.s32 s4;
	_ =	sdelay $0x1  }
0xa1: {  	s23 =	simm.s32 $0x1B8B  }
0xa2: {  	_ =	swait.ge [sflag:s23], $0x1  }
0xa3: {  	[sflag:s23] =	ssyncset.done $0x0  }
0xa4: {  	s25 =	simm.s32 $0x1B8E;
	s24 =	sld [smem:$0x3FFE];
	[sflag:s23] =	ssyncadd.s32 $0xFFFFFFFF  }
0xa5: {  	s26 =	simm.s32 $execute0_lowered;
	[smem:$0x3FD2] =	sst s25  }
0xa6: {  	s5 =	sshll.u32 s26, $0x1;
	_ =	strace $0x8000004C;
	[dreg:$0x1] =	wrdreg $0xFFFFFFFF  }
0xa7: {  	s28 =	simm.s32 $_size_execute0_lowered;
	s3 =	sadd.s32 s3, s5;
	[dreg:$0x0] =	wrdreg $0x0  }
0xa8: {  	s5 =	sshll.u32 s28, $0x1;
	[dreg:$0x2] =	wrdreg s3  }
0xa9: {  	[dreg:$0x3] =	wrdreg s5  }
0xaa: {  	[dreg:$0x4] =	wrdreg $0xC0  }
0xab: {  	_ =	task [dreg:s7], $0x5FFFF  }
0xac: {  	[dreg:$0x1] =	wrdreg $0xFFFFFFFF  }
0xad: {  	[dreg:$0x0] =	wrdreg $0x60  }
0xae: {  	[dreg:$0x2] =	wrdreg s24  }
0xaf: {  	[dreg:$0x3] =	wrdreg s2  }
0xb0: {  	[dreg:$0x4] =	wrdreg $0x188800  }
0xb1: {  	[dreg:$0x5] =	wrdreg $0x1A0F00  }
0xb2: {  	[dreg:$0x6] =	wrdreg $0x1B9600  }
0xb3: {  	[dreg:$0x7] =	wrdreg $0x1D1D00  }
0xb4: {  	[dreg:$0x8] =	wrdreg $0x9  }
0xb5: {  	_ =	task.clear_ibuf [dreg:s7], $0x9FFFF;
	_ =	strace $0x9000004C  }
0xb6: {  	s29 =	simm.s32 $0x9;
	_ =	strace $0x8000004E  }
0xb7: {  	_ =	swait.ge [sflag:s29], $0x1  }
0xb8: {  	[sflag:s29] =	ssyncadd.s32 $0xFFFFFFFF  }
0xb9: {  	_ =	strace $0x9000004E  }
0xba: {  	_ =	sfence  }
0xbb: {  	s30 =	sld [smem:$0x0];
	_ =	sdelay $0x2  }
0xbc: {  	s31 =	sshll.u32 s1, $0xD;
	s1 =	sshrl.u32 s1, $0x2  }
0xbd: {  	s3 =	sand.u32 $0x4000, s31;
	s1 =	sadd.s32 s1, s30  }
0xbe: {  	s0 =	sor.u32 s3, s0;
	s1 =	sshll.u32 s1, $0x11  }
0xbf: {  	s0 =	sor.u32 s1, s0  }
0xc0: {  	s0 =	sadd.s32 $0x8F2B, s0  }
0xc1: {  	[sflag:s0] =	ssyncadd.remote.s32 $0x1  }
0xc2: {  	_ =	sfence.sel $0xFFFF  }
0xc3: {  	[dreg:$0x0] =	wrdreg $0xFFFFFFFF;
	(pc) =	sbr.abs _section_cstart, $3  }
0xc4: {  	[dreg:$0x1] =	wrdreg $0xFFFFFFFF  }
0xc5: {  	_ =	task.clear_ibuf [dreg:s7], $0x2FFFF;
	_ =	strace $0x9FFFFFFF  }
0xc6: {  	(tm) =	ssettm $0x7FFFFFFF  }
0xc7: {  	_ =	shalt  }
tec
execute0_lowered:
.L_overlay_start_1:
0x0: {  	(tag) =	ssettag $0x1  }
0x1: {  	s0 =	rddreg [dreg:$0x0]  }
0x2: {  	s3 =	rddreg [dreg:$0x1]  }
0x3: {  	s1 =	rddreg [dreg:$0x2];
	s4 =	srdreg.scid  }
0x4: {  	s9 =	stileid.u32;
	s2 =	rddreg [dreg:$0x3]  }
0x5: {  	s28 =	simm.s32 $0x0;
	s7 =	sand.u32 $0x1, s4;
	s5 =	sshll.u32 s9, $0x1  }
0x6: {  	s4 =	rddreg [dreg:$0x4];
	s9 =	smul.u32 $0x1870, s9;
	s11 =	sadd.s32 $0xD7A00, s0  }
0x7: {  	s6 =	sor.u32 s7, s5;
	s5 =	rddreg [dreg:$0x5];
	s10 =	smul.u32 $0x18700, s7  }
0x8: {  	s12 =	ssub.s32 $0x2, s7;
	s8 =	smul.u32 $0x186A0, s6;
	s6 =	simm.s32 $0x0  }
0x9: {  	p0 =	sne.s32 s7, $0x0;
	s23 =	sshrl.u32 s9, $0x3;
	[smem:$0x7FF] =	sst s6  }
0xa: {  	s16 =	sadd.s32 s9, s1;
	_ =	strace $0x8000004D;
	[dreg:$0x7] =	wrdreg s11  }
0xb: {  	s17 =	sadd.s32 s9, s2;
	s8 =	sshrl.u32 s8, $0x3;
	[dreg:$0x10] =	wrdreg s16  }
0xc: {  	s3 =	sadd.s32 s3, s23;
	[dreg:$0x11] =	wrdreg s17;
	s8 =	sadd.s32 s8, s0  }
0xd: {  	s10 =	sadd.s32 s9, s10;
	[dreg:$0x12] =	wrdreg s3;
	s24 =	sadd.s32 $0x1C00, s8  }
0xe: {  	s10 =	sshrl.u32 s10, $0x3;
	s25 =	sadd.s32 $0x63680, s8;
	[dreg:$0x8] =	wrdreg s24  }
0xf: {  	s10 =	sadd.s32 s10, s0;
	s26 =	sadd.s32 $0x21F4, s8;
	[dreg:$0x9] =	wrdreg s25  }
0x10: {  	s0 =	sadd.s32 s23, s0;
	s29 =	sadd.s32 $0x63C74, s8;
	[dreg:$0xa] =	wrdreg s26  }
0x11: {  	s13 =	sshrl.u32 s12, $0x1;
	s30 =	sadd.s32 $0xCB400, s0;
	[dreg:$0xb] =	wrdreg s29  }
0x12: {  	s19 =	sadd.s32 s9, s4;
	s31 =	sadd.s32 $0xCE4E0, s0;
	[dreg:$0xc] =	wrdreg s30  }
0x13: {  	s20 =	sadd.s32 s9, s5;
	s14 =	sadd.s32 $0xD4800, s0;
	[dreg:$0xd] =	wrdreg s31  }
0x14: {  	s12 =	ssub.s32 s12, s13;
	s15 =	sadd.s32 $0xD1600, s0;
	[dreg:$0xe] =	wrdreg s14  }
0x15: {  	s13 =	simm.s32 $0x9300;
	s0 =	sadd.s32 $0xC5200, s0;
	[dreg:$0xf] =	wrdreg s15  }
0x16: {  	s11 =	simm.s32 $0x6200;
	s18 =	sadd.s32 $0x2814, s8;
	[dreg:$0x13] =	wrdreg s0  }
0x17: {  	s16 =	simm.s32 $0x13E80;
	s21 =	sadd.s32 $0x64294, s8;
	[dreg:$0x14] =	wrdreg s18  }
0x18: {  	s17 =	simm.s32 $0x16F80;
	s22 =	sadd.s32 $0x2E34, s8;
	[dreg:$0x15] =	wrdreg s21  }
0x19: {  	s23 =	sadd.s32 $0x648B4, s8;
	s7 =	sadd.s32 $0x66134, s8;
	[dreg:$0x16] =	wrdreg s22  }
0x1a: {  	s9 =	sadd.s32 $0xDDDC0, s10;
	[dreg:$0x17] =	wrdreg s23;
	s24 =	sadd.s32 $0x3454, s8  }
0x1b: {  	s25 =	sadd.s32 $0x64ED4, s8;
	s26 =	sadd.s32 $0x3A74, s8;
	s29 =	sadd.s32 $0x654F4, s8  }
0x1c: {  	s30 =	sadd.s32 $0x4094, s8;
	s31 =	sadd.s32 $0x65B14, s8;
	[dreg:$0x18] =	wrdreg s24  }
0x1d: {  	s0 =	sadd.s32 $0x46B4, s8;
	s8 =	sadd.s32 $0xD7C00, s10;
	[dreg:$0x19] =	wrdreg s25  }
0x1e: {  	s10 =	smax.u32 s12, $0x1;
	s12 =	simm.s32 $0x3100;
	[dreg:$0x1a] =	wrdreg s26  }
0x1f: {  	s14 =	simm.s32 $0x12600;
	s15 =	simm.s32 $0x6;
	[dreg:$0x1b] =	wrdreg s29  }
0x20: {  	s18 =	simm.s32 $0x1;
	s21 =	simm.s32 $0xC400;
	[dreg:$0x1c] =	wrdreg s30  }
0x21: {  	s22 =	simm.s32 $0x3;
	s23 =	simm.s32 $0xF500;
	[dreg:$0x1d] =	wrdreg s31  }
0x22: {  	v0 =	vimm.s32 $0x186A0;
	v1 =	vimm.f32 $0.0e+00;
	s24 =	simm.s32 $0x2;
	s25 =	simm.s32 $0x4;
	s26 =	simm.s32 $0x5  }
.LBB2_1:
0x23: {  	[tilespmem:$0x2FA0] =	vst v0  }
0x24: {  	[tilespmem:$0x2FB0] =	vst v0  }
0x25: {  	[tilespmem:$0x2FC0] =	vst v0  }
0x26: {  	[tilespmem:$0x2FD0] =	vst v0  }
0x27: {  	[tilespmem:$0x2FE0] =	vst v0  }
0x28: {  	[tilespmem:$0x2FF0] =	vst v0  }
0x29: {  	[tilespmem:$0x3000] =	vst v0  }
0x2a: {  	[tilespmem:$0x3010] =	vst v0  }
0x2b: {  	[tilespmem:$0x3020] =	vst v0  }
0x2c: {  	[tilespmem:$0x3030] =	vst v0  }
0x2d: {  	[tilespmem:$0x3040] =	vst v0  }
0x2e: {  	[tilespmem:$0x3050] =	vst v0  }
0x2f: {  	[tilespmem:$0x3060] =	vst v0  }
0x30: {  	[tilespmem:$0x3070] =	vst v0  }
0x31: {  	[tilespmem:$0x3080] =	vst v0  }
0x32: {  	[tilespmem:$0x3090] =	vst v0  }
0x33: {  	[tilespmem:$0x30A0] =	vst v0  }
0x34: {  	[tilespmem:$0x30B0] =	vst v0  }
0x35: {  	[tilespmem:$0x30C0] =	vst v0  }
0x36: {  	[tilespmem:$0x30D0] =	vst v0  }
0x37: {  	[tilespmem:$0x30E0] =	vst v0  }
0x38: {  	[tilespmem:$0x30F0] =	vst v0  }
0x39: {  	[tilespmem:$0x91A0] =	vst v0  }
0x3a: {  	[tilespmem:$0x91B0] =	vst v0  }
0x3b: {  	[tilespmem:$0x91C0] =	vst v0  }
0x3c: {  	[tilespmem:$0x91D0] =	vst v0  }
0x3d: {  	[tilespmem:$0x91E0] =	vst v0  }
0x3e: {  	[tilespmem:$0x91F0] =	vst v0  }
0x3f: {  	[tilespmem:$0x9200] =	vst v0  }
0x40: {  	[tilespmem:$0x9210] =	vst v0  }
0x41: {  	[tilespmem:$0x9220] =	vst v0  }
0x42: {  	[tilespmem:$0x9230] =	vst v0  }
0x43: {  	[tilespmem:$0x9240] =	vst v0  }
0x44: {  	[tilespmem:$0x9250] =	vst v0  }
0x45: {  	[tilespmem:$0x9260] =	vst v0  }
0x46: {  	[tilespmem:$0x9270] =	vst v0  }
0x47: {  	[tilespmem:$0x9280] =	vst v0  }
0x48: {  	[tilespmem:$0x9290] =	vst v0  }
0x49: {  	[tilespmem:$0x92A0] =	vst v0  }
0x4a: {  	[tilespmem:$0x92B0] =	vst v0  }
0x4b: {  	[tilespmem:$0x92C0] =	vst v0  }
0x4c: {  	[tilespmem:$0x92D0] =	vst v0  }
0x4d: {  	[tilespmem:$0x92E0] =	vst v0  }
0x4e: {  	[tilespmem:$0x92F0] =	vst v0;
	s29 =	rddreg [dreg:$0x8]  }
0x4f: {  	[tilespmem:s6], [sflag:$0x1] =	stream.linear.gather [hbm4b:s29+s6], $0x2FA0, $0x38;
	[tilespmem:$0x1EA40] =	vst v63  }
0x50: {  	s29 =	rddreg [dreg:$0x9]  }
0x51: {  	[tilespmem:s11], [sflag:$0x1] =	stream.linear.gather [hbm4b:s29+s6], $0x2FA0, $0x38;
	[tilespmem:$0x1EA40] =	vst v63  }
0x52: {  	s29 =	rddreg [dreg:$0xa]  }
0x53: {  	[tilespmem:s12], [sflag:$0x2] =	stream.linear.gather [hbm4b:s29+s6], $0x3100, $0x38;
	[tilespmem:$0x1EA40] =	vst v63  }
0x54: {  	s29 =	rddreg [dreg:$0xb]  }
0x55: {  	[tilespmem:s13], [sflag:$0x2] =	stream.linear.gather [hbm4b:s29+s6], $0x3100, $0x38;
	[tilespmem:$0x1EA40] =	vst v63  }
0x56: {  	s29 =	rddreg [dreg:$0xc]  }
0x57: {  	[tilespmem:s14], [sflag:$0x6] =	stream.linear.gather [hbm4b:s29+s6], $0x1870, $0x38;
	[tilespmem:$0x1EA40] =	vst v63  }
0x58: {  	_ =	swait.ge [sflag:s15], $0x1870  }
0x59: {  	[sflag:s15] =	ssyncset.done $0x0  }
0x5a: {  	s29 =	rddreg [dreg:$0xd];
	[sflag:s15] =	ssyncadd.s32 $0xFFFFE790  }
0x5b: {  	[tilespmem:s16], [sflag:$0x6] =	stream.linear.gather [hbm4b:s29+s6], $0x1870, $0x38;
	[tilespmem:$0x1EA40] =	vst v63  }
0x5c: {  	_ =	swait.ge [sflag:s15], $0x1870  }
0x5d: {  	[sflag:s15] =	ssyncset.done $0x0  }
0x5e: {  	s3 =	simm.s32 $0x15700;
	s29 =	rddreg [dreg:$0xe];
	[sflag:s15] =	ssyncadd.s32 $0xFFFFE790  }
0x5f: {  	[tilespmem:s3], [sflag:$0x6] =	stream.linear.gather [hbm4b:s29+s6], $0x1870, $0x38;
	[tilespmem:$0x1EA40] =	vst v63  }
0x60: {  	_ =	swait.ge [sflag:s15], $0x1870  }
0x61: {  	[sflag:s15] =	ssyncset.done $0x0  }
0x62: {  	s29 =	rddreg [dreg:$0xf];
	[sflag:s15] =	ssyncadd.s32 $0xFFFFE790  }
0x63: {  	[tilespmem:s17], [sflag:$0x6] =	stream.linear.gather [hbm4b:s29+s6], $0x1870, $0x38;
	[tilespmem:$0x1EA40] =	vst v63  }
0x64: {  	_ =	swait.ge [sflag:s15], $0x1870  }
0x65: {  	[sflag:s15] =	ssyncset.done $0x0  }
0x66: {  	s31 =	simm.s32 $0x18800;
	s29 =	rddreg [dreg:$0x7];
	[sflag:s15] =	ssyncadd.s32 $0xFFFFE790  }
0x67: {  	[tilespmem:s31], [sflag:$0x6] =	stream.linear.gather [hbm4b:s29+s6], $0x80, $0x38;
	[tilespmem:$0x1EA40] =	vst v63  }
0x68: {  	_ =	swait.ge [sflag:s15], $0x80  }
0x69: {  	[sflag:s15] =	ssyncset.done $0x0  }
0x6a: {  	[sflag:s15] =	ssyncadd.s32 $0xFFFFFF80  }
0x6b: {  	v2 =	vld [tilespmem:$0x18800]  }
0x6c: {  	v4 =	vld [tilespmem:$0x18810]  }
0x6d: {  	v3 =	vld [tilespmem:$0x18820]  }
0x6e: {  	s29 =	simm.s32 $0x0;
	v5 =	vld [tilespmem:$0x18830]  }
0x6f: {  	s30 =	simm.s32 $0x40;
	v6 =	vld [tilespmem:s29+$0x12600]  }
.LBB2_2:
0x70: {  	p1 =	sne.s32 s30, $0x6180;
	v7 =	vld [tilespmem:s29+$0x13E80];
	_ =	sdelay $0x1  }
0x71: {  	v8 =	vld [tilespmem:s29+$0x16F80];
	[tilespmem:s29+$0x16F80] =	vst v1;
	_ =	sdelay $0x1  }
0x72: {  	v9 =	vld [tilespmem:s29+$0x15700]  }
0x73: {  	v6 =	vadd.f32 v7, v6;
	_ =	sdelay $0x1  }
0x74: {  	v6 =	vadd.f32 v8, v6;
	_ =	sdelay $0x1  }
0x75: {  	v6 =	vmul.f32 v6, v9;
	_ =	sdelay $0x1  }
0x76: {  	v7 =	vmax.f32 v6, $0.0e+00;
	v6 =	vmin.f32 v6, $0.0e+00  }
0x77: {  	v8 =	vmul.f32 v7, v4;
	v10 =	vmul.f32 v6, v5  }
0x78: {  	v7 =	vmul.f32 v7, v2;
	v6 =	vmul.f32 v6, v3  }
0x79: {  	v8 =	vadd.f32 v10, v8  }
0x7a: {  	v6 =	vadd.f32 v6, v7  }
.Ltmp0:
0x7b: {  	v7 =	vmul.f32 v8, v9;
	(pc) =	sbr.rel @p1 .LBB2_2-.Ltmp0, $4  }
0x7c: {  	v6 =	vmul.f32 v6, v9  }
0x7d: {  	[tilespmem:s29+$0x13E80] =	vst v7  }
0x7e: {  	[tilespmem:s29+$0x12600] =	vst v6;
	s29 =	sshra.s32 s30, $0x2  }
0x7f: {  	s30 =	sadd.s32 $0x40, s30;
	v6 =	vld [tilespmem:s29+$0x12600]  }
0x80: {  	v7 =	vld [tilespmem:s29+$0x13E80];
	_ =	sdelay $0x1  }
0x81: {  	v8 =	vld [tilespmem:s29+$0x16F80];
	_ =	sdelay $0x1  }
0x82: {  	v9 =	vld [tilespmem:s29+$0x15700]  }
0x83: {  	v6 =	vadd.f32 v7, v6;
	_ =	sdelay $0x1  }
0x84: {  	v6 =	vadd.f32 v8, v6;
	_ =	sdelay $0x1  }
0x85: {  	v6 =	vmul.f32 v6, v9;
	_ =	sdelay $0x1  }
0x86: {  	v63 =	vmax.f32 v6, $0.0e+00;
	v6 =	vmin.f32 v6, $0.0e+00  }
0x87: {  	v4 =	vmul.f32 v63, v4;
	v5 =	vmul.f32 v6, v5  }
0x88: {  	v2 =	vmul.f32 v63, v2;
	v3 =	vmul.f32 v6, v3  }
0x89: {  	v4 =	vadd.f32 v5, v4  }
0x8a: {  	v2 =	vadd.f32 v3, v2  }
0x8b: {  	v3 =	vmul.f32 v4, v9  }
0x8c: {  	[tilespmem:s29+$0x16F80] =	vst v1;
	v2 =	vmul.f32 v2, v9  }
0x8d: {  	[tilespmem:s29+$0x13E80] =	vst v3  }
0x8e: {  	s3 =	rddreg [dreg:$0x10];
	[tilespmem:s29+$0x12600] =	vst v2  }
0x8f: {  	[spmem:s3] =	stream.linear.scatter [tilespmem:s14], [sflag:$0x6], $0x1870, $0x38;
	[tilespmem:$0x1EA40] =	vst v63  }
0x90: {  	_ =	swait.ge [sflag:s15], $0x1870  }
0x91: {  	[sflag:s15] =	ssyncset.done $0x0  }
0x92: {  	s30 =	rddreg [dreg:$0x11];
	[sflag:s15] =	ssyncadd.s32 $0xFFFFE790  }
0x93: {  	[spmem:s30] =	stream.linear.scatter [tilespmem:s16], [sflag:$0x6], $0x1870, $0x38;
	[tilespmem:$0x1EA40] =	vst v63  }
0x94: {  	_ =	swait.ge [sflag:s15], $0x1870  }
0x95: {  	[sflag:s15] =	ssyncset.done $0x0  }
0x96: {  	[sflag:s15] =	ssyncadd.s32 $0xFFFFE790  }
0x97: {  	[spmem:s19] =	stream.linear.scatter [tilespmem:s17], [sflag:$0x6], $0x1870, $0x38;
	[tilespmem:$0x1EA40] =	vst v63  }
0x98: {  	_ =	swait.ge [sflag:s15], $0x1870  }
0x99: {  	[sflag:s15] =	ssyncset.done $0x0  }
0x9a: {  	[sflag:s15] =	ssyncadd.s32 $0xFFFFE790  }
0x9b: {  	[spmem:s20] =	stream.linear.scatter [tilespmem:s17], [sflag:$0x6], $0x1870, $0x38;
	[tilespmem:$0x1EA40] =	vst v63  }
0x9c: {  	_ =	swait.ge [sflag:s15], $0x1870  }
0x9d: {  	s29 =	simm.s32 @!p0 $0x0;
	[sflag:s15] =	ssyncset.done $0x0  }
0x9e: {  	s30 =	simm.s32 @!p0 $0x12600;
	s31 =	rddreg [dreg:$0x12];
	[sflag:s15] =	ssyncadd.s32 $0xFFFFE790  }
0x9f: {  	[hbm4b:s31+s29] =	stream.linear.scatter @!p0 [tilespmem:s30], [sflag:$0x6], $0x1870, $0x38;
	[tilespmem:$0x1EA40] =	vst v63  }
0xa0: {  	s30 =	simm.s32 @!p0 $0x6  }
0xa1: {  	_ =	swait.ge @!p0 [sflag:s30], $0x1870  }
0xa2: {  	[sflag:s30] =	ssyncset.done @!p0 $0x0  }
0xa3: {  	s31 =	simm.s32 @!p0 $0x13E80;
	s3 =	rddreg [dreg:$0x13];
	[sflag:s30] =	ssyncadd.s32 @!p0 $0xFFFFE790  }
0xa4: {  	[hbm4b:s3+s29] =	stream.linear.scatter @!p0 [tilespmem:s31], [sflag:$0x6], $0x1870, $0x38;
	[tilespmem:$0x1EA40] =	vst v63  }
0xa5: {  	_ =	swait.ge @!p0 [sflag:s30], $0x1870  }
0xa6: {  	[sflag:s30] =	ssyncset.done @!p0 $0x0  }
0xa7: {  	[sflag:s30] =	ssyncadd.s32 @!p0 $0xFFFFE790  }
0xa8: {  	[bflag:$0x0] =	sbarrier.arrive $0xFFFF  }
0xa9: {  	_ =	swait.ge [sflag:s18], $0x2FA0  }
0xaa: {  	[sflag:s18] =	ssyncset.done $0x0  }
0xab: {  	[sflag:s18] =	ssyncadd.s32 $0xFFFFD060  }
0xac: {  	_ =	swait.ge [sflag:s18], $0x2FA0  }
0xad: {  	[sflag:s18] =	ssyncset.done $0x0  }
0xae: {  	[sflag:s18] =	ssyncadd.s32 $0xFFFFD060  }
0xaf: {  	[tilespmem:s21], [sflag:$0x3] =	stream.indirect.gather [spmem:s1], $0x1, s6, s12, $0xb8;
	[tilespmem:$0x1EA40] =	vst v63  }
0xb0: {  	_ =	swait.ge [sflag:s22], $0x3100  }
0xb1: {  	[sflag:s22] =	ssyncset.done $0x0  }
0xb2: {  	[sflag:s22] =	ssyncadd.s32 $0xFFFFCF00  }
0xb3: {  	[spmem:s4] =	stream.indirect.scatter.add.f32 [tilespmem:s21], [sflag:$0x4], $0x1, s11, s12, $0xb8;
	[tilespmem:$0x1EA40] =	vst v63  }
0xb4: {  	_ = 	snop  }
0xb5: {  	[tilespmem:s23], [sflag:$0x3] =	stream.indirect.gather [spmem:s2], $0x1, s6, s12, $0xb8;
	[tilespmem:$0x1EA40] =	vst v63  }
0xb6: {  	_ =	swait.ge [sflag:s22], $0x3100  }
0xb7: {  	[sflag:s22] =	ssyncset.done $0x0  }
0xb8: {  	[sflag:s22] =	ssyncadd.s32 $0xFFFFCF00  }
0xb9: {  	[spmem:s5] =	stream.indirect.scatter.add.f32 [tilespmem:s23], [sflag:$0x5], $0x1, s11, s12, $0xb8;
	[tilespmem:$0x1EA40] =	vst v63  }
0xba: {  	_ =	swait.ge [sflag:s24], $0x3100  }
0xbb: {  	[sflag:s24] =	ssyncset.done $0x0  }
0xbc: {  	[sflag:s24] =	ssyncadd.s32 $0xFFFFCF00  }
0xbd: {  	_ =	swait.ge [sflag:s24], $0x3100  }
0xbe: {  	[sflag:s24] =	ssyncset.done $0x0  }
0xbf: {  	[sflag:s24] =	ssyncadd.s32 $0xFFFFCF00  }
0xc0: {  	_ =	swait.ge [sflag:s25], $0x3100  }
0xc1: {  	[sflag:s25] =	ssyncset.done $0x0  }
0xc2: {  	[sflag:s25] =	ssyncadd.s32 $0xFFFFCF00  }
0xc3: {  	[tilespmem:s21], [sflag:$0x3] =	stream.indirect.gather [spmem:s1], $0x1, s12, s12, $0xb8;
	[tilespmem:$0x1EA40] =	vst v63  }
0xc4: {  	_ =	swait.ge [sflag:s22], $0x3100  }
0xc5: {  	[sflag:s22] =	ssyncset.done $0x0  }
0xc6: {  	[sflag:s22] =	ssyncadd.s32 $0xFFFFCF00  }
0xc7: {  	[spmem:s4] =	stream.indirect.scatter.add.f32 [tilespmem:s21], [sflag:$0x4], $0x1, s13, s12, $0xb8;
	[tilespmem:$0x1EA40] =	vst v63  }
0xc8: {  	_ =	swait.ge [sflag:s26], $0x3100  }
0xc9: {  	[sflag:s26] =	ssyncset.done $0x0  }
0xca: {  	[sflag:s26] =	ssyncadd.s32 $0xFFFFCF00  }
0xcb: {  	[tilespmem:s23], [sflag:$0x3] =	stream.indirect.gather [spmem:s2], $0x1, s12, s12, $0xb8;
	[tilespmem:$0x1EA40] =	vst v63  }
0xcc: {  	_ =	swait.ge [sflag:s22], $0x3100  }
0xcd: {  	[sflag:s22] =	ssyncset.done $0x0  }
0xce: {  	s31 =	rddreg [dreg:$0x14];
	[sflag:s22] =	ssyncadd.s32 $0xFFFFCF00  }
0xcf: {  	[tilespmem:s6], [sflag:$0x1] =	stream.linear.gather [hbm4b:s31+s6], $0x3100, $0x38;
	[tilespmem:$0x1EA40] =	vst v63  }
0xd0: {  	s29 =	rddreg [dreg:$0x15]  }
0xd1: {  	[tilespmem:s11], [sflag:$0x1] =	stream.linear.gather [hbm4b:s29+s6], $0x3100, $0x38;
	[tilespmem:$0x1EA40] =	vst v63  }
0xd2: {  	_ = 	snop  }
0xd3: {  	[spmem:s5] =	stream.indirect.scatter.add.f32 [tilespmem:s23], [sflag:$0x5], $0x1, s13, s12, $0xb8;
	[tilespmem:$0x1EA40] =	vst v63  }
0xd4: {  	_ =	swait.ge [sflag:s18], $0x3100  }
0xd5: {  	[sflag:s18] =	ssyncset.done $0x0  }
0xd6: {  	[sflag:s18] =	ssyncadd.s32 $0xFFFFCF00  }
0xd7: {  	_ =	swait.ge [sflag:s18], $0x3100  }
0xd8: {  	[sflag:s18] =	ssyncset.done $0x0  }
0xd9: {  	[sflag:s18] =	ssyncadd.s32 $0xFFFFCF00  }
0xda: {  	_ =	swait.ge [sflag:s25], $0x3100  }
0xdb: {  	[sflag:s25] =	ssyncset.done $0x0  }
0xdc: {  	[sflag:s25] =	ssyncadd.s32 $0xFFFFCF00  }
0xdd: {  	[tilespmem:s21], [sflag:$0x3] =	stream.indirect.gather [spmem:s1], $0x1, s6, s12, $0xb8;
	[tilespmem:$0x1EA40] =	vst v63  }
0xde: {  	_ =	swait.ge [sflag:s22], $0x3100  }
0xdf: {  	[sflag:s22] =	ssyncset.done $0x0  }
0xe0: {  	[sflag:s22] =	ssyncadd.s32 $0xFFFFCF00  }
0xe1: {  	[spmem:s4] =	stream.indirect.scatter.add.f32 [tilespmem:s21], [sflag:$0x4], $0x1, s11, s12, $0xb8;
	[tilespmem:$0x1EA40] =	vst v63  }
0xe2: {  	_ =	swait.ge [sflag:s26], $0x3100  }
0xe3: {  	[sflag:s26] =	ssyncset.done $0x0  }
0xe4: {  	[sflag:s26] =	ssyncadd.s32 $0xFFFFCF00  }
0xe5: {  	[tilespmem:s23], [sflag:$0x3] =	stream.indirect.gather [spmem:s2], $0x1, s6, s12, $0xb8;
	[tilespmem:$0x1EA40] =	vst v63  }
0xe6: {  	_ =	swait.ge [sflag:s22], $0x3100  }
0xe7: {  	[sflag:s22] =	ssyncset.done $0x0  }
0xe8: {  	s30 =	rddreg [dreg:$0x16];
	[sflag:s22] =	ssyncadd.s32 $0xFFFFCF00  }
0xe9: {  	[tilespmem:s12], [sflag:$0x2] =	stream.linear.gather [hbm4b:s30+s6], $0x3100, $0x38;
	[tilespmem:$0x1EA40] =	vst v63  }
0xea: {  	s31 =	rddreg [dreg:$0x17]  }
0xeb: {  	[tilespmem:s13], [sflag:$0x2] =	stream.linear.gather [hbm4b:s31+s6], $0x3100, $0x38;
	[tilespmem:$0x1EA40] =	vst v63  }
0xec: {  	_ = 	snop  }
0xed: {  	[spmem:s5] =	stream.indirect.scatter.add.f32 [tilespmem:s23], [sflag:$0x5], $0x1, s11, s12, $0xb8;
	[tilespmem:$0x1EA40] =	vst v63  }
0xee: {  	_ =	swait.ge [sflag:s24], $0x3100  }
0xef: {  	[sflag:s24] =	ssyncset.done $0x0  }
0xf0: {  	[sflag:s24] =	ssyncadd.s32 $0xFFFFCF00  }
0xf1: {  	_ =	swait.ge [sflag:s24], $0x3100  }
0xf2: {  	[sflag:s24] =	ssyncset.done $0x0  }
0xf3: {  	[sflag:s24] =	ssyncadd.s32 $0xFFFFCF00  }
0xf4: {  	_ =	swait.ge [sflag:s25], $0x3100  }
0xf5: {  	[sflag:s25] =	ssyncset.done $0x0  }
0xf6: {  	[sflag:s25] =	ssyncadd.s32 $0xFFFFCF00  }
0xf7: {  	[tilespmem:s21], [sflag:$0x3] =	stream.indirect.gather [spmem:s1], $0x1, s12, s12, $0xb8;
	[tilespmem:$0x1EA40] =	vst v63  }
0xf8: {  	_ =	swait.ge [sflag:s22], $0x3100  }
0xf9: {  	[sflag:s22] =	ssyncset.done $0x0  }
0xfa: {  	[sflag:s22] =	ssyncadd.s32 $0xFFFFCF00  }
0xfb: {  	[spmem:s4] =	stream.indirect.scatter.add.f32 [tilespmem:s21], [sflag:$0x4], $0x1, s13, s12, $0xb8;
	[tilespmem:$0x1EA40] =	vst v63  }
0xfc: {  	_ =	swait.ge [sflag:s26], $0x3100  }
0xfd: {  	[sflag:s26] =	ssyncset.done $0x0  }
0xfe: {  	[sflag:s26] =	ssyncadd.s32 $0xFFFFCF00  }
0xff: {  	[tilespmem:s23], [sflag:$0x3] =	stream.indirect.gather [spmem:s2], $0x1, s12, s12, $0xb8;
	[tilespmem:$0x1EA40] =	vst v63  }
0x100: {  	_ =	swait.ge [sflag:s22], $0x3100  }
0x101: {  	[sflag:s22] =	ssyncset.done $0x0  }
0x102: {  	s29 =	rddreg [dreg:$0x18];
	[sflag:s22] =	ssyncadd.s32 $0xFFFFCF00  }
0x103: {  	[tilespmem:s6], [sflag:$0x1] =	stream.linear.gather [hbm4b:s29+s6], $0x3100, $0x38;
	[tilespmem:$0x1EA40] =	vst v63  }
0x104: {  	s30 =	rddreg [dreg:$0x19]  }
0x105: {  	[tilespmem:s11], [sflag:$0x1] =	stream.linear.gather [hbm4b:s30+s6], $0x3100, $0x38;
	[tilespmem:$0x1EA40] =	vst v63  }
0x106: {  	_ = 	snop  }
0x107: {  	[spmem:s5] =	stream.indirect.scatter.add.f32 [tilespmem:s23], [sflag:$0x5], $0x1, s13, s12, $0xb8;
	[tilespmem:$0x1EA40] =	vst v63  }
0x108: {  	_ =	swait.ge [sflag:s18], $0x3100  }
0x109: {  	[sflag:s18] =	ssyncset.done $0x0  }
0x10a: {  	[sflag:s18] =	ssyncadd.s32 $0xFFFFCF00  }
0x10b: {  	_ =	swait.ge [sflag:s18], $0x3100  }
0x10c: {  	[sflag:s18] =	ssyncset.done $0x0  }
0x10d: {  	[sflag:s18] =	ssyncadd.s32 $0xFFFFCF00  }
0x10e: {  	_ =	swait.ge [sflag:s25], $0x3100  }
0x10f: {  	[sflag:s25] =	ssyncset.done $0x0  }
0x110: {  	[sflag:s25] =	ssyncadd.s32 $0xFFFFCF00  }
0x111: {  	[tilespmem:s21], [sflag:$0x3] =	stream.indirect.gather [spmem:s1], $0x1, s6, s12, $0xb8;
	[tilespmem:$0x1EA40] =	vst v63  }
0x112: {  	_ =	swait.ge [sflag:s22], $0x3100  }
0x113: {  	[sflag:s22] =	ssyncset.done $0x0  }
0x114: {  	[sflag:s22] =	ssyncadd.s32 $0xFFFFCF00  }
0x115: {  	[spmem:s4] =	stream.indirect.scatter.add.f32 [tilespmem:s21], [sflag:$0x4], $0x1, s11, s12, $0xb8;
	[tilespmem:$0x1EA40] =	vst v63  }
0x116: {  	_ =	swait.ge [sflag:s26], $0x3100  }
0x117: {  	[sflag:s26] =	ssyncset.done $0x0  }
0x118: {  	[sflag:s26] =	ssyncadd.s32 $0xFFFFCF00  }
0x119: {  	[tilespmem:s23], [sflag:$0x3] =	stream.indirect.gather [spmem:s2], $0x1, s6, s12, $0xb8;
	[tilespmem:$0x1EA40] =	vst v63  }
0x11a: {  	_ =	swait.ge [sflag:s22], $0x3100  }
0x11b: {  	[sflag:s22] =	ssyncset.done $0x0  }
0x11c: {  	s31 =	rddreg [dreg:$0x1a];
	[sflag:s22] =	ssyncadd.s32 $0xFFFFCF00  }
0x11d: {  	[tilespmem:s12], [sflag:$0x2] =	stream.linear.gather [hbm4b:s31+s6], $0x3100, $0x38;
	[tilespmem:$0x1EA40] =	vst v63  }
0x11e: {  	s29 =	rddreg [dreg:$0x1b]  }
0x11f: {  	[tilespmem:s13], [sflag:$0x2] =	stream.linear.gather [hbm4b:s29+s6], $0x3100, $0x38;
	[tilespmem:$0x1EA40] =	vst v63  }
0x120: {  	_ = 	snop  }
0x121: {  	[spmem:s5] =	stream.indirect.scatter.add.f32 [tilespmem:s23], [sflag:$0x5], $0x1, s11, s12, $0xb8;
	[tilespmem:$0x1EA40] =	vst v63  }
0x122: {  	_ =	swait.ge [sflag:s24], $0x3100  }
0x123: {  	[sflag:s24] =	ssyncset.done $0x0  }
0x124: {  	[sflag:s24] =	ssyncadd.s32 $0xFFFFCF00  }
0x125: {  	_ =	swait.ge [sflag:s24], $0x3100  }
0x126: {  	[sflag:s24] =	ssyncset.done $0x0  }
0x127: {  	[sflag:s24] =	ssyncadd.s32 $0xFFFFCF00  }
0x128: {  	_ =	swait.ge [sflag:s25], $0x3100  }
0x129: {  	[sflag:s25] =	ssyncset.done $0x0  }
0x12a: {  	[sflag:s25] =	ssyncadd.s32 $0xFFFFCF00  }
0x12b: {  	[tilespmem:s21], [sflag:$0x3] =	stream.indirect.gather [spmem:s1], $0x1, s12, s12, $0xb8;
	[tilespmem:$0x1EA40] =	vst v63  }
0x12c: {  	_ =	swait.ge [sflag:s22], $0x3100  }
0x12d: {  	[sflag:s22] =	ssyncset.done $0x0  }
0x12e: {  	[sflag:s22] =	ssyncadd.s32 $0xFFFFCF00  }
0x12f: {  	[spmem:s4] =	stream.indirect.scatter.add.f32 [tilespmem:s21], [sflag:$0x4], $0x1, s13, s12, $0xb8;
	[tilespmem:$0x1EA40] =	vst v63  }
0x130: {  	_ =	swait.ge [sflag:s26], $0x3100  }
0x131: {  	[sflag:s26] =	ssyncset.done $0x0  }
0x132: {  	[sflag:s26] =	ssyncadd.s32 $0xFFFFCF00  }
0x133: {  	[tilespmem:s23], [sflag:$0x3] =	stream.indirect.gather [spmem:s2], $0x1, s12, s12, $0xb8;
	[tilespmem:$0x1EA40] =	vst v63  }
0x134: {  	_ =	swait.ge [sflag:s22], $0x3100  }
0x135: {  	[sflag:s22] =	ssyncset.done $0x0  }
0x136: {  	s30 =	rddreg [dreg:$0x1c];
	[sflag:s22] =	ssyncadd.s32 $0xFFFFCF00  }
0x137: {  	[tilespmem:s6], [sflag:$0x1] =	stream.linear.gather [hbm4b:s30+s6], $0x3100, $0x38;
	[tilespmem:$0x1EA40] =	vst v63  }
0x138: {  	s31 =	rddreg [dreg:$0x1d]  }
0x139: {  	[tilespmem:s11], [sflag:$0x1] =	stream.linear.gather [hbm4b:s31+s6], $0x3100, $0x38;
	[tilespmem:$0x1EA40] =	vst v63  }
0x13a: {  	_ = 	snop  }
0x13b: {  	[spmem:s5] =	stream.indirect.scatter.add.f32 [tilespmem:s23], [sflag:$0x5], $0x1, s13, s12, $0xb8;
	[tilespmem:$0x1EA40] =	vst v63  }
0x13c: {  	_ =	swait.ge [sflag:s18], $0x3100  }
0x13d: {  	[sflag:s18] =	ssyncset.done $0x0  }
0x13e: {  	[sflag:s18] =	ssyncadd.s32 $0xFFFFCF00  }
0x13f: {  	_ =	swait.ge [sflag:s18], $0x3100  }
0x140: {  	[sflag:s18] =	ssyncset.done $0x0  }
0x141: {  	[sflag:s18] =	ssyncadd.s32 $0xFFFFCF00  }
0x142: {  	_ =	swait.ge [sflag:s25], $0x3100  }
0x143: {  	[sflag:s25] =	ssyncset.done $0x0  }
0x144: {  	[sflag:s25] =	ssyncadd.s32 $0xFFFFCF00  }
0x145: {  	[tilespmem:s21], [sflag:$0x3] =	stream.indirect.gather [spmem:s1], $0x1, s6, s12, $0xb8;
	[tilespmem:$0x1EA40] =	vst v63  }
0x146: {  	_ =	swait.ge [sflag:s22], $0x3100  }
0x147: {  	[sflag:s22] =	ssyncset.done $0x0  }
0x148: {  	[sflag:s22] =	ssyncadd.s32 $0xFFFFCF00  }
0x149: {  	[spmem:s4] =	stream.indirect.scatter.add.f32 [tilespmem:s21], [sflag:$0x4], $0x1, s11, s12, $0xb8;
	[tilespmem:$0x1EA40] =	vst v63  }
0x14a: {  	_ =	swait.ge [sflag:s26], $0x3100  }
0x14b: {  	[sflag:s26] =	ssyncset.done $0x0  }
0x14c: {  	[sflag:s26] =	ssyncadd.s32 $0xFFFFCF00  }
0x14d: {  	[tilespmem:s23], [sflag:$0x3] =	stream.indirect.gather [spmem:s2], $0x1, s6, s12, $0xb8;
	[tilespmem:$0x1EA40] =	vst v63  }
0x14e: {  	_ =	swait.ge [sflag:s22], $0x3100  }
0x14f: {  	[sflag:s22] =	ssyncset.done $0x0  }
0x150: {  	[sflag:s22] =	ssyncadd.s32 $0xFFFFCF00  }
0x151: {  	[tilespmem:s12], [sflag:$0x2] =	stream.linear.gather [hbm4b:s0+s6], $0x3100, $0x38;
	[tilespmem:$0x1EA40] =	vst v63  }
0x152: {  	_ = 	snop  }
0x153: {  	[tilespmem:s13], [sflag:$0x2] =	stream.linear.gather [hbm4b:s7+s6], $0x3100, $0x38;
	[tilespmem:$0x1EA40] =	vst v63  }
0x154: {  	_ = 	snop  }
0x155: {  	[spmem:s5] =	stream.indirect.scatter.add.f32 [tilespmem:s23], [sflag:$0x5], $0x1, s11, s12, $0xb8;
	[tilespmem:$0x1EA40] =	vst v63  }
0x156: {  	_ =	swait.ge [sflag:s24], $0x3100  }
0x157: {  	[sflag:s24] =	ssyncset.done $0x0  }
0x158: {  	[sflag:s24] =	ssyncadd.s32 $0xFFFFCF00  }
0x159: {  	_ =	swait.ge [sflag:s24], $0x3100  }
0x15a: {  	[sflag:s24] =	ssyncset.done $0x0  }
0x15b: {  	[sflag:s24] =	ssyncadd.s32 $0xFFFFCF00  }
0x15c: {  	_ =	swait.ge [sflag:s25], $0x3100  }
0x15d: {  	[sflag:s25] =	ssyncset.done $0x0  }
0x15e: {  	[sflag:s25] =	ssyncadd.s32 $0xFFFFCF00  }
0x15f: {  	[tilespmem:s21], [sflag:$0x3] =	stream.indirect.gather [spmem:s1], $0x1, s12, s12, $0xb8;
	[tilespmem:$0x1EA40] =	vst v63  }
0x160: {  	_ =	swait.ge [sflag:s22], $0x3100  }
0x161: {  	[sflag:s22] =	ssyncset.done $0x0  }
0x162: {  	[sflag:s22] =	ssyncadd.s32 $0xFFFFCF00  }
0x163: {  	[spmem:s4] =	stream.indirect.scatter.add.f32 [tilespmem:s21], [sflag:$0x4], $0x1, s13, s12, $0xb8;
	[tilespmem:$0x1EA40] =	vst v63  }
0x164: {  	_ =	swait.ge [sflag:s26], $0x3100  }
0x165: {  	[sflag:s26] =	ssyncset.done $0x0  }
0x166: {  	[sflag:s26] =	ssyncadd.s32 $0xFFFFCF00  }
0x167: {  	[tilespmem:s23], [sflag:$0x3] =	stream.indirect.gather [spmem:s2], $0x1, s12, s12, $0xb8;
	[tilespmem:$0x1EA40] =	vst v63  }
0x168: {  	_ =	swait.ge [sflag:s22], $0x3100  }
0x169: {  	[sflag:s22] =	ssyncset.done $0x0  }
0x16a: {  	[sflag:s22] =	ssyncadd.s32 $0xFFFFCF00  }
0x16b: {  	[spmem:s5] =	stream.indirect.scatter.add.f32 [tilespmem:s23], [sflag:$0x5], $0x1, s13, s12, $0xb8;
	[tilespmem:$0x1EA40] =	vst v63  }
0x16c: {  	_ =	swait.ge [sflag:s25], $0x3100  }
0x16d: {  	[sflag:s25] =	ssyncset.done $0x0  }
0x16e: {  	[sflag:s25] =	ssyncadd.s32 $0xFFFFCF00  }
0x16f: {  	_ =	swait.ge [sflag:s26], $0x3100  }
0x170: {  	[sflag:s26] =	ssyncset.done $0x0  }
0x171: {  	[sflag:s26] =	ssyncadd.s32 $0xFFFFCF00  }
0x172: {  	[bflag:$0x0] =	sbarrier.arrive $0xFFFF  }
0x173: {  	[tilespmem:s14], [sflag:$0x6] =	stream.linear.gather [spmem:s19], $0x1870, $0x38;
	[tilespmem:$0x1EA40] =	vst v63  }
0x174: {  	_ =	swait.ge [sflag:s15], $0x1870  }
0x175: {  	[sflag:s15] =	ssyncset.done $0x0  }
0x176: {  	[sflag:s15] =	ssyncadd.s32 $0xFFFFE790  }
0x177: {  	[hbm4b:s8+s6] =	stream.linear.scatter [tilespmem:s14], [sflag:$0x6], $0x1870, $0x38;
	[tilespmem:$0x1EA40] =	vst v63  }
0x178: {  	_ =	swait.ge [sflag:s15], $0x1870  }
0x179: {  	[sflag:s15] =	ssyncset.done $0x0  }
0x17a: {  	[sflag:s15] =	ssyncadd.s32 $0xFFFFE790  }
0x17b: {  	[tilespmem:s16], [sflag:$0x6] =	stream.linear.gather [spmem:s20], $0x1870, $0x38;
	[tilespmem:$0x1EA40] =	vst v63  }
0x17c: {  	s28 =	sadd.s32 $0x1, s28;
	_ =	swait.ge [sflag:s15], $0x1870  }
0x17d: {  	p1 =	sne.s32 s28, s10;
	[sflag:s15] =	ssyncset.done $0x0  }
.Ltmp1:
0x17e: {  	[sflag:s15] =	ssyncadd.s32 $0xFFFFE790;
	(pc) =	sbr.rel @p1 .LBB2_1-.Ltmp1, $4  }
0x17f: {  	[hbm4b:s9+s6] =	stream.linear.scatter [tilespmem:s16], [sflag:$0x6], $0x1870, $0x38;
	[tilespmem:$0x1EA40] =	vst v63  }
0x180: {  	_ =	swait.ge [sflag:s15], $0x1870  }
0x181: {  	[sflag:s15] =	ssyncset.done $0x0  }
0x182: {  	[sflag:s15] =	ssyncadd.s32 $0xFFFFE790  }
0x183: {  	_ =	sfence.sel $0x180000  }
0x184: {  	[bflag:$0x0] =	sbarrier.arrive $0xFFFF  }
0x185: {  	_ =	strace $0x9000004D  }
0x186: {  	s0 =	stileid.u32;
	[bflag:$0x2] =	sbarrier.arrive $0xFFFF  }
0x187: {  	p0 =	sne.s32 s0, $0x0;
	s0 =	rddreg [dreg:$0x6]  }
0x188: {  	s0 =	sadd.s32 @!p0 $0x100000, s0  }
0x189: {  	[sflag:s0] =	ssyncadd.tile.s32 @!p0 $0x1;
	_ =	shalt  }
.Lfunc_end2:
_tile_overlayer_lowered:
.L_overlay_start_2:
0x18a: {  	(tag) =	ssettag $0x2  }
0x18b: {  	s0 =	rddreg [dreg:$0x0];
	s2 =	stileid.u32  }
0x18c: {  	s1 =	rddreg [dreg:$0x1];
	p0 =	sne.s32 s2, $0x0  }
0x18d: {  	s3 =	rddreg [dreg:$0x2];
	[bflag:$0x3] =	sbarrier.arrive $0xFFFF;
	s2 =	simm.s32 @!p0 $0x1C06  }
0x18e: {  	[timem:s3], [sflag:s2] =	dma.local @!p0 [hbm:s0], s1  }
0x18f: {  	s0 =	simm.s32 @!p0 $0x6  }
0x190: {  	_ =	swait.ge @!p0 [sflag:s0], s1  }
0x191: {  	s1 =	ssub.s32 @!p0 $0x0, s1;
	[sflag:s0] =	ssyncset.done @!p0 $0x0  }
0x192: {  	[sflag:s0] =	ssyncadd.s32 @!p0 s1  }
0x193: {  	[bflag:$0x3] =	sbarrier.arrive $0xFFFF  }
0x194: {  	_ =	shalt  }

// kernel: kernel.5.cloned.1.call-start
scs
__scs_entry_jumppad:
0x0: {  	(pc) =	sbr.rel $0x88, $3  }
0x1: {  	(tag) =	ssettag $0x0;
	lr =	simm.s32 $0x1  }
0x2: {  	[smem:$0x3F9C] =	sst lr;
	_ =	strace $0xD0000000  }
0x3: {  	_ = 	snop  }
0x4: {  	_ = 	snop  }
0x5: {  	_ = 	snop  }
0x6: {  	_ = 	snop  }
0x7: {  	_ = 	snop  }
__scs_overlays_trampoline_lowered:
0x8: {  	[smem:$0x3FAB] =	sst s0  }
0x9: {  	[smem:$0x3FAC] =	sst s1  }
0xa: {  	[smem:$0x3FAD] =	sst s2  }
0xb: {  	[smem:$0x3FAE] =	sst s3  }
0xc: {  	[smem:$0x3FAF] =	sst s4  }
0xd: {  	[smem:$0x3FB0] =	sst s5  }
0xe: {  	[smem:$0x3FB1] =	sst s6  }
0xf: {  	[smem:$0x3FB2] =	sst s7  }
0x10: {  	[smem:$0x3FB3] =	sst s8  }
0x11: {  	[smem:$0x3FB4] =	sst s9;
	s0 =	simm.s32 @!p0 $0x0  }
0x12: {  	s1 =	sld [smem:$0x3F9A];
	s0 =	simm.s32 @p0 $0x1  }
0x13: {  	[smem:$0x3FB5] =	sst s0;
	s0 =	simm.s32 @!p1 $0x0  }
0x14: {  	s2 =	sld [smem:$0x3F99];
	s0 =	simm.s32 @p1 $0x1  }
0x15: {  	[smem:$0x3FB6] =	sst s0;
	s0 =	simm.s32 @!p2 $0x0  }
0x16: {  	s3 =	sld [smem:$0x3FDB];
	s0 =	simm.s32 @p2 $0x1  }
0x17: {  	s4 =	simm.s32 $0x1BF5;
	[smem:$0x3FB8] =	sst s0  }
0x18: {  	s0 =	sld [smem:$0x3F9B];
	_ =	swait.ge [sflag:s4], $0x0  }
0x19: {  	s7 =	sld [smem:$0x3F9C]  }
0x1a: {  	s8 =	sadd.s32 $0xFFFFE003, lr  }
0x1b: {  	s9 =	sadd.s32 $0xFFFFFEF7, lr;
	s5 =	simm.s32 $0xFFFFFFFF;
	p2 =	slt.u32 s8, $0xFFFFF086  }
0x1c: {  	p1 =	slt.u32 s9, $0xF7A;
	s5 =	simm.s32 @!p2 $0x0  }
0x1d: {  	s5 =	simm.s32 @p1 $0x1;
	p0 =	seq.s32 s7, s2  }
0x1e: {  	s7 =	smul.u32 @!p0 $0xF7A, s2;
	p2 =	seq.s32 @!p0 s5, $0x0  }
0x1f: {  	s9 =	smul.u32 $0xF7A, s1;
	s8 =	simm.s32 @!p0 $0x1BF5;
	p2 =	por !p2, p0  }
0x20: {  	[sflag:s8] =	ssyncset.s32 @!p0 $0xFFFFF086;
	s6 =	sadd.s32 @!p0 s3, s7;
	s7 =	simm.s32 @!p0 $0x108  }
0x21: {  	s3 =	sadd.s32 s3, s9;
	s6 =	sadd.s32 @!p0 $0x88, s6;
	s7 =	simm.s32 @p2 $0x1082  }
0x22: {  	[simem:s7], [sflag:s8] =	dma.local @!p0 [hbm:s6], $0xF7A  }
0x23: {  	s9 =	sor.u32 $0xD0000000, s2;
	s6 =	simm.s32 $0x108;
	_ =	swait.ge @!p0 [sflag:s8], $0x0  }
0x24: {  	s3 =	sadd.s32 $0x88, s3;
	s6 =	simm.s32 @!p1 $0x1082;
	[sflag:s4] =	ssyncset.s32 $0xFFFFF086  }
0x25: {  	[simem:s6], [sflag:s4] =	dma.local [hbm:s3], $0xF7A  }
0x26: {  	[smem:$0x3F9C] =	sst s1;
	(tag) =	ssettag s2;
	_ =	strace s9  }
0x27: {  	s1 =	sld [smem:$0x3FAC]  }
0x28: {  	s2 =	sld [smem:$0x3FAD]  }
0x29: {  	s4 =	sld [smem:$0x3FAF]  }
0x2a: {  	p0 =	seq.s32 s5, $0x0;
	s5 =	sld [smem:$0x3FB0]  }
0x2b: {  	s6 =	sld [smem:$0x3FB1]  }
0x2c: {  	s7 =	sld [smem:$0x3FB2]  }
0x2d: {  	s3 =	simm.s32 $0x108;
	s8 =	sld [smem:$0x3FB3]  }
0x2e: {  	s3 =	simm.s32 @!p0 $0x1082;
	s9 =	sld [smem:$0x3FB4]  }
0x2f: {  	lr =	sadd.s32 s0, s3;
	s0 =	sld [smem:$0x3FAB]  }
0x30: {  	s3 =	sld [smem:$0x3FAE]  }
0x31: {  	[smem:$0x3FB7] =	sst s10  }
0x32: {  	s10 =	sld [smem:$0x3FB5];
	_ =	sdelay $0x3  }
0x33: {  	p0 =	seq.s32 s10, $0x1;
	s10 =	sld [smem:$0x3FB7];
	_ =	sdelay $0x3  }
0x34: {  	[smem:$0x3FB7] =	sst s10  }
0x35: {  	s10 =	sld [smem:$0x3FB6];
	_ =	sdelay $0x3  }
0x36: {  	p1 =	seq.s32 s10, $0x1;
	s10 =	sld [smem:$0x3FB7];
	_ =	sdelay $0x3  }
0x37: {  	[smem:$0x3FB7] =	sst s10  }
0x38: {  	s10 =	sld [smem:$0x3FB8]  }
0x39: {  	_ = 	snop;
	(pc) =	sbr.ind lr, $3  }
0x3a: {  	_ = 	snop  }
0x3b: {  	_ = 	snop  }
0x3c: {  	p2 =	seq.s32 s10, $0x1;
	s10 =	sld [smem:$0x3FB7]  }
0x3d: {  	_ =	shalt  }
0x3e: {  	_ =	shalt  }
0x3f: {  	_ =	shalt  }
0x40: {  	_ =	shalt  }
0x41: {  	_ =	shalt  }
0x42: {  	_ =	shalt  }
0x43: {  	_ =	shalt  }
0x44: {  	_ =	shalt  }
0x45: {  	_ =	shalt  }
0x46: {  	_ =	shalt  }
0x47: {  	_ =	shalt  }
0x48: {  	_ =	shalt  }
0x49: {  	_ =	shalt  }
0x4a: {  	_ =	shalt  }
0x4b: {  	_ =	shalt  }
0x4c: {  	_ =	shalt  }
0x4d: {  	_ =	shalt  }
0x4e: {  	_ =	shalt  }
0x4f: {  	_ =	shalt  }
0x50: {  	_ =	shalt  }
0x51: {  	_ =	shalt  }
0x52: {  	_ =	shalt  }
0x53: {  	_ =	shalt  }
0x54: {  	_ =	shalt  }
0x55: {  	_ =	shalt  }
0x56: {  	_ =	shalt  }
0x57: {  	_ =	shalt  }
0x58: {  	_ =	shalt  }
0x59: {  	_ =	shalt  }
0x5a: {  	_ =	shalt  }
0x5b: {  	_ =	shalt  }
0x5c: {  	_ =	shalt  }
0x5d: {  	_ =	shalt  }
0x5e: {  	_ =	shalt  }
0x5f: {  	_ =	shalt  }
0x60: {  	_ =	shalt  }
0x61: {  	_ =	shalt  }
0x62: {  	_ =	shalt  }
0x63: {  	_ =	shalt  }
0x64: {  	_ =	shalt  }
0x65: {  	_ =	shalt  }
0x66: {  	_ =	shalt  }
0x67: {  	_ =	shalt  }
0x68: {  	_ =	shalt  }
0x69: {  	_ =	shalt  }
0x6a: {  	_ =	shalt  }
0x6b: {  	_ =	shalt  }
0x6c: {  	_ =	shalt  }
0x6d: {  	_ =	shalt  }
0x6e: {  	_ =	shalt  }
0x6f: {  	_ =	shalt  }
0x70: {  	_ =	shalt  }
0x71: {  	_ =	shalt  }
0x72: {  	_ =	shalt  }
0x73: {  	_ =	shalt  }
0x74: {  	_ =	shalt  }
0x75: {  	_ =	shalt  }
0x76: {  	_ =	shalt  }
0x77: {  	_ =	shalt  }
0x78: {  	_ =	shalt  }
0x79: {  	_ =	shalt  }
0x7a: {  	_ =	shalt  }
0x7b: {  	_ =	shalt  }
0x7c: {  	_ =	shalt  }
0x7d: {  	_ =	shalt  }
0x7e: {  	_ =	shalt  }
0x7f: {  	_ =	shalt  }
0x80: {  	_ =	shalt  }
0x81: {  	_ =	shalt  }
0x82: {  	_ =	shalt  }
0x83: {  	_ =	shalt  }
0x84: {  	_ =	shalt  }
0x85: {  	_ =	shalt  }
0x86: {  	_ =	shalt  }
0x87: {  	_ =	shalt  }
.Lfunc_end0:
.L_simem_size_0:
called_computation_lowered:
.L_overlay_start_0:
0x88: {  	s2 =	sld [smem:$0x3FD9]  }
0x89: {  	s3 =	sld [smem:$0x3FFE];
	_ =	sdelay $0x1  }
0x8a: {  	s1 =	srdreg.scid  }
0x8b: {  	s0 =	sand.u32 $0x1, s1  }
0x8c: {  	s16 =	sshll.u32 s0, $0xA;
	s2 =	sadd.s32 s3, s2  }
0x8d: {  	s2 =	sadd.s32 s2, s16  }
0x8e: {  	[smem:$0x3FC3] =	sst s2  }
0x8f: {  	_ = 	snop  }
0x90: {  	(tm) =	ssettm $0x1  }
0x91: {  	s17 =	sld [smem:$0x3FFB];
	_ =	sdelay $0x3  }
0x92: {  	_ =	strace s17  }
0x93: {  	s2 =	sld [smem:$0x3FFC];
	_ =	sdelay $0x3  }
0x94: {  	_ =	strace s2  }
0x95: {  	s2 =	sld [smem:$0x3FFD];
	_ =	sdelay $0x3  }
0x96: {  	_ =	strace s2  }
0x97: {  	_ =	strace $0x8FFFFFFF  }
0x98: {  	s18 =	sld [smem:$0x3FDB];
	_ =	sdelay $0x1  }
0x99: {  	s19 =	simm.s32 $_scs_section_size  }
0x9a: {  	s4 =	simm.s32 $_size__tile_overlayer_lowered;
	s5 =	simm.s32 $_tile_overlayer_lowered  }
0x9b: {  	s22 =	simm.s32 $0x1BFF;
	s21 =	sshll.u32 s5, $0x1;
	s2 =	sadd.s32 s19, s18  }
0x9c: {  	s6 =	simm.s32 $0x0;
	s20 =	sshll.u32 s4, $0x1;
	s4 =	sadd.s32 s21, s2  }
0x9d: {  	[timem:s6], [sflag:s22] =	dma.local [hbm:s4], s20  }
0x9e: {  	_ =	swait.ge [sflag:s22], s20  }
0x9f: {  	s3 =	ssub.s32 $0x0, s20;
	[sflag:s22] =	ssyncset.done $0x0  }
0xa0: {  	[sflag:s22] =	ssyncadd.s32 s3;
	_ =	sdelay $0x1  }
0xa1: {  	s23 =	simm.s32 $0x1B8B  }
0xa2: {  	_ =	swait.ge [sflag:s23], $0x1  }
0xa3: {  	[sflag:s23] =	ssyncset.done $0x0  }
0xa4: {  	s25 =	simm.s32 $0x1B8E;
	s24 =	sld [smem:$0x3FFE];
	[sflag:s23] =	ssyncadd.s32 $0xFFFFFFFF  }
0xa5: {  	s26 =	simm.s32 $execute0_lowered;
	[smem:$0x3FD2] =	sst s25  }
0xa6: {  	s4 =	sshll.u32 s26, $0x1;
	_ =	strace $0x80000046;
	[dreg:$0x1] =	wrdreg $0xFFFFFFFF  }
0xa7: {  	s28 =	simm.s32 $_size_execute0_lowered;
	s2 =	sadd.s32 s2, s4;
	[dreg:$0x0] =	wrdreg $0x0  }
0xa8: {  	s4 =	sshll.u32 s28, $0x1;
	[dreg:$0x2] =	wrdreg s2  }
0xa9: {  	[dreg:$0x3] =	wrdreg s4  }
0xaa: {  	[dreg:$0x4] =	wrdreg $0xC0  }
0xab: {  	_ =	task [dreg:s6], $0x5FFFF  }
0xac: {  	[dreg:$0x1] =	wrdreg $0xFFFFFFFF  }
0xad: {  	[dreg:$0x0] =	wrdreg $0x60  }
0xae: {  	[dreg:$0x2] =	wrdreg s24  }
0xaf: {  	[dreg:$0x3] =	wrdreg $0xAB800  }
0xb0: {  	[dreg:$0x4] =	wrdreg $0x9  }
0xb1: {  	_ =	task.clear_ibuf [dreg:s6], $0x5FFFF;
	_ =	strace $0x90000046  }
0xb2: {  	s29 =	simm.s32 $0x9;
	_ =	strace $0x80000048  }
0xb3: {  	_ =	swait.ge [sflag:s29], $0x1  }
0xb4: {  	[sflag:s29] =	ssyncadd.s32 $0xFFFFFFFF  }
0xb5: {  	_ =	strace $0x90000048  }
0xb6: {  	_ =	sfence  }
0xb7: {  	s30 =	sld [smem:$0x0];
	_ =	sdelay $0x2  }
0xb8: {  	s31 =	sshll.u32 s1, $0xD;
	s1 =	sshrl.u32 s1, $0x2  }
0xb9: {  	s3 =	sand.u32 $0x4000, s31;
	s1 =	sadd.s32 s1, s30  }
0xba: {  	s0 =	sor.u32 s3, s0;
	s1 =	sshll.u32 s1, $0x11  }
0xbb: {  	s0 =	sor.u32 s1, s0  }
0xbc: {  	s0 =	sadd.s32 $0x8F2B, s0  }
0xbd: {  	[sflag:s0] =	ssyncadd.remote.s32 $0x1  }
0xbe: {  	_ =	sfence.sel $0xFFFF  }
0xbf: {  	[dreg:$0x0] =	wrdreg $0xFFFFFFFF;
	(pc) =	sbr.abs _section_cstart, $3  }
0xc0: {  	[dreg:$0x1] =	wrdreg $0xFFFFFFFF  }
0xc1: {  	_ =	task.clear_ibuf [dreg:s6], $0x2FFFF;
	_ =	strace $0x9FFFFFFF  }
0xc2: {  	(tm) =	ssettm $0x7FFFFFFF  }
0xc3: {  	_ =	shalt  }
tec
execute0_lowered:
.L_overlay_start_1:
0x0: {  	(tag) =	ssettag $0x1  }
0x1: {  	s4 =	rddreg [dreg:$0x0]  }
0x2: {  	s2 =	rddreg [dreg:$0x1]  }
0x3: {  	s0 =	rddreg [dreg:$0x2]  }
0x4: {  	s3 =	srdreg.scid;
	s1 =	stileid.u32;
	s15 =	simm.s32 $0x3100  }
0x5: {  	s16 =	simm.s32 $0x9300;
	s17 =	simm.s32 $0x5;
	s18 =	simm.s32 $0x1  }
0x6: {  	s19 =	simm.s32 $0x6200;
	s20 =	simm.s32 $0x2;
	s21 =	simm.s32 $0x3  }
0x7: {  	s22 =	simm.s32 $0x4;
	s23 =	simm.s32 $0x0;
	s5 =	sand.u32 $0x1, s3  }
0x8: {  	s6 =	sshll.u32 s1, $0x1;
	s7 =	smul.u32 $0x1870, s1;
	s3 =	simm.s32 $0x0  }
0x9: {  	s6 =	sor.u32 s5, s6;
	s8 =	smul.u32 $0x18700, s5;
	s5 =	ssub.s32 $0x2, s5  }
0xa: {  	[smem:$0x7FF] =	sst s3;
	s6 =	smul.u32 $0x186A0, s6;
	s31 =	sshrl.u32 s5, $0x1  }
0xb: {  	_ =	strace $0x80000047;
	s8 =	sadd.s32 s7, s8;
	s14 =	ssub.s32 s5, s31  }
0xc: {  	s6 =	sshrl.u32 s6, $0x3;
	s8 =	sshrl.u32 s8, $0x3;
	s14 =	smax.u32 s14, $0x1  }
0xd: {  	s12 =	sadd.s32 s6, s4;
	s13 =	sadd.s32 s8, s4;
	s6 =	sadd.s32 s7, s2  }
0xe: {  	s4 =	sadd.s32 $0x63680, s12;
	s5 =	sadd.s32 $0x63C74, s12;
	s7 =	sadd.s32 $0x64294, s12  }
0xf: {  	s8 =	sadd.s32 $0x648B4, s12;
	s9 =	sadd.s32 $0x64ED4, s12;
	s10 =	sadd.s32 $0x654F4, s12  }
0x10: {  	v0 =	vimm.s32 $0x186A0;
	v1 =	vimm.f32 $0.0e+00;
	v2 =	vimm.f32 $1.000000000e+00;
	s11 =	sadd.s32 $0x65B14, s12;
	s12 =	sadd.s32 $0x66134, s12;
	s13 =	sadd.s32 $0xC5200, s13  }
.LBB2_1:
0x11: {  	[tilespmem:$0x2FA0] =	vst v0  }
0x12: {  	[tilespmem:$0x2FB0] =	vst v0  }
0x13: {  	[tilespmem:$0x2FC0] =	vst v0  }
0x14: {  	[tilespmem:$0x2FD0] =	vst v0  }
0x15: {  	[tilespmem:$0x2FE0] =	vst v0  }
0x16: {  	[tilespmem:$0x2FF0] =	vst v0  }
0x17: {  	[tilespmem:$0x3000] =	vst v0  }
0x18: {  	[tilespmem:$0x3010] =	vst v0  }
0x19: {  	[tilespmem:$0x3020] =	vst v0  }
0x1a: {  	[tilespmem:$0x3030] =	vst v0  }
0x1b: {  	[tilespmem:$0x3040] =	vst v0  }
0x1c: {  	[tilespmem:$0x3050] =	vst v0  }
0x1d: {  	[tilespmem:$0x3060] =	vst v0  }
0x1e: {  	[tilespmem:$0x3070] =	vst v0  }
0x1f: {  	[tilespmem:$0x3080] =	vst v0  }
0x20: {  	[tilespmem:$0x3090] =	vst v0  }
0x21: {  	[tilespmem:$0x30A0] =	vst v0  }
0x22: {  	[tilespmem:$0x30B0] =	vst v0  }
0x23: {  	[tilespmem:$0x30C0] =	vst v0  }
0x24: {  	[tilespmem:$0x30D0] =	vst v0  }
0x25: {  	[tilespmem:$0x30E0] =	vst v0  }
0x26: {  	[tilespmem:$0x30F0] =	vst v0  }
0x27: {  	[tilespmem:s3], [sflag:$0x1] =	stream.linear.gather [hbm4b:s4+s3], $0x2FA0, $0x38;
	[tilespmem:$0xC3F0] =	vst v63  }
0x28: {  	s24 =	simm.s32 $0x0  }
0x29: {  	[tilespmem:s15], [sflag:$0x2] =	stream.linear.gather [hbm4b:s5+s3], $0x3100, $0x38;
	[tilespmem:$0xC3F0] =	vst v63  }
.LBB2_2:
0x2a: {  	p0 =	sne.s32 s24, $0x6180  }
.Ltmp0:
0x2b: {  	_ = 	snop;
	(pc) =	sbr.rel @p0 .LBB2_2-.Ltmp0, $3  }
0x2c: {  	_ =	sdelay $0x1  }
0x2d: {  	s25 =	sshra.s32 s24, $0x2  }
0x2e: {  	s24 =	sadd.s32 $0x40, s24;
	[tilespmem:s25+$0x9300] =	vst v1  }
0x2f: {  	s24 =	simm.s32 $0x40;
	s25 =	simm.s32 $0x0  }
.LBB2_4:
0x30: {  	p0 =	sne.s32 s24, $0xC3C0;
	[tilespmem:s25+$0x6200] =	vst v2;
	s25 =	smov.u32 s24;
	s24 =	sadd.s32 $0x40, s24  }
.Ltmp1:
0x31: {  	(pc) =	sbr.rel @p0 .LBB2_4-.Ltmp1, $2  }
0x32: {  	_ =	sdelay $0x2  }
0x33: {  	s25 =	sshra.s32 s25, $0x2  }
0x34: {  	[tilespmem:s25+$0x6200] =	vst v2  }
0x35: {  	[spmem:s6] =	stream.linear.scatter [tilespmem:s16], [sflag:$0x5], $0x1870, $0x38;
	[tilespmem:$0xC3F0] =	vst v63  }
0x36: {  	_ =	swait.ge [sflag:s17], $0x1870  }
0x37: {  	[sflag:s17] =	ssyncset.done $0x0  }
0x38: {  	[sflag:s17] =	ssyncadd.s32 $0xFFFFE790  }
0x39: {  	[bflag:$0x0] =	sbarrier.arrive $0xFFFF  }
0x3a: {  	_ =	swait.ge [sflag:s18], $0x2FA0  }
0x3b: {  	[sflag:s18] =	ssyncset.done $0x0  }
0x3c: {  	[sflag:s18] =	ssyncadd.s32 $0xFFFFD060  }
0x3d: {  	[spmem:s2] =	stream.indirect.scatter.add.f32 [tilespmem:s19], [sflag:$0x3], $0x1, s3, s15, $0xb8;
	[tilespmem:$0xC3F0] =	vst v63  }
0x3e: {  	_ =	swait.ge [sflag:s20], $0x3100  }
0x3f: {  	[sflag:s20] =	ssyncset.done $0x0  }
0x40: {  	[sflag:s20] =	ssyncadd.s32 $0xFFFFCF00  }
0x41: {  	_ =	swait.ge [sflag:s21], $0x3100  }
0x42: {  	[sflag:s21] =	ssyncset.done $0x0  }
0x43: {  	[sflag:s21] =	ssyncadd.s32 $0xFFFFCF00  }
0x44: {  	[tilespmem:s3], [sflag:$0x1] =	stream.linear.gather [hbm4b:s7+s3], $0x3100, $0x38;
	[tilespmem:$0xC3F0] =	vst v63  }
0x45: {  	_ = 	snop  }
0x46: {  	[spmem:s2] =	stream.indirect.scatter.add.f32 [tilespmem:s19], [sflag:$0x4], $0x1, s15, s15, $0xb8;
	[tilespmem:$0xC3F0] =	vst v63  }
0x47: {  	_ =	swait.ge [sflag:s18], $0x3100  }
0x48: {  	[sflag:s18] =	ssyncset.done $0x0  }
0x49: {  	[sflag:s18] =	ssyncadd.s32 $0xFFFFCF00  }
0x4a: {  	_ =	swait.ge [sflag:s22], $0x3100  }
0x4b: {  	[sflag:s22] =	ssyncset.done $0x0  }
0x4c: {  	[sflag:s22] =	ssyncadd.s32 $0xFFFFCF00  }
0x4d: {  	[tilespmem:s15], [sflag:$0x2] =	stream.linear.gather [hbm4b:s8+s3], $0x3100, $0x38;
	[tilespmem:$0xC3F0] =	vst v63  }
0x4e: {  	_ = 	snop  }
0x4f: {  	[spmem:s2] =	stream.indirect.scatter.add.f32 [tilespmem:s19], [sflag:$0x3], $0x1, s3, s15, $0xb8;
	[tilespmem:$0xC3F0] =	vst v63  }
0x50: {  	_ =	swait.ge [sflag:s20], $0x3100  }
0x51: {  	[sflag:s20] =	ssyncset.done $0x0  }
0x52: {  	[sflag:s20] =	ssyncadd.s32 $0xFFFFCF00  }
0x53: {  	_ =	swait.ge [sflag:s21], $0x3100  }
0x54: {  	[sflag:s21] =	ssyncset.done $0x0  }
0x55: {  	[sflag:s21] =	ssyncadd.s32 $0xFFFFCF00  }
0x56: {  	[tilespmem:s3], [sflag:$0x1] =	stream.linear.gather [hbm4b:s9+s3], $0x3100, $0x38;
	[tilespmem:$0xC3F0] =	vst v63  }
0x57: {  	_ = 	snop  }
0x58: {  	[spmem:s2] =	stream.indirect.scatter.add.f32 [tilespmem:s19], [sflag:$0x4], $0x1, s15, s15, $0xb8;
	[tilespmem:$0xC3F0] =	vst v63  }
0x59: {  	_ =	swait.ge [sflag:s18], $0x3100  }
0x5a: {  	[sflag:s18] =	ssyncset.done $0x0  }
0x5b: {  	[sflag:s18] =	ssyncadd.s32 $0xFFFFCF00  }
0x5c: {  	_ =	swait.ge [sflag:s22], $0x3100  }
0x5d: {  	[sflag:s22] =	ssyncset.done $0x0  }
0x5e: {  	[sflag:s22] =	ssyncadd.s32 $0xFFFFCF00  }
0x5f: {  	[tilespmem:s15], [sflag:$0x2] =	stream.linear.gather [hbm4b:s10+s3], $0x3100, $0x38;
	[tilespmem:$0xC3F0] =	vst v63  }
0x60: {  	_ = 	snop  }
0x61: {  	[spmem:s2] =	stream.indirect.scatter.add.f32 [tilespmem:s19], [sflag:$0x3], $0x1, s3, s15, $0xb8;
	[tilespmem:$0xC3F0] =	vst v63  }
0x62: {  	_ =	swait.ge [sflag:s20], $0x3100  }
0x63: {  	[sflag:s20] =	ssyncset.done $0x0  }
0x64: {  	[sflag:s20] =	ssyncadd.s32 $0xFFFFCF00  }
0x65: {  	_ =	swait.ge [sflag:s21], $0x3100  }
0x66: {  	[sflag:s21] =	ssyncset.done $0x0  }
0x67: {  	[sflag:s21] =	ssyncadd.s32 $0xFFFFCF00  }
0x68: {  	[tilespmem:s3], [sflag:$0x1] =	stream.linear.gather [hbm4b:s11+s3], $0x3100, $0x38;
	[tilespmem:$0xC3F0] =	vst v63  }
0x69: {  	_ = 	snop  }
0x6a: {  	[spmem:s2] =	stream.indirect.scatter.add.f32 [tilespmem:s19], [sflag:$0x4], $0x1, s15, s15, $0xb8;
	[tilespmem:$0xC3F0] =	vst v63  }
0x6b: {  	_ =	swait.ge [sflag:s18], $0x3100  }
0x6c: {  	[sflag:s18] =	ssyncset.done $0x0  }
0x6d: {  	[sflag:s18] =	ssyncadd.s32 $0xFFFFCF00  }
0x6e: {  	_ =	swait.ge [sflag:s22], $0x3100  }
0x6f: {  	[sflag:s22] =	ssyncset.done $0x0  }
0x70: {  	[sflag:s22] =	ssyncadd.s32 $0xFFFFCF00  }
0x71: {  	[tilespmem:s15], [sflag:$0x2] =	stream.linear.gather [hbm4b:s12+s3], $0x3100, $0x38;
	[tilespmem:$0xC3F0] =	vst v63  }
0x72: {  	_ = 	snop  }
0x73: {  	[spmem:s2] =	stream.indirect.scatter.add.f32 [tilespmem:s19], [sflag:$0x3], $0x1, s3, s15, $0xb8;
	[tilespmem:$0xC3F0] =	vst v63  }
0x74: {  	_ =	swait.ge [sflag:s20], $0x3100  }
0x75: {  	[sflag:s20] =	ssyncset.done $0x0  }
0x76: {  	[sflag:s20] =	ssyncadd.s32 $0xFFFFCF00  }
0x77: {  	[spmem:s2] =	stream.indirect.scatter.add.f32 [tilespmem:s19], [sflag:$0x4], $0x1, s15, s15, $0xb8;
	[tilespmem:$0xC3F0] =	vst v63  }
0x78: {  	_ =	swait.ge [sflag:s21], $0x3100  }
0x79: {  	[sflag:s21] =	ssyncset.done $0x0  }
0x7a: {  	[sflag:s21] =	ssyncadd.s32 $0xFFFFCF00  }
0x7b: {  	_ =	swait.ge [sflag:s22], $0x3100  }
0x7c: {  	[sflag:s22] =	ssyncset.done $0x0  }
0x7d: {  	[sflag:s22] =	ssyncadd.s32 $0xFFFFCF00  }
0x7e: {  	[bflag:$0x0] =	sbarrier.arrive $0xFFFF  }
0x7f: {  	[tilespmem:s16], [sflag:$0x5] =	stream.linear.gather [spmem:s6], $0x1870, $0x38;
	[tilespmem:$0xC3F0] =	vst v63  }
0x80: {  	s23 =	sadd.s32 $0x1, s23;
	_ =	swait.ge [sflag:s17], $0x1870  }
0x81: {  	p0 =	sne.s32 s23, s14;
	[sflag:s17] =	ssyncset.done $0x0  }
.Ltmp2:
0x82: {  	[sflag:s17] =	ssyncadd.s32 $0xFFFFE790;
	(pc) =	sbr.rel @p0 .LBB2_1-.Ltmp2, $4  }
0x83: {  	[hbm4b:s13+s3] =	stream.linear.scatter [tilespmem:s16], [sflag:$0x5], $0x1870, $0x38;
	[tilespmem:$0xC3F0] =	vst v63  }
0x84: {  	_ =	swait.ge [sflag:s17], $0x1870  }
0x85: {  	[sflag:s17] =	ssyncset.done $0x0  }
0x86: {  	[sflag:s17] =	ssyncadd.s32 $0xFFFFE790  }
0x87: {  	_ =	sfence.sel $0x180000  }
0x88: {  	[bflag:$0x0] =	sbarrier.arrive $0xFFFF  }
0x89: {  	p0 =	sne.s32 s1, $0x0;
	_ =	strace $0x90000047  }
0x8a: {  	s0 =	sadd.s32 @!p0 $0x100000, s0;
	[bflag:$0x2] =	sbarrier.arrive $0xFFFF  }
0x8b: {  	[sflag:s0] =	ssyncadd.tile.s32 @!p0 $0x1;
	_ =	shalt  }
.Lfunc_end2:
_tile_overlayer_lowered:
.L_overlay_start_2:
0x8c: {  	(tag) =	ssettag $0x2  }
0x8d: {  	s0 =	rddreg [dreg:$0x0];
	s2 =	stileid.u32  }
0x8e: {  	s1 =	rddreg [dreg:$0x1];
	p0 =	sne.s32 s2, $0x0  }
0x8f: {  	s3 =	rddreg [dreg:$0x2];
	[bflag:$0x3] =	sbarrier.arrive $0xFFFF;
	s2 =	simm.s32 @!p0 $0x1C05  }
0x90: {  	[timem:s3], [sflag:s2] =	dma.local @!p0 [hbm:s0], s1  }
0x91: {  	s0 =	simm.s32 @!p0 $0x5  }
0x92: {  	_ =	swait.ge @!p0 [sflag:s0], s1  }
0x93: {  	s1 =	ssub.s32 @!p0 $0x0, s1;
	[sflag:s0] =	ssyncset.done @!p0 $0x0  }
0x94: {  	[sflag:s0] =	ssyncadd.s32 @!p0 s1  }
0x95: {  	[bflag:$0x3] =	sbarrier.arrive $0xFFFF  }
0x96: {  	_ =	shalt  }

// kernel: kernel.8.cloned.1.call-start
scs
__scs_entry_jumppad:
0x0: {  	(pc) =	sbr.rel $0x88, $3  }
0x1: {  	(tag) =	ssettag $0x0;
	lr =	simm.s32 $0x1  }
0x2: {  	[smem:$0x3F9C] =	sst lr;
	_ =	strace $0xD0000000  }
0x3: {  	_ = 	snop  }
0x4: {  	_ = 	snop  }
0x5: {  	_ = 	snop  }
0x6: {  	_ = 	snop  }
0x7: {  	_ = 	snop  }
__scs_overlays_trampoline_lowered:
0x8: {  	[smem:$0x3FAB] =	sst s0  }
0x9: {  	[smem:$0x3FAC] =	sst s1  }
0xa: {  	[smem:$0x3FAD] =	sst s2  }
0xb: {  	[smem:$0x3FAE] =	sst s3  }
0xc: {  	[smem:$0x3FAF] =	sst s4  }
0xd: {  	[smem:$0x3FB0] =	sst s5  }
0xe: {  	[smem:$0x3FB1] =	sst s6  }
0xf: {  	[smem:$0x3FB2] =	sst s7  }
0x10: {  	[smem:$0x3FB3] =	sst s8  }
0x11: {  	[smem:$0x3FB4] =	sst s9;
	s0 =	simm.s32 @!p0 $0x0  }
0x12: {  	s1 =	sld [smem:$0x3F9A];
	s0 =	simm.s32 @p0 $0x1  }
0x13: {  	[smem:$0x3FB5] =	sst s0;
	s0 =	simm.s32 @!p1 $0x0  }
0x14: {  	s2 =	sld [smem:$0x3F99];
	s0 =	simm.s32 @p1 $0x1  }
0x15: {  	[smem:$0x3FB6] =	sst s0;
	s0 =	simm.s32 @!p2 $0x0  }
0x16: {  	s3 =	sld [smem:$0x3FDB];
	s0 =	simm.s32 @p2 $0x1  }
0x17: {  	s4 =	simm.s32 $0x1BF5;
	[smem:$0x3FB8] =	sst s0  }
0x18: {  	s0 =	sld [smem:$0x3F9B];
	_ =	swait.ge [sflag:s4], $0x0  }
0x19: {  	s7 =	sld [smem:$0x3F9C]  }
0x1a: {  	s8 =	sadd.s32 $0xFFFFE003, lr  }
0x1b: {  	s9 =	sadd.s32 $0xFFFFFEF7, lr;
	s5 =	simm.s32 $0xFFFFFFFF;
	p2 =	slt.u32 s8, $0xFFFFF086  }
0x1c: {  	p1 =	slt.u32 s9, $0xF7A;
	s5 =	simm.s32 @!p2 $0x0  }
0x1d: {  	s5 =	simm.s32 @p1 $0x1;
	p0 =	seq.s32 s7, s2  }
0x1e: {  	s7 =	smul.u32 @!p0 $0xF7A, s2;
	p2 =	seq.s32 @!p0 s5, $0x0  }
0x1f: {  	s9 =	smul.u32 $0xF7A, s1;
	s8 =	simm.s32 @!p0 $0x1BF5;
	p2 =	por !p2, p0  }
0x20: {  	[sflag:s8] =	ssyncset.s32 @!p0 $0xFFFFF086;
	s6 =	sadd.s32 @!p0 s3, s7;
	s7 =	simm.s32 @!p0 $0x108  }
0x21: {  	s3 =	sadd.s32 s3, s9;
	s6 =	sadd.s32 @!p0 $0x88, s6;
	s7 =	simm.s32 @p2 $0x1082  }
0x22: {  	[simem:s7], [sflag:s8] =	dma.local @!p0 [hbm:s6], $0xF7A  }
0x23: {  	s9 =	sor.u32 $0xD0000000, s2;
	s6 =	simm.s32 $0x108;
	_ =	swait.ge @!p0 [sflag:s8], $0x0  }
0x24: {  	s3 =	sadd.s32 $0x88, s3;
	s6 =	simm.s32 @!p1 $0x1082;
	[sflag:s4] =	ssyncset.s32 $0xFFFFF086  }
0x25: {  	[simem:s6], [sflag:s4] =	dma.local [hbm:s3], $0xF7A  }
0x26: {  	[smem:$0x3F9C] =	sst s1;
	(tag) =	ssettag s2;
	_ =	strace s9  }
0x27: {  	s1 =	sld [smem:$0x3FAC]  }
0x28: {  	s2 =	sld [smem:$0x3FAD]  }
0x29: {  	s4 =	sld [smem:$0x3FAF]  }
0x2a: {  	p0 =	seq.s32 s5, $0x0;
	s5 =	sld [smem:$0x3FB0]  }
0x2b: {  	s6 =	sld [smem:$0x3FB1]  }
0x2c: {  	s7 =	sld [smem:$0x3FB2]  }
0x2d: {  	s3 =	simm.s32 $0x108;
	s8 =	sld [smem:$0x3FB3]  }
0x2e: {  	s3 =	simm.s32 @!p0 $0x1082;
	s9 =	sld [smem:$0x3FB4]  }
0x2f: {  	lr =	sadd.s32 s0, s3;
	s0 =	sld [smem:$0x3FAB]  }
0x30: {  	s3 =	sld [smem:$0x3FAE]  }
0x31: {  	[smem:$0x3FB7] =	sst s10  }
0x32: {  	s10 =	sld [smem:$0x3FB5];
	_ =	sdelay $0x3  }
0x33: {  	p0 =	seq.s32 s10, $0x1;
	s10 =	sld [smem:$0x3FB7];
	_ =	sdelay $0x3  }
0x34: {  	[smem:$0x3FB7] =	sst s10  }
0x35: {  	s10 =	sld [smem:$0x3FB6];
	_ =	sdelay $0x3  }
0x36: {  	p1 =	seq.s32 s10, $0x1;
	s10 =	sld [smem:$0x3FB7];
	_ =	sdelay $0x3  }
0x37: {  	[smem:$0x3FB7] =	sst s10  }
0x38: {  	s10 =	sld [smem:$0x3FB8]  }
0x39: {  	_ = 	snop;
	(pc) =	sbr.ind lr, $3  }
0x3a: {  	_ = 	snop  }
0x3b: {  	_ = 	snop  }
0x3c: {  	p2 =	seq.s32 s10, $0x1;
	s10 =	sld [smem:$0x3FB7]  }
0x3d: {  	_ =	shalt  }
0x3e: {  	_ =	shalt  }
0x3f: {  	_ =	shalt  }
0x40: {  	_ =	shalt  }
0x41: {  	_ =	shalt  }
0x42: {  	_ =	shalt  }
0x43: {  	_ =	shalt  }
0x44: {  	_ =	shalt  }
0x45: {  	_ =	shalt  }
0x46: {  	_ =	shalt  }
0x47: {  	_ =	shalt  }
0x48: {  	_ =	shalt  }
0x49: {  	_ =	shalt  }
0x4a: {  	_ =	shalt  }
0x4b: {  	_ =	shalt  }
0x4c: {  	_ =	shalt  }
0x4d: {  	_ =	shalt  }
0x4e: {  	_ =	shalt  }
0x4f: {  	_ =	shalt  }
0x50: {  	_ =	shalt  }
0x51: {  	_ =	shalt  }
0x52: {  	_ =	shalt  }
0x53: {  	_ =	shalt  }
0x54: {  	_ =	shalt  }
0x55: {  	_ =	shalt  }
0x56: {  	_ =	shalt  }
0x57: {  	_ =	shalt  }
0x58: {  	_ =	shalt  }
0x59: {  	_ =	shalt  }
0x5a: {  	_ =	shalt  }
0x5b: {  	_ =	shalt  }
0x5c: {  	_ =	shalt  }
0x5d: {  	_ =	shalt  }
0x5e: {  	_ =	shalt  }
0x5f: {  	_ =	shalt  }
0x60: {  	_ =	shalt  }
0x61: {  	_ =	shalt  }
0x62: {  	_ =	shalt  }
0x63: {  	_ =	shalt  }
0x64: {  	_ =	shalt  }
0x65: {  	_ =	shalt  }
0x66: {  	_ =	shalt  }
0x67: {  	_ =	shalt  }
0x68: {  	_ =	shalt  }
0x69: {  	_ =	shalt  }
0x6a: {  	_ =	shalt  }
0x6b: {  	_ =	shalt  }
0x6c: {  	_ =	shalt  }
0x6d: {  	_ =	shalt  }
0x6e: {  	_ =	shalt  }
0x6f: {  	_ =	shalt  }
0x70: {  	_ =	shalt  }
0x71: {  	_ =	shalt  }
0x72: {  	_ =	shalt  }
0x73: {  	_ =	shalt  }
0x74: {  	_ =	shalt  }
0x75: {  	_ =	shalt  }
0x76: {  	_ =	shalt  }
0x77: {  	_ =	shalt  }
0x78: {  	_ =	shalt  }
0x79: {  	_ =	shalt  }
0x7a: {  	_ =	shalt  }
0x7b: {  	_ =	shalt  }
0x7c: {  	_ =	shalt  }
0x7d: {  	_ =	shalt  }
0x7e: {  	_ =	shalt  }
0x7f: {  	_ =	shalt  }
0x80: {  	_ =	shalt  }
0x81: {  	_ =	shalt  }
0x82: {  	_ =	shalt  }
0x83: {  	_ =	shalt  }
0x84: {  	_ =	shalt  }
0x85: {  	_ =	shalt  }
0x86: {  	_ =	shalt  }
0x87: {  	_ =	shalt  }
.Lfunc_end0:
.L_simem_size_0:
called_computation.1_lowered:
.L_overlay_start_0:
0x88: {  	s2 =	sld [smem:$0x3FD9]  }
0x89: {  	s3 =	sld [smem:$0x3FFE];
	_ =	sdelay $0x1  }
0x8a: {  	s1 =	srdreg.scid  }
0x8b: {  	s0 =	sand.u32 $0x1, s1  }
0x8c: {  	s17 =	sshll.u32 s0, $0xA;
	s2 =	sadd.s32 s3, s2  }
0x8d: {  	s2 =	sadd.s32 s2, s17  }
0x8e: {  	[smem:$0x3FC3] =	sst s2  }
0x8f: {  	_ = 	snop  }
0x90: {  	s2 =	sld [smem:$0x3FD0];
	(tm) =	ssettm $0x1  }
0x91: {  	s18 =	sld [smem:$0x3FFB];
	_ =	sdelay $0x3  }
0x92: {  	_ =	strace s18  }
0x93: {  	s3 =	sld [smem:$0x3FFC];
	_ =	sdelay $0x3  }
0x94: {  	_ =	strace s3  }
0x95: {  	s3 =	sld [smem:$0x3FFD];
	_ =	sdelay $0x3  }
0x96: {  	_ =	strace s3  }
0x97: {  	_ =	strace $0x8FFFFFFF  }
0x98: {  	s19 =	sld [smem:$0x3FDB];
	_ =	sdelay $0x1  }
0x99: {  	s4 =	simm.s32 $_scs_section_size  }
0x9a: {  	s5 =	simm.s32 $_size__tile_overlayer_lowered;
	s6 =	simm.s32 $_tile_overlayer_lowered  }
0x9b: {  	s22 =	simm.s32 $0x1BFF;
	s21 =	sshll.u32 s6, $0x1;
	s3 =	sadd.s32 s4, s19  }
0x9c: {  	s7 =	simm.s32 $0x0;
	s20 =	sshll.u32 s5, $0x1;
	s5 =	sadd.s32 s21, s3  }
0x9d: {  	[timem:s7], [sflag:s22] =	dma.local [hbm:s5], s20  }
0x9e: {  	_ =	swait.ge [sflag:s22], s20  }
0x9f: {  	s4 =	ssub.s32 $0x0, s20;
	[sflag:s22] =	ssyncset.done $0x0  }
0xa0: {  	[sflag:s22] =	ssyncadd.s32 s4;
	_ =	sdelay $0x1  }
0xa1: {  	s23 =	simm.s32 $0x1B8B  }
0xa2: {  	_ =	swait.ge [sflag:s23], $0x1  }
0xa3: {  	[sflag:s23] =	ssyncset.done $0x0  }
0xa4: {  	s25 =	simm.s32 $0x1B8E;
	s24 =	sld [smem:$0x3FFE];
	[sflag:s23] =	ssyncadd.s32 $0xFFFFFFFF  }
0xa5: {  	s26 =	simm.s32 $execute0_lowered;
	[smem:$0x3FD2] =	sst s25  }
0xa6: {  	s5 =	sshll.u32 s26, $0x1;
	_ =	strace $0x80000049;
	[dreg:$0x1] =	wrdreg $0xFFFFFFFF  }
0xa7: {  	s28 =	simm.s32 $_size_execute0_lowered;
	s3 =	sadd.s32 s3, s5;
	[dreg:$0x0] =	wrdreg $0x0  }
0xa8: {  	s5 =	sshll.u32 s28, $0x1;
	[dreg:$0x2] =	wrdreg s3  }
0xa9: {  	[dreg:$0x3] =	wrdreg s5  }
0xaa: {  	[dreg:$0x4] =	wrdreg $0xC0  }
0xab: {  	_ =	task [dreg:s7], $0x5FFFF  }
0xac: {  	[dreg:$0x1] =	wrdreg $0xFFFFFFFF  }
0xad: {  	[dreg:$0x0] =	wrdreg $0x60  }
0xae: {  	[dreg:$0x2] =	wrdreg s24  }
0xaf: {  	[dreg:$0x3] =	wrdreg s2  }
0xb0: {  	[dreg:$0x4] =	wrdreg $0x16F800  }
0xb1: {  	[dreg:$0x5] =	wrdreg $0x187F00  }
0xb2: {  	[dreg:$0x6] =	wrdreg $0x9  }
0xb3: {  	_ =	task.clear_ibuf [dreg:s7], $0x7FFFF;
	_ =	strace $0x90000049  }
0xb4: {  	s29 =	simm.s32 $0x9;
	_ =	strace $0x8000004B  }
0xb5: {  	_ =	swait.ge [sflag:s29], $0x1  }
0xb6: {  	[sflag:s29] =	ssyncadd.s32 $0xFFFFFFFF  }
0xb7: {  	_ =	strace $0x9000004B  }
0xb8: {  	_ =	sfence  }
0xb9: {  	s30 =	sld [smem:$0x0];
	_ =	sdelay $0x2  }
0xba: {  	s31 =	sshll.u32 s1, $0xD;
	s1 =	sshrl.u32 s1, $0x2  }
0xbb: {  	s3 =	sand.u32 $0x4000, s31;
	s1 =	sadd.s32 s1, s30  }
0xbc: {  	s0 =	sor.u32 s3, s0;
	s1 =	sshll.u32 s1, $0x11  }
0xbd: {  	s0 =	sor.u32 s1, s0  }
0xbe: {  	s0 =	sadd.s32 $0x8F2B, s0  }
0xbf: {  	[sflag:s0] =	ssyncadd.remote.s32 $0x1  }
0xc0: {  	_ =	sfence.sel $0xFFFF  }
0xc1: {  	[dreg:$0x0] =	wrdreg $0xFFFFFFFF;
	(pc) =	sbr.abs _section_cstart, $3  }
0xc2: {  	[dreg:$0x1] =	wrdreg $0xFFFFFFFF  }
0xc3: {  	_ =	task.clear_ibuf [dreg:s7], $0x2FFFF;
	_ =	strace $0x9FFFFFFF  }
0xc4: {  	(tm) =	ssettm $0x7FFFFFFF  }
0xc5: {  	_ =	shalt  }
tec
execute0_lowered:
.L_overlay_start_1:
0x0: {  	(tag) =	ssettag $0x1  }
0x1: {  	s0 =	rddreg [dreg:$0x0];
	s1 =	srdreg.scid  }
0x2: {  	s7 =	stileid.u32;
	s5 =	rddreg [dreg:$0x1]  }
0x3: {  	s2 =	rddreg [dreg:$0x2];
	s31 =	simm.s32 $0x6200;
	s12 =	simm.s32 $0xF500  }
0x4: {  	s1 =	sand.u32 $0x1, s1;
	s3 =	sshll.u32 s7, $0x1;
	s7 =	smul.u32 $0x1870, s7  }
0x5: {  	s4 =	sor.u32 s1, s3;
	s3 =	rddreg [dreg:$0x3];
	s8 =	smul.u32 $0x18700, s1  }
0x6: {  	s9 =	ssub.s32 $0x2, s1;
	p0 =	sne.s32 s1, $0x0;
	s6 =	smul.u32 $0x186A0, s4  }
0x7: {  	s4 =	simm.s32 $0x0;
	s10 =	sshrl.u32 s7, $0x3;
	s19 =	sadd.s32 s7, s2  }
0x8: {  	[smem:$0x7FF] =	sst s4;
	s5 =	sadd.s32 s5, s10;
	s6 =	sshrl.u32 s6, $0x3  }
0x9: {  	_ =	strace $0x8000004A;
	[dreg:$0xb] =	wrdreg s5;
	s6 =	sadd.s32 s6, s0  }
0xa: {  	s8 =	sadd.s32 s7, s8;
	[dreg:$0xc] =	wrdreg s19;
	s13 =	sadd.s32 $0x1C00, s6  }
0xb: {  	s8 =	sshrl.u32 s8, $0x3;
	s14 =	sadd.s32 $0x63680, s6;
	[dreg:$0x5] =	wrdreg s13  }
0xc: {  	s8 =	sadd.s32 s8, s0;
	s15 =	sadd.s32 $0x21F4, s6;
	[dreg:$0x6] =	wrdreg s14  }
0xd: {  	s0 =	sadd.s32 s10, s0;
	s16 =	sadd.s32 $0x63C74, s6;
	[dreg:$0x7] =	wrdreg s15  }
0xe: {  	s1 =	simm.s32 $0x3100;
	s17 =	sadd.s32 $0xC5200, s0;
	[dreg:$0x8] =	wrdreg s16  }
0xf: {  	s11 =	sshrl.u32 s9, $0x1;
	s18 =	sadd.s32 $0xC82E0, s0;
	[dreg:$0x9] =	wrdreg s17  }
0x10: {  	s9 =	ssub.s32 s9, s11;
	s20 =	sadd.s32 $0xD4800, s0;
	[dreg:$0xa] =	wrdreg s18  }
0x11: {  	s11 =	simm.s32 $0x2;
	s0 =	sadd.s32 $0xD1600, s0;
	[dreg:$0xd] =	wrdreg s20  }
0x12: {  	s30 =	smax.u32 s9, $0x1;
	s21 =	sadd.s32 $0x2814, s6;
	[dreg:$0xe] =	wrdreg s0  }
0x13: {  	s5 =	simm.s32 $0x7;
	s22 =	sadd.s32 $0x64294, s6;
	[dreg:$0xf] =	wrdreg s21  }
0x14: {  	s9 =	simm.s32 $0xC400;
	s23 =	sadd.s32 $0x2E34, s6;
	[dreg:$0x10] =	wrdreg s22  }
0x15: {  	s10 =	simm.s32 $0x3;
	s24 =	sadd.s32 $0x648B4, s6;
	[dreg:$0x11] =	wrdreg s23  }
0x16: {  	s25 =	sadd.s32 $0x3454, s6;
	s26 =	sadd.s32 $0x64ED4, s6;
	[dreg:$0x12] =	wrdreg s24  }
0x17: {  	s28 =	sadd.s32 $0x66134, s6;
	s29 =	sadd.s32 $0xCB400, s8;
	[dreg:$0x13] =	wrdreg s25  }
0x18: {  	s8 =	simm.s32 $0x1;
	s13 =	sadd.s32 s7, s3;
	[dreg:$0x14] =	wrdreg s26  }
0x19: {  	s22 =	sadd.s32 $0x3A74, s6;
	s23 =	sadd.s32 $0x654F4, s6;
	s24 =	sadd.s32 $0x4094, s6  }
0x1a: {  	s25 =	sadd.s32 $0x65B14, s6;
	s26 =	sadd.s32 $0x46B4, s6;
	s0 =	simm.s32 $0x9300  }
0x1b: {  	s6 =	simm.s32 $0x13E80;
	s7 =	simm.s32 $0x15700;
	s14 =	simm.s32 $0x4  }
0x1c: {  	v0 =	vimm.s32 $0x186A0;
	v1 =	vimm.f32 $0.0e+00;
	s15 =	simm.s32 $0x5;
	s16 =	simm.s32 $0x6;
	s17 =	simm.s32 $0x0  }
.LBB2_1:
0x1d: {  	[tilespmem:$0x2FA0] =	vst v0  }
0x1e: {  	[tilespmem:$0x2FB0] =	vst v0  }
0x1f: {  	[tilespmem:$0x2FC0] =	vst v0  }
0x20: {  	[tilespmem:$0x2FD0] =	vst v0  }
0x21: {  	[tilespmem:$0x2FE0] =	vst v0  }
0x22: {  	[tilespmem:$0x2FF0] =	vst v0  }
0x23: {  	[tilespmem:$0x3000] =	vst v0  }
0x24: {  	[tilespmem:$0x3010] =	vst v0  }
0x25: {  	[tilespmem:$0x3020] =	vst v0  }
0x26: {  	[tilespmem:$0x3030] =	vst v0  }
0x27: {  	[tilespmem:$0x3040] =	vst v0  }
0x28: {  	[tilespmem:$0x3050] =	vst v0  }
0x29: {  	[tilespmem:$0x3060] =	vst v0  }
0x2a: {  	[tilespmem:$0x3070] =	vst v0  }
0x2b: {  	[tilespmem:$0x3080] =	vst v0  }
0x2c: {  	[tilespmem:$0x3090] =	vst v0  }
0x2d: {  	[tilespmem:$0x30A0] =	vst v0  }
0x2e: {  	[tilespmem:$0x30B0] =	vst v0  }
0x2f: {  	[tilespmem:$0x30C0] =	vst v0  }
0x30: {  	[tilespmem:$0x30D0] =	vst v0  }
0x31: {  	[tilespmem:$0x30E0] =	vst v0  }
0x32: {  	[tilespmem:$0x30F0] =	vst v0  }
0x33: {  	[tilespmem:$0x91A0] =	vst v0  }
0x34: {  	[tilespmem:$0x91B0] =	vst v0  }
0x35: {  	[tilespmem:$0x91C0] =	vst v0  }
0x36: {  	[tilespmem:$0x91D0] =	vst v0  }
0x37: {  	[tilespmem:$0x91E0] =	vst v0  }
0x38: {  	[tilespmem:$0x91F0] =	vst v0  }
0x39: {  	[tilespmem:$0x9200] =	vst v0  }
0x3a: {  	[tilespmem:$0x9210] =	vst v0  }
0x3b: {  	[tilespmem:$0x9220] =	vst v0  }
0x3c: {  	[tilespmem:$0x9230] =	vst v0  }
0x3d: {  	[tilespmem:$0x9240] =	vst v0  }
0x3e: {  	[tilespmem:$0x9250] =	vst v0  }
0x3f: {  	[tilespmem:$0x9260] =	vst v0  }
0x40: {  	[tilespmem:$0x9270] =	vst v0  }
0x41: {  	[tilespmem:$0x9280] =	vst v0  }
0x42: {  	[tilespmem:$0x9290] =	vst v0  }
0x43: {  	[tilespmem:$0x92A0] =	vst v0  }
0x44: {  	[tilespmem:$0x92B0] =	vst v0  }
0x45: {  	[tilespmem:$0x92C0] =	vst v0  }
0x46: {  	[tilespmem:$0x92D0] =	vst v0  }
0x47: {  	[tilespmem:$0x92E0] =	vst v0  }
0x48: {  	[tilespmem:$0x92F0] =	vst v0;
	s18 =	rddreg [dreg:$0x5]  }
0x49: {  	[tilespmem:s4], [sflag:$0x1] =	stream.linear.gather [hbm4b:s18+s4], $0x2FA0, $0x38;
	[tilespmem:$0x1A060] =	vst v63  }
0x4a: {  	s21 =	rddreg [dreg:$0x6]  }
0x4b: {  	[tilespmem:s31], [sflag:$0x1] =	stream.linear.gather [hbm4b:s21+s4], $0x2FA0, $0x38;
	[tilespmem:$0x1A060] =	vst v63  }
0x4c: {  	s19 =	rddreg [dreg:$0x7]  }
0x4d: {  	[tilespmem:s1], [sflag:$0x2] =	stream.linear.gather [hbm4b:s19+s4], $0x3100, $0x38;
	[tilespmem:$0x1A060] =	vst v63  }
0x4e: {  	s20 =	rddreg [dreg:$0x8]  }
0x4f: {  	[tilespmem:s0], [sflag:$0x2] =	stream.linear.gather [hbm4b:s20+s4], $0x3100, $0x38;
	[tilespmem:$0x1A060] =	vst v63  }
0x50: {  	s21 =	rddreg [dreg:$0x9];
	s19 =	simm.s32 $0x12600  }
0x51: {  	[tilespmem:s19], [sflag:$0x7] =	stream.linear.gather [hbm4b:s21+s4], $0x1870, $0x38;
	[tilespmem:$0x1A060] =	vst v63  }
0x52: {  	_ =	swait.ge [sflag:s5], $0x1870  }
0x53: {  	[sflag:s5] =	ssyncset.done $0x0  }
0x54: {  	s20 =	rddreg [dreg:$0xa];
	[sflag:s5] =	ssyncadd.s32 $0xFFFFE790  }
0x55: {  	[tilespmem:s6], [sflag:$0x7] =	stream.linear.gather [hbm4b:s20+s4], $0x1870, $0x38;
	[tilespmem:$0x1A060] =	vst v63  }
0x56: {  	_ =	swait.ge [sflag:s5], $0x1870  }
0x57: {  	[sflag:s5] =	ssyncset.done $0x0  }
0x58: {  	s21 =	rddreg [dreg:$0xb];
	[sflag:s5] =	ssyncadd.s32 $0xFFFFE790  }
0x59: {  	[tilespmem:s7], [sflag:$0x7] =	stream.linear.gather [hbm4b:s21+s4], $0x1870, $0x38;
	[tilespmem:$0x1A060] =	vst v63  }
0x5a: {  	_ =	swait.ge [sflag:s5], $0x1870  }
0x5b: {  	[sflag:s5] =	ssyncset.done $0x0  }
0x5c: {  	s18 =	simm.s32 $0x0;
	[sflag:s5] =	ssyncadd.s32 $0xFFFFE790  }
0x5d: {  	v2 =	vld [tilespmem:s18+$0x13E80]  }
0x5e: {  	v3 =	vld [tilespmem:s18+$0x12600];
	_ =	sdelay $0x4  }
0x5f: {  	v2 =	vadd.f32 v2, v3;
	_ =	sdelay $0x1  }
0x60: {  	v2 =	vadd.f32 $1.000000000e+00, v2;
	_ =	sdelay $0x1  }
0x61: {  	v3 =	vshra.s32 v2, $0x1;
	v2 =	vmul.f32 $5.000000000e-01, v2  }
0x62: {  	v3 =	vsub.s32 $0x5F3759DF, v3  }
0x63: {  	v4 =	vmul.f32 v3, v2;
	_ =	sdelay $0x1  }
0x64: {  	v4 =	vmul.f32 v3, v4;
	_ =	sdelay $0x1  }
0x65: {  	v4 =	vsub.f32 $1.500000000e+00, v4;
	_ =	sdelay $0x1  }
0x66: {  	v3 =	vmul.f32 v3, v4;
	_ =	sdelay $0x1  }
0x67: {  	v4 =	vmul.f32 v3, v2;
	_ =	sdelay $0x1  }
0x68: {  	v4 =	vmul.f32 v4, v3;
	_ =	sdelay $0x1  }
0x69: {  	v4 =	vsub.f32 $1.500000000e+00, v4;
	_ =	sdelay $0x1  }
0x6a: {  	v3 =	vmul.f32 v4, v3;
	_ =	sdelay $0x1  }
0x6b: {  	v2 =	vmul.f32 v3, v2;
	_ =	sdelay $0x1  }
0x6c: {  	v2 =	vmul.f32 v2, v3;
	_ =	sdelay $0x1  }
0x6d: {  	v4 =	vsub.f32 $1.500000000e+00, v2;
	v2 =	vld [tilespmem:s18+$0x15700];
	_ =	sdelay $0x2  }
0x6e: {  	s19 =	simm.s32 $0x40;
	s20 =	simm.s32 $0x80;
	[tilespmem:s18+$0x13E80] =	vst v1;
	v3 =	vmul.f32 v4, v3  }
.LBB2_2:
0x6f: {  	p1 =	sne.s32 s20, $0x6180;
	s21 =	sshra.s32 s19, $0x2;
	s19 =	smov.u32 s20  }
0x70: {  	v4 =	vld [tilespmem:s21+$0x13E80];
	[tilespmem:s18+$0x12600] =	vst v3;
	v2 =	vmul.f32 v3, v2  }
0x71: {  	v3 =	vld [tilespmem:s21+$0x12600];
	[tilespmem:s21+$0x13E80] =	vst v1  }
0x72: {  	[tilespmem:s18+$0x15700] =	vst v2;
	s18 =	smov.u32 s21;
	_ =	sdelay $0x3  }
0x73: {  	v2 =	vadd.f32 v4, v3;
	_ =	sdelay $0x1  }
0x74: {  	v2 =	vadd.f32 $1.000000000e+00, v2;
	_ =	sdelay $0x1  }
0x75: {  	v3 =	vshra.s32 v2, $0x1;
	v2 =	vmul.f32 $5.000000000e-01, v2  }
0x76: {  	v3 =	vsub.s32 $0x5F3759DF, v3  }
0x77: {  	v4 =	vmul.f32 v3, v2;
	_ =	sdelay $0x1  }
0x78: {  	v4 =	vmul.f32 v3, v4;
	_ =	sdelay $0x1  }
0x79: {  	v4 =	vsub.f32 $1.500000000e+00, v4;
	_ =	sdelay $0x1  }
0x7a: {  	v3 =	vmul.f32 v3, v4;
	_ =	sdelay $0x1  }
0x7b: {  	v4 =	vmul.f32 v3, v2;
	_ =	sdelay $0x1  }
0x7c: {  	v4 =	vmul.f32 v4, v3;
	_ =	sdelay $0x1  }
0x7d: {  	v4 =	vsub.f32 $1.500000000e+00, v4;
	_ =	sdelay $0x1  }
0x7e: {  	v3 =	vmul.f32 v4, v3;
	_ =	sdelay $0x1  }
0x7f: {  	v2 =	vmul.f32 v3, v2;
	_ =	sdelay $0x1  }
.Ltmp0:
0x80: {  	v4 =	vmul.f32 v2, v3;
	(pc) =	sbr.rel @p1 .LBB2_2-.Ltmp0, $3  }
0x81: {  	v2 =	vld [tilespmem:s18+$0x15700]  }
0x82: {  	v4 =	vsub.f32 $1.500000000e+00, v4;
	_ =	sdelay $0x1  }
0x83: {  	s20 =	sadd.s32 $0x40, s20;
	v3 =	vmul.f32 v4, v3  }
0x84: {  	s19 =	sshra.s32 s19, $0x2  }
0x85: {  	v4 =	vld [tilespmem:s19+$0x13E80];
	[tilespmem:s18+$0x12600] =	vst v3  }
0x86: {  	v5 =	vld [tilespmem:s19+$0x12600];
	_ =	sdelay $0x4  }
0x87: {  	v4 =	vadd.f32 v4, v5;
	_ =	sdelay $0x1  }
0x88: {  	v4 =	vadd.f32 $1.000000000e+00, v4;
	_ =	sdelay $0x1  }
0x89: {  	v63 =	vshra.s32 v4, $0x1;
	v4 =	vmul.f32 $5.000000000e-01, v4  }
0x8a: {  	v5 =	vsub.s32 $0x5F3759DF, v63  }
0x8b: {  	v6 =	vmul.f32 v5, v4;
	_ =	sdelay $0x1  }
0x8c: {  	v6 =	vmul.f32 v5, v6;
	_ =	sdelay $0x1  }
0x8d: {  	v6 =	vsub.f32 $1.500000000e+00, v6;
	_ =	sdelay $0x1  }
0x8e: {  	v5 =	vmul.f32 v5, v6;
	_ =	sdelay $0x1  }
0x8f: {  	v6 =	vmul.f32 v5, v4;
	_ =	sdelay $0x1  }
0x90: {  	v6 =	vmul.f32 v6, v5;
	_ =	sdelay $0x1  }
0x91: {  	v6 =	vsub.f32 $1.500000000e+00, v6;
	_ =	sdelay $0x1  }
0x92: {  	v5 =	vmul.f32 v6, v5;
	_ =	sdelay $0x1  }
0x93: {  	v2 =	vmul.f32 v3, v2;
	v3 =	vmul.f32 v5, v4  }
0x94: {  	[tilespmem:s19+$0x13E80] =	vst v1  }
0x95: {  	[tilespmem:s18+$0x15700] =	vst v2;
	v2 =	vmul.f32 v3, v5  }
0x96: {  	v3 =	vld [tilespmem:s19+$0x15700]  }
0x97: {  	v2 =	vsub.f32 $1.500000000e+00, v2;
	_ =	sdelay $0x1  }
0x98: {  	v2 =	vmul.f32 v2, v5;
	_ =	sdelay $0x1  }
0x99: {  	v3 =	vmul.f32 v2, v3  }
0x9a: {  	[tilespmem:s19+$0x12600] =	vst v2  }
0x9b: {  	s21 =	rddreg [dreg:$0xc];
	[tilespmem:s19+$0x15700] =	vst v3  }
0x9c: {  	[spmem:s21] =	stream.linear.scatter [tilespmem:s7], [sflag:$0x7], $0x1870, $0x38;
	[tilespmem:$0x1A060] =	vst v63  }
0x9d: {  	_ =	swait.ge [sflag:s5], $0x1870  }
0x9e: {  	[sflag:s5] =	ssyncset.done $0x0  }
0x9f: {  	[sflag:s5] =	ssyncadd.s32 $0xFFFFE790  }
0xa0: {  	[spmem:s13] =	stream.linear.scatter [tilespmem:s6], [sflag:$0x7], $0x1870, $0x38;
	[tilespmem:$0x1A060] =	vst v63  }
0xa1: {  	_ =	swait.ge [sflag:s5], $0x1870  }
0xa2: {  	s18 =	simm.s32 @!p0 $0x0;
	[sflag:s5] =	ssyncset.done $0x0  }
0xa3: {  	s19 =	simm.s32 @!p0 $0x12600;
	s20 =	rddreg [dreg:$0xd];
	[sflag:s5] =	ssyncadd.s32 $0xFFFFE790  }
0xa4: {  	[hbm4b:s20+s18] =	stream.linear.scatter @!p0 [tilespmem:s19], [sflag:$0x7], $0x1870, $0x38;
	[tilespmem:$0x1A060] =	vst v63  }
0xa5: {  	s19 =	simm.s32 @!p0 $0x7  }
0xa6: {  	_ =	swait.ge @!p0 [sflag:s19], $0x1870  }
0xa7: {  	[sflag:s19] =	ssyncset.done @!p0 $0x0  }
0xa8: {  	s20 =	simm.s32 @!p0 $0x15700;
	s21 =	rddreg [dreg:$0xe];
	[sflag:s19] =	ssyncadd.s32 @!p0 $0xFFFFE790  }
0xa9: {  	[hbm4b:s21+s18] =	stream.linear.scatter @!p0 [tilespmem:s20], [sflag:$0x7], $0x1870, $0x38;
	[tilespmem:$0x1A060] =	vst v63  }
0xaa: {  	_ =	swait.ge @!p0 [sflag:s19], $0x1870  }
0xab: {  	[sflag:s19] =	ssyncset.done @!p0 $0x0  }
0xac: {  	[sflag:s19] =	ssyncadd.s32 @!p0 $0xFFFFE790  }
0xad: {  	[bflag:$0x0] =	sbarrier.arrive $0xFFFF  }
0xae: {  	_ =	swait.ge [sflag:s8], $0x2FA0  }
0xaf: {  	[sflag:s8] =	ssyncset.done $0x0  }
0xb0: {  	[sflag:s8] =	ssyncadd.s32 $0xFFFFD060  }
0xb1: {  	_ =	swait.ge [sflag:s8], $0x2FA0  }
0xb2: {  	[sflag:s8] =	ssyncset.done $0x0  }
0xb3: {  	[sflag:s8] =	ssyncadd.s32 $0xFFFFD060  }
0xb4: {  	[tilespmem:s9], [sflag:$0x3] =	stream.indirect.gather [spmem:s2], $0x1, s4, s1, $0xb8;
	[tilespmem:$0x1A060] =	vst v63  }
0xb5: {  	_ =	swait.ge [sflag:s10], $0x3100  }
0xb6: {  	[sflag:s10] =	ssyncset.done $0x0  }
0xb7: {  	[sflag:s10] =	ssyncadd.s32 $0xFFFFCF00  }
0xb8: {  	[spmem:s3] =	stream.indirect.scatter.add.f32 [tilespmem:s9], [sflag:$0x5], $0x1, s31, s1, $0xb8;
	[tilespmem:$0x1A060] =	vst v63  }
0xb9: {  	_ =	swait.ge [sflag:s11], $0x3100  }
0xba: {  	[sflag:s11] =	ssyncset.done $0x0  }
0xbb: {  	[sflag:s11] =	ssyncadd.s32 $0xFFFFCF00  }
0xbc: {  	_ =	swait.ge [sflag:s11], $0x3100  }
0xbd: {  	[sflag:s11] =	ssyncset.done $0x0  }
0xbe: {  	[sflag:s11] =	ssyncadd.s32 $0xFFFFCF00  }
0xbf: {  	[tilespmem:s12], [sflag:$0x4] =	stream.indirect.gather [spmem:s2], $0x1, s1, s1, $0xb8;
	[tilespmem:$0x1A060] =	vst v63  }
0xc0: {  	_ =	swait.ge [sflag:s14], $0x3100  }
0xc1: {  	[sflag:s14] =	ssyncset.done $0x0  }
0xc2: {  	[sflag:s14] =	ssyncadd.s32 $0xFFFFCF00  }
0xc3: {  	_ =	swait.ge [sflag:s15], $0x3100  }
0xc4: {  	[sflag:s15] =	ssyncset.done $0x0  }
0xc5: {  	s19 =	rddreg [dreg:$0xf];
	[sflag:s15] =	ssyncadd.s32 $0xFFFFCF00  }
0xc6: {  	[tilespmem:s4], [sflag:$0x1] =	stream.linear.gather [hbm4b:s19+s4], $0x3100, $0x38;
	[tilespmem:$0x1A060] =	vst v63  }
0xc7: {  	s20 =	rddreg [dreg:$0x10]  }
0xc8: {  	[tilespmem:s31], [sflag:$0x1] =	stream.linear.gather [hbm4b:s20+s4], $0x3100, $0x38;
	[tilespmem:$0x1A060] =	vst v63  }
0xc9: {  	_ = 	snop  }
0xca: {  	[spmem:s3] =	stream.indirect.scatter.add.f32 [tilespmem:s12], [sflag:$0x6], $0x1, s0, s1, $0xb8;
	[tilespmem:$0x1A060] =	vst v63  }
0xcb: {  	_ =	swait.ge [sflag:s8], $0x3100  }
0xcc: {  	[sflag:s8] =	ssyncset.done $0x0  }
0xcd: {  	[sflag:s8] =	ssyncadd.s32 $0xFFFFCF00  }
0xce: {  	_ =	swait.ge [sflag:s8], $0x3100  }
0xcf: {  	[sflag:s8] =	ssyncset.done $0x0  }
0xd0: {  	[sflag:s8] =	ssyncadd.s32 $0xFFFFCF00  }
0xd1: {  	[tilespmem:s9], [sflag:$0x3] =	stream.indirect.gather [spmem:s2], $0x1, s4, s1, $0xb8;
	[tilespmem:$0x1A060] =	vst v63  }
0xd2: {  	_ =	swait.ge [sflag:s10], $0x3100  }
0xd3: {  	[sflag:s10] =	ssyncset.done $0x0  }
0xd4: {  	[sflag:s10] =	ssyncadd.s32 $0xFFFFCF00  }
0xd5: {  	_ =	swait.ge [sflag:s16], $0x3100  }
0xd6: {  	[sflag:s16] =	ssyncset.done $0x0  }
0xd7: {  	s21 =	rddreg [dreg:$0x11];
	[sflag:s16] =	ssyncadd.s32 $0xFFFFCF00  }
0xd8: {  	[tilespmem:s1], [sflag:$0x2] =	stream.linear.gather [hbm4b:s21+s4], $0x3100, $0x38;
	[tilespmem:$0x1A060] =	vst v63  }
0xd9: {  	s19 =	rddreg [dreg:$0x12]  }
0xda: {  	[tilespmem:s0], [sflag:$0x2] =	stream.linear.gather [hbm4b:s19+s4], $0x3100, $0x38;
	[tilespmem:$0x1A060] =	vst v63  }
0xdb: {  	_ = 	snop  }
0xdc: {  	[spmem:s3] =	stream.indirect.scatter.add.f32 [tilespmem:s9], [sflag:$0x5], $0x1, s31, s1, $0xb8;
	[tilespmem:$0x1A060] =	vst v63  }
0xdd: {  	_ =	swait.ge [sflag:s11], $0x3100  }
0xde: {  	[sflag:s11] =	ssyncset.done $0x0  }
0xdf: {  	[sflag:s11] =	ssyncadd.s32 $0xFFFFCF00  }
0xe0: {  	_ =	swait.ge [sflag:s11], $0x3100  }
0xe1: {  	[sflag:s11] =	ssyncset.done $0x0  }
0xe2: {  	[sflag:s11] =	ssyncadd.s32 $0xFFFFCF00  }
0xe3: {  	[tilespmem:s12], [sflag:$0x4] =	stream.indirect.gather [spmem:s2], $0x1, s1, s1, $0xb8;
	[tilespmem:$0x1A060] =	vst v63  }
0xe4: {  	_ =	swait.ge [sflag:s14], $0x3100  }
0xe5: {  	[sflag:s14] =	ssyncset.done $0x0  }
0xe6: {  	[sflag:s14] =	ssyncadd.s32 $0xFFFFCF00  }
0xe7: {  	_ =	swait.ge [sflag:s15], $0x3100  }
0xe8: {  	[sflag:s15] =	ssyncset.done $0x0  }
0xe9: {  	s20 =	rddreg [dreg:$0x13];
	[sflag:s15] =	ssyncadd.s32 $0xFFFFCF00  }
0xea: {  	[tilespmem:s4], [sflag:$0x1] =	stream.linear.gather [hbm4b:s20+s4], $0x3100, $0x38;
	[tilespmem:$0x1A060] =	vst v63  }
0xeb: {  	s21 =	rddreg [dreg:$0x14]  }
0xec: {  	[tilespmem:s31], [sflag:$0x1] =	stream.linear.gather [hbm4b:s21+s4], $0x3100, $0x38;
	[tilespmem:$0x1A060] =	vst v63  }
0xed: {  	_ = 	snop  }
0xee: {  	[spmem:s3] =	stream.indirect.scatter.add.f32 [tilespmem:s12], [sflag:$0x6], $0x1, s0, s1, $0xb8;
	[tilespmem:$0x1A060] =	vst v63  }
0xef: {  	_ =	swait.ge [sflag:s8], $0x3100  }
0xf0: {  	[sflag:s8] =	ssyncset.done $0x0  }
0xf1: {  	[sflag:s8] =	ssyncadd.s32 $0xFFFFCF00  }
0xf2: {  	_ =	swait.ge [sflag:s8], $0x3100  }
0xf3: {  	[sflag:s8] =	ssyncset.done $0x0  }
0xf4: {  	[sflag:s8] =	ssyncadd.s32 $0xFFFFCF00  }
0xf5: {  	[tilespmem:s9], [sflag:$0x3] =	stream.indirect.gather [spmem:s2], $0x1, s4, s1, $0xb8;
	[tilespmem:$0x1A060] =	vst v63  }
0xf6: {  	_ =	swait.ge [sflag:s10], $0x3100  }
0xf7: {  	[sflag:s10] =	ssyncset.done $0x0  }
0xf8: {  	[sflag:s10] =	ssyncadd.s32 $0xFFFFCF00  }
0xf9: {  	_ =	swait.ge [sflag:s16], $0x3100  }
0xfa: {  	[sflag:s16] =	ssyncset.done $0x0  }
0xfb: {  	[sflag:s16] =	ssyncadd.s32 $0xFFFFCF00  }
0xfc: {  	[tilespmem:s1], [sflag:$0x2] =	stream.linear.gather [hbm4b:s22+s4], $0x3100, $0x38;
	[tilespmem:$0x1A060] =	vst v63  }
0xfd: {  	_ = 	snop  }
0xfe: {  	[tilespmem:s0], [sflag:$0x2] =	stream.linear.gather [hbm4b:s23+s4], $0x3100, $0x38;
	[tilespmem:$0x1A060] =	vst v63  }
0xff: {  	_ = 	snop  }
0x100: {  	[spmem:s3] =	stream.indirect.scatter.add.f32 [tilespmem:s9], [sflag:$0x5], $0x1, s31, s1, $0xb8;
	[tilespmem:$0x1A060] =	vst v63  }
0x101: {  	_ =	swait.ge [sflag:s11], $0x3100  }
0x102: {  	[sflag:s11] =	ssyncset.done $0x0  }
0x103: {  	[sflag:s11] =	ssyncadd.s32 $0xFFFFCF00  }
0x104: {  	_ =	swait.ge [sflag:s11], $0x3100  }
0x105: {  	[sflag:s11] =	ssyncset.done $0x0  }
0x106: {  	[sflag:s11] =	ssyncadd.s32 $0xFFFFCF00  }
0x107: {  	[tilespmem:s12], [sflag:$0x4] =	stream.indirect.gather [spmem:s2], $0x1, s1, s1, $0xb8;
	[tilespmem:$0x1A060] =	vst v63  }
0x108: {  	_ =	swait.ge [sflag:s14], $0x3100  }
0x109: {  	[sflag:s14] =	ssyncset.done $0x0  }
0x10a: {  	[sflag:s14] =	ssyncadd.s32 $0xFFFFCF00  }
0x10b: {  	_ =	swait.ge [sflag:s15], $0x3100  }
0x10c: {  	[sflag:s15] =	ssyncset.done $0x0  }
0x10d: {  	[sflag:s15] =	ssyncadd.s32 $0xFFFFCF00  }
0x10e: {  	[tilespmem:s4], [sflag:$0x1] =	stream.linear.gather [hbm4b:s24+s4], $0x3100, $0x38;
	[tilespmem:$0x1A060] =	vst v63  }
0x10f: {  	_ = 	snop  }
0x110: {  	[tilespmem:s31], [sflag:$0x1] =	stream.linear.gather [hbm4b:s25+s4], $0x3100, $0x38;
	[tilespmem:$0x1A060] =	vst v63  }
0x111: {  	_ = 	snop  }
0x112: {  	[spmem:s3] =	stream.indirect.scatter.add.f32 [tilespmem:s12], [sflag:$0x6], $0x1, s0, s1, $0xb8;
	[tilespmem:$0x1A060] =	vst v63  }
0x113: {  	_ =	swait.ge [sflag:s8], $0x3100  }
0x114: {  	[sflag:s8] =	ssyncset.done $0x0  }
0x115: {  	[sflag:s8] =	ssyncadd.s32 $0xFFFFCF00  }
0x116: {  	_ =	swait.ge [sflag:s8], $0x3100  }
0x117: {  	[sflag:s8] =	ssyncset.done $0x0  }
0x118: {  	[sflag:s8] =	ssyncadd.s32 $0xFFFFCF00  }
0x119: {  	[tilespmem:s9], [sflag:$0x3] =	stream.indirect.gather [spmem:s2], $0x1, s4, s1, $0xb8;
	[tilespmem:$0x1A060] =	vst v63  }
0x11a: {  	_ =	swait.ge [sflag:s10], $0x3100  }
0x11b: {  	[sflag:s10] =	ssyncset.done $0x0  }
0x11c: {  	[sflag:s10] =	ssyncadd.s32 $0xFFFFCF00  }
0x11d: {  	_ =	swait.ge [sflag:s16], $0x3100  }
0x11e: {  	[sflag:s16] =	ssyncset.done $0x0  }
0x11f: {  	[sflag:s16] =	ssyncadd.s32 $0xFFFFCF00  }
0x120: {  	[tilespmem:s1], [sflag:$0x2] =	stream.linear.gather [hbm4b:s26+s4], $0x3100, $0x38;
	[tilespmem:$0x1A060] =	vst v63  }
0x121: {  	_ = 	snop  }
0x122: {  	[tilespmem:s0], [sflag:$0x2] =	stream.linear.gather [hbm4b:s28+s4], $0x3100, $0x38;
	[tilespmem:$0x1A060] =	vst v63  }
0x123: {  	_ = 	snop  }
0x124: {  	[spmem:s3] =	stream.indirect.scatter.add.f32 [tilespmem:s9], [sflag:$0x5], $0x1, s31, s1, $0xb8;
	[tilespmem:$0x1A060] =	vst v63  }
0x125: {  	_ =	swait.ge [sflag:s11], $0x3100  }
0x126: {  	[sflag:s11] =	ssyncset.done $0x0  }
0x127: {  	[sflag:s11] =	ssyncadd.s32 $0xFFFFCF00  }
0x128: {  	_ =	swait.ge [sflag:s11], $0x3100  }
0x129: {  	[sflag:s11] =	ssyncset.done $0x0  }
0x12a: {  	[sflag:s11] =	ssyncadd.s32 $0xFFFFCF00  }
0x12b: {  	[tilespmem:s12], [sflag:$0x4] =	stream.indirect.gather [spmem:s2], $0x1, s1, s1, $0xb8;
	[tilespmem:$0x1A060] =	vst v63  }
0x12c: {  	_ =	swait.ge [sflag:s14], $0x3100  }
0x12d: {  	[sflag:s14] =	ssyncset.done $0x0  }
0x12e: {  	[sflag:s14] =	ssyncadd.s32 $0xFFFFCF00  }
0x12f: {  	[spmem:s3] =	stream.indirect.scatter.add.f32 [tilespmem:s12], [sflag:$0x6], $0x1, s0, s1, $0xb8;
	[tilespmem:$0x1A060] =	vst v63  }
0x130: {  	_ =	swait.ge [sflag:s15], $0x3100  }
0x131: {  	[sflag:s15] =	ssyncset.done $0x0  }
0x132: {  	[sflag:s15] =	ssyncadd.s32 $0xFFFFCF00  }
0x133: {  	_ =	swait.ge [sflag:s16], $0x3100  }
0x134: {  	[sflag:s16] =	ssyncset.done $0x0  }
0x135: {  	[sflag:s16] =	ssyncadd.s32 $0xFFFFCF00  }
0x136: {  	[bflag:$0x0] =	sbarrier.arrive $0xFFFF  }
0x137: {  	[tilespmem:s6], [sflag:$0x7] =	stream.linear.gather [spmem:s13], $0x1870, $0x38;
	[tilespmem:$0x1A060] =	vst v63  }
0x138: {  	s17 =	sadd.s32 $0x1, s17;
	_ =	swait.ge [sflag:s5], $0x1870  }
0x139: {  	p1 =	sne.s32 s17, s30;
	[sflag:s5] =	ssyncset.done $0x0  }
.Ltmp1:
0x13a: {  	[sflag:s5] =	ssyncadd.s32 $0xFFFFE790;
	(pc) =	sbr.rel @p1 .LBB2_1-.Ltmp1, $4  }
0x13b: {  	[hbm4b:s29+s4] =	stream.linear.scatter [tilespmem:s6], [sflag:$0x7], $0x1870, $0x38;
	[tilespmem:$0x1A060] =	vst v63  }
0x13c: {  	_ =	swait.ge [sflag:s5], $0x1870  }
0x13d: {  	[sflag:s5] =	ssyncset.done $0x0  }
0x13e: {  	[sflag:s5] =	ssyncadd.s32 $0xFFFFE790  }
0x13f: {  	_ =	sfence.sel $0x180000  }
0x140: {  	[bflag:$0x0] =	sbarrier.arrive $0xFFFF  }
0x141: {  	_ =	strace $0x9000004A  }
0x142: {  	s0 =	stileid.u32;
	[bflag:$0x2] =	sbarrier.arrive $0xFFFF  }
0x143: {  	p0 =	sne.s32 s0, $0x0;
	s0 =	rddreg [dreg:$0x4]  }
0x144: {  	s0 =	sadd.s32 @!p0 $0x100000, s0  }
0x145: {  	[sflag:s0] =	ssyncadd.tile.s32 @!p0 $0x1;
	_ =	shalt  }
.Lfunc_end2:
_tile_overlayer_lowered:
.L_overlay_start_2:
0x146: {  	(tag) =	ssettag $0x2  }
0x147: {  	s0 =	rddreg [dreg:$0x0];
	s2 =	stileid.u32  }
0x148: {  	s1 =	rddreg [dreg:$0x1];
	p0 =	sne.s32 s2, $0x0  }
0x149: {  	s3 =	rddreg [dreg:$0x2];
	[bflag:$0x3] =	sbarrier.arrive $0xFFFF;
	s2 =	simm.s32 @!p0 $0x1C07  }
0x14a: {  	[timem:s3], [sflag:s2] =	dma.local @!p0 [hbm:s0], s1  }
0x14b: {  	s0 =	simm.s32 @!p0 $0x7  }
0x14c: {  	_ =	swait.ge @!p0 [sflag:s0], s1  }
0x14d: {  	s1 =	ssub.s32 @!p0 $0x0, s1;
	[sflag:s0] =	ssyncset.done @!p0 $0x0  }
0x14e: {  	[sflag:s0] =	ssyncadd.s32 @!p0 s1  }
0x14f: {  	[bflag:$0x3] =	sbarrier.arrive $0xFFFF  }
0x150: {  	_ =	shalt  }

</sc_bundles>
